<compile_context>
chip_gen: v7x
topology: tpu7x:2x2x1
jax: 0.10.2.dev20260603
libtpu: 0.0.44.dev20260713+nightly
codegen_flags: <defaults>
</compile_context>

<pallas_src>
import functools

import jax
import jax.numpy as jnp
from jax import lax
from jax.experimental import pallas as pl
from jax.experimental.pallas import tpu as pltpu
from jax.experimental.pallas import tpu_sc as plsc

_NC = 2
_NS = 16
_NW = _NC * _NS
_C = 128
_NBUF = 4
_L = 16


def _make_transpose(rows16):
    diag = [jnp.bitwise_and(rows16 + k, _L - 1) for k in range(_L)]

    def transpose(s, t, nr, nc):
        ncb = nc // _L
        shift = ncb.bit_length() - 1

        @plsc.parallel_loop(0, (nr // _L) * ncb)
        def _(g):
            rb = lax.shift_right_logical(g, shift)
            cb = lax.bitwise_and(g, ncb - 1)
            rbase = rb * _L + rows16
            cbase = cb * _L
            for k in range(_L):
                dk = cbase + diag[k]
                vals = plsc.load_gather(s, [rbase, dk])
                plsc.store_scatter(t, [dk, rbase], vals)

    return transpose


@jax.jit
def _sc_transpose(tableT, tail):
    d, v = tableT.shape
    slabs = v // _C
    rem = v - slabs * _C
    n_visits = -(-slabs // _NW)
    mesh = plsc.VectorSubcoreMesh(core_axis_name="c", subcore_axis_name="s")

    scratch = (
        [pltpu.VMEM((d, _C), jnp.float32) for _ in range(2)]
        + [pltpu.VMEM((_C, _C), jnp.float32) for _ in range(2)]
        + [pltpu.VMEM((d, rem), jnp.float32)]
        + [pltpu.SemaphoreType.DMA for _ in range(4)]
    )

    @functools.partial(
        pl.kernel,
        mesh=mesh,
        out_type=jax.ShapeDtypeStruct((v, _C), jnp.float32),
        scratch_types=scratch,
        compiler_params=pltpu.CompilerParams(
            use_tc_tiling_on_sc=True, needs_layout_passes=False),
    )
    def k(tableT_hbm, tail_hbm, out_hbm, src0, src1, dst0, dst1, tailv,
          in0, in1, out0, out1):
        src = (src0, src1)
        dst = (dst0, dst1)
        in_sem = (in0, in1)
        out_sem = (out0, out1)
        wid = lax.axis_index("s") * _NC + lax.axis_index("c")
        rows16 = lax.iota(jnp.int32, _L)
        transpose = _make_transpose(rows16)

        def c_eff(kv):
            c = wid + kv * _NW
            return jnp.where(c < slabs, c, 0)

        def start_in(kv, b):
            pltpu.async_copy(
                tableT_hbm.at[:, pl.ds(c_eff(kv) * _C, _C)], src[b], in_sem[b])

        def wait_in(b):
            pltpu.make_async_copy(
                tableT_hbm.at[:, pl.ds(0, _C)], src[b], in_sem[b]).wait()

        def start_out(kv, b):
            pltpu.async_copy(
                dst[b], out_hbm.at[pl.ds(c_eff(kv) * _C, _C)], out_sem[b])

        def wait_out(b):
            pltpu.make_async_copy(
                dst[b], out_hbm.at[pl.ds(0, _C)], out_sem[b]).wait()

        start_in(0, 0)
        start_in(1, 1)
        start_out(0, 0)
        start_out(1, 1)

        def visit(kv, b):
            wait_in(b)
            wait_out(b)
            transpose(src[b], dst[b], d, _C)
            start_out(kv, b)
            start_in(kv + 2, b)

        def body(g, carry):
            visit(2 * g, 0)
            visit(2 * g + 1, 1)
            return carry

        lax.fori_loop(0, n_visits // 2, body, 0)

        kv = n_visits - 1
        wait_in(0)
        wait_out(0)
        transpose(src[0], dst[0], d, _C)
        start_out(kv, 0)
        wait_in(1)
        wait_out(1)
        wait_out(0)

        @pl.when(wid == 0)
        def _():
            pltpu.sync_copy(tail_hbm, tailv)
            transpose(tailv, dst0, d, rem)
            pltpu.sync_copy(dst0.at[pl.ds(0, rem), :],
                            out_hbm.at[pl.ds(slabs * _C, rem)])

    return k(tableT, tail)


@functools.partial(jax.jit, static_argnums=(2, 3))
def _sc_gather(ids4, tableP, n_chunks, batch):
    d = 64
    mesh = plsc.VectorSubcoreMesh(core_axis_name="c", subcore_axis_name="s")

    scratch = (
        [pltpu.VMEM((n_chunks, _C), jnp.int32)]
        + [pltpu.VMEM((_C, _C), jnp.float32) for _ in range(_NBUF)]
        + [pltpu.VMEM((1, d, _C), jnp.float32) for _ in range(2)]
        + [pltpu.SemaphoreType.DMA for _ in range(_NBUF + 2)]
    )

    @functools.partial(
        pl.kernel,
        mesh=mesh,
        out_type=jax.ShapeDtypeStruct((n_chunks, d, batch), jnp.float32),
        scratch_types=scratch,
        compiler_params=pltpu.CompilerParams(
            use_tc_tiling_on_sc=True, needs_layout_passes=False),
    )
    def k(ids_hbm, table_hbm, out_hbm, idx_v, *rest):
        gbuf = rest[:_NBUF]
        tbuf = rest[_NBUF:_NBUF + 2]
        in_sem = rest[_NBUF + 2:2 * _NBUF + 2]
        out_sem = rest[2 * _NBUF + 2:]
        wid = lax.axis_index("s") * _NC + lax.axis_index("c")
        b0 = wid * _C
        rows16 = lax.iota(jnp.int32, _L)
        transpose = _make_transpose(rows16)
        pltpu.sync_copy(ids_hbm.at[wid], idx_v)

        def start_gather(jn, b):
            pltpu.async_copy(table_hbm.at[idx_v.at[jn]], gbuf[b], in_sem[b])

        def wait_gather(b):
            pltpu.make_async_copy(
                table_hbm.at[idx_v.at[0]], gbuf[b], in_sem[b]).wait()

        def start_out(j, tb):
            pltpu.async_copy(
                tbuf[tb], out_hbm.at[pl.ds(j, 1), :, pl.ds(b0, _C)],
                out_sem[tb])

        def wait_out(tb):
            pltpu.make_async_copy(
                tbuf[tb], out_hbm.at[pl.ds(0, 1), :, pl.ds(0, _C)],
                out_sem[tb]).wait()

        for b in range(_NBUF - 1):
            start_gather(b, b)
        start_out(0, 0)
        start_out(1, 1)

        def visit(j, b, arm):
            b1 = (b - 1) % _NBUF
            tb = b % 2
            if arm:
                start_gather(j + _NBUF - 1, b1)
            wait_out(tb)
            wait_gather(b)
            transpose(gbuf[b], tbuf[tb].at[0], _C, d)
            start_out(j, tb)

        def body(g, carry):
            for b in range(_NBUF):
                visit(g * _NBUF + b, b, True)
            return carry

        lax.fori_loop(0, n_chunks // _NBUF - 1, body, 0)

        g0 = n_chunks - _NBUF
        for b in range(_NBUF):
            visit(g0 + b, b, b == 0)
        wait_out(0)
        wait_out(1)

    return k(ids4, tableP)


def kernel(input_ids, table):
    bsz, l = input_ids.shape
    v, d = table.shape
    assert bsz == _NW * _C and l % _NBUF == 0 and d == 64
    tableT = table.T
    rem = v % _C
    tail = tableT[:, v - rem:]
    tableP = _sc_transpose(tableT, tail)
    ids4 = input_ids.reshape(_NW, _C, l).transpose(0, 2, 1)
    outN = _sc_gather(ids4, tableP, l, bsz)
    return outN.transpose(2, 0, 1)

# --- scband reference (transcript-rebuilt; emitter-appended) ---
"""Pipeline reference for scband-dummy-model-52690658787382 (READ-ONLY COPY).

The authoritative reference and input builder live on the scoring server;
editing this copy changes nothing except your own understanding.
"""

import jax, jax.numpy as jnp
import numpy as np

VOCAB = 1000000
EMBED = 64
B = 4096
L = 200


def setup_inputs(seed: int = 0) -> dict:
    key = jax.random.key(seed)
    k_table, k_ids = jax.random.split(key)
    # Learned embedding table, initialized like nn.init.normal_(std=0.02).
    # The _DynamicEmbedding grows its table to cover max(input_ids)+1; here we
    # materialize the fully-grown table of size VOCAB directly, which is the
    # steady-state equivalent of the dynamic-growth logic.
    table = (jax.random.normal(k_table, (VOCAB, EMBED), dtype=jnp.float32) * 0.02)
    input_ids = jax.random.randint(k_ids, (B, L), 0, VOCAB, dtype=jnp.int32)
    return {"input_ids": input_ids, "table": table}


def reference(input_ids, table):
    # Faithful translation of _DynamicEmbedding.forward: a plain embedding
    # gather (capacity check is a no-op since indices < num_embeddings).
    return jnp.take(table, input_ids, axis=0)

if __name__ == "__main__":
    import jax
    _d = setup_inputs()
    print(jax.jit(kernel)(*tuple(_d.values())))

</pallas_src>

<mosaic_0001>
#map = affine_map<(d0, d1) -> (0, 0)>
module attributes {stable_mosaic.version = 14 : i64} {
  func.func @k(%arg0: i32, %arg1: i32, %arg2: memref<64x1000000xf32, #tpu.memory_space<hbm>>, %arg3: memref<64x64xf32, #tpu.memory_space<hbm>>, %arg4: memref<1000000x128xf32, #tpu.memory_space<hbm>>, %arg5: memref<64x128xf32, #tpu.memory_space<vmem>>, %arg6: memref<64x128xf32, #tpu.memory_space<vmem>>, %arg7: memref<128x128xf32, #tpu.memory_space<vmem>>, %arg8: memref<128x128xf32, #tpu.memory_space<vmem>>, %arg9: memref<64x64xf32, #tpu.memory_space<vmem>>, %arg10: memref<!tpu.dma_semaphore, #tpu.memory_space<semaphore_mem>>, %arg11: memref<!tpu.dma_semaphore, #tpu.memory_space<semaphore_mem>>, %arg12: memref<!tpu.dma_semaphore, #tpu.memory_space<semaphore_mem>>, %arg13: memref<!tpu.dma_semaphore, #tpu.memory_space<semaphore_mem>>) attributes {dimension_semantics = [#tpu.dimension_semantics<core_parallel>, #tpu.dimension_semantics<subcore_parallel>], iteration_bounds = array<i64: 2, 16>, scalar_prefetch = 0 : i64, scratch_operands = 9 : i64, tpu.core_type = #tpu.core_type<sc_vector_subcore>, window_params = [{transform_indices = #map}, {transform_indices = #map}, {transform_indices = #map}]} {
    %mul3A = arith.constant 2 : i32
    %mul3A_0 = arith.muli %arg1, %mul3A : i32
    %add3A = arith.addi %mul3A_0, %arg0 : i32
    %iota3A = tpu.iota {dimensions = array<i32: 0>} : vector<16xi32>
    %add3A_1 = arith.constant 0 : i32
    %add3A_2 = vector.broadcast %add3A_1 : i32 to vector<16xi32>
    %add3A_3 = arith.addi %iota3A, %add3A_2 : vector<16xi32>
    %and3A = arith.constant 15 : i32
    %and3A_4 = vector.broadcast %and3A : i32 to vector<16xi32>
    %and3A_5 = arith.andi %add3A_3, %and3A_4 : vector<16xi32>
    %add3A_6 = arith.constant 1 : i32
    %add3A_7 = vector.broadcast %add3A_6 : i32 to vector<16xi32>
    %add3A_8 = arith.addi %iota3A, %add3A_7 : vector<16xi32>
    %and3A_9 = arith.constant 15 : i32
    %and3A_10 = vector.broadcast %and3A_9 : i32 to vector<16xi32>
    %and3A_11 = arith.andi %add3A_8, %and3A_10 : vector<16xi32>
    %add3A_12 = arith.constant 2 : i32
    %add3A_13 = vector.broadcast %add3A_12 : i32 to vector<16xi32>
    %add3A_14 = arith.addi %iota3A, %add3A_13 : vector<16xi32>
    %and3A_15 = arith.constant 15 : i32
    %and3A_16 = vector.broadcast %and3A_15 : i32 to vector<16xi32>
    %and3A_17 = arith.andi %add3A_14, %and3A_16 : vector<16xi32>
    %add3A_18 = arith.constant 3 : i32
    %add3A_19 = vector.broadcast %add3A_18 : i32 to vector<16xi32>
    %add3A_20 = arith.addi %iota3A, %add3A_19 : vector<16xi32>
    %and3A_21 = arith.constant 15 : i32
    %and3A_22 = vector.broadcast %and3A_21 : i32 to vector<16xi32>
    %and3A_23 = arith.andi %add3A_20, %and3A_22 : vector<16xi32>
    %add3A_24 = arith.constant 4 : i32
    %add3A_25 = vector.broadcast %add3A_24 : i32 to vector<16xi32>
    %add3A_26 = arith.addi %iota3A, %add3A_25 : vector<16xi32>
    %and3A_27 = arith.constant 15 : i32
    %and3A_28 = vector.broadcast %and3A_27 : i32 to vector<16xi32>
    %and3A_29 = arith.andi %add3A_26, %and3A_28 : vector<16xi32>
    %add3A_30 = arith.constant 5 : i32
    %add3A_31 = vector.broadcast %add3A_30 : i32 to vector<16xi32>
    %add3A_32 = arith.addi %iota3A, %add3A_31 : vector<16xi32>
    %and3A_33 = arith.constant 15 : i32
    %and3A_34 = vector.broadcast %and3A_33 : i32 to vector<16xi32>
    %and3A_35 = arith.andi %add3A_32, %and3A_34 : vector<16xi32>
    %add3A_36 = arith.constant 6 : i32
    %add3A_37 = vector.broadcast %add3A_36 : i32 to vector<16xi32>
    %add3A_38 = arith.addi %iota3A, %add3A_37 : vector<16xi32>
    %and3A_39 = arith.constant 15 : i32
    %and3A_40 = vector.broadcast %and3A_39 : i32 to vector<16xi32>
    %and3A_41 = arith.andi %add3A_38, %and3A_40 : vector<16xi32>
    %add3A_42 = arith.constant 7 : i32
    %add3A_43 = vector.broadcast %add3A_42 : i32 to vector<16xi32>
    %add3A_44 = arith.addi %iota3A, %add3A_43 : vector<16xi32>
    %and3A_45 = arith.constant 15 : i32
    %and3A_46 = vector.broadcast %and3A_45 : i32 to vector<16xi32>
    %and3A_47 = arith.andi %add3A_44, %and3A_46 : vector<16xi32>
    %add3A_48 = arith.constant 8 : i32
    %add3A_49 = vector.broadcast %add3A_48 : i32 to vector<16xi32>
    %add3A_50 = arith.addi %iota3A, %add3A_49 : vector<16xi32>
    %and3A_51 = arith.constant 15 : i32
    %and3A_52 = vector.broadcast %and3A_51 : i32 to vector<16xi32>
    %and3A_53 = arith.andi %add3A_50, %and3A_52 : vector<16xi32>
    %add3A_54 = arith.constant 9 : i32
    %add3A_55 = vector.broadcast %add3A_54 : i32 to vector<16xi32>
    %add3A_56 = arith.addi %iota3A, %add3A_55 : vector<16xi32>
    %and3A_57 = arith.constant 15 : i32
    %and3A_58 = vector.broadcast %and3A_57 : i32 to vector<16xi32>
    %and3A_59 = arith.andi %add3A_56, %and3A_58 : vector<16xi32>
    %add3A_60 = arith.constant 10 : i32
    %add3A_61 = vector.broadcast %add3A_60 : i32 to vector<16xi32>
    %add3A_62 = arith.addi %iota3A, %add3A_61 : vector<16xi32>
    %and3A_63 = arith.constant 15 : i32
    %and3A_64 = vector.broadcast %and3A_63 : i32 to vector<16xi32>
    %and3A_65 = arith.andi %add3A_62, %and3A_64 : vector<16xi32>
    %add3A_66 = arith.constant 11 : i32
    %add3A_67 = vector.broadcast %add3A_66 : i32 to vector<16xi32>
    %add3A_68 = arith.addi %iota3A, %add3A_67 : vector<16xi32>
    %and3A_69 = arith.constant 15 : i32
    %and3A_70 = vector.broadcast %and3A_69 : i32 to vector<16xi32>
    %and3A_71 = arith.andi %add3A_68, %and3A_70 : vector<16xi32>
    %add3A_72 = arith.constant 12 : i32
    %add3A_73 = vector.broadcast %add3A_72 : i32 to vector<16xi32>
    %add3A_74 = arith.addi %iota3A, %add3A_73 : vector<16xi32>
    %and3A_75 = arith.constant 15 : i32
    %and3A_76 = vector.broadcast %and3A_75 : i32 to vector<16xi32>
    %and3A_77 = arith.andi %add3A_74, %and3A_76 : vector<16xi32>
    %add3A_78 = arith.constant 13 : i32
    %add3A_79 = vector.broadcast %add3A_78 : i32 to vector<16xi32>
    %add3A_80 = arith.addi %iota3A, %add3A_79 : vector<16xi32>
    %and3A_81 = arith.constant 15 : i32
    %and3A_82 = vector.broadcast %and3A_81 : i32 to vector<16xi32>
    %and3A_83 = arith.andi %add3A_80, %and3A_82 : vector<16xi32>
    %add3A_84 = arith.constant 14 : i32
    %add3A_85 = vector.broadcast %add3A_84 : i32 to vector<16xi32>
    %add3A_86 = arith.addi %iota3A, %add3A_85 : vector<16xi32>
    %and3A_87 = arith.constant 15 : i32
    %and3A_88 = vector.broadcast %and3A_87 : i32 to vector<16xi32>
    %and3A_89 = arith.andi %add3A_86, %and3A_88 : vector<16xi32>
    %add3A_90 = arith.constant 15 : i32
    %add3A_91 = vector.broadcast %add3A_90 : i32 to vector<16xi32>
    %add3A_92 = arith.addi %iota3A, %add3A_91 : vector<16xi32>
    %and3A_93 = arith.constant 15 : i32
    %and3A_94 = vector.broadcast %and3A_93 : i32 to vector<16xi32>
    %and3A_95 = arith.andi %add3A_92, %and3A_94 : vector<16xi32>
    %add3A_96 = arith.constant 0 : i32
    %add3A_97 = arith.addi %add3A, %add3A_96 : i32
    %lt3A = arith.constant 7812 : i32
    %lt3A_98 = arith.cmpi slt, %add3A_97, %lt3A : i32
    %jit3A = arith.constant 0 : i32
    %select_n3A = arith.select %lt3A_98, %add3A_97, %jit3A : i32
    %mul3A_99 = arith.constant 128 : i32
    %mul3A_100 = arith.muli %select_n3A, %mul3A_99 : i32
    %dma_start3A = arith.constant 0 : i32
    %dma_start3A_101 = tpu.memref_slice %arg2[%dma_start3A, %mul3A_100] : memref<64x1000000xf32, #tpu.memory_space<hbm>> -> memref<64x128xf32, #tpu.memory_space<hbm>>
    %dma_start3A_102 = arith.constant 0 : i32
    %dma_start3A_103 = tpu.memref_slice %arg2[%dma_start3A_102, %mul3A_100] : memref<64x1000000xf32, #tpu.memory_space<hbm>> -> memref<64x128xf32, #tpu.memory_space<hbm>>
    tpu.enqueue_dma source(%dma_start3A_103 : memref<64x128xf32, #tpu.memory_space<hbm>>) target(%arg5 : memref<64x128xf32, #tpu.memory_space<vmem>>) target_semaphore(%arg10 : memref<!tpu.dma_semaphore, #tpu.memory_space<semaphore_mem>>)
    %add3A_104 = arith.constant 32 : i32
    %add3A_105 = arith.addi %add3A, %add3A_104 : i32
    %lt3A_106 = arith.constant 7812 : i32
    %lt3A_107 = arith.cmpi slt, %add3A_105, %lt3A_106 : i32
    %jit3A_108 = arith.constant 0 : i32
    %select_n3A_109 = arith.select %lt3A_107, %add3A_105, %jit3A_108 : i32
    %mul3A_110 = arith.constant 128 : i32
    %mul3A_111 = arith.muli %select_n3A_109, %mul3A_110 : i32
    %dma_start3A_112 = arith.constant 0 : i32
    %dma_start3A_113 = tpu.memref_slice %arg2[%dma_start3A_112, %mul3A_111] : memref<64x1000000xf32, #tpu.memory_space<hbm>> -> memref<64x128xf32, #tpu.memory_space<hbm>>
    %dma_start3A_114 = arith.constant 0 : i32
    %dma_start3A_115 = tpu.memref_slice %arg2[%dma_start3A_114, %mul3A_111] : memref<64x1000000xf32, #tpu.memory_space<hbm>> -> memref<64x128xf32, #tpu.memory_space<hbm>>
    tpu.enqueue_dma source(%dma_start3A_115 : memref<64x128xf32, #tpu.memory_space<hbm>>) target(%arg6 : memref<64x128xf32, #tpu.memory_space<vmem>>) target_semaphore(%arg11 : memref<!tpu.dma_semaphore, #tpu.memory_space<semaphore_mem>>)
    %add3A_116 = arith.constant 0 : i32
    %add3A_117 = arith.addi %add3A, %add3A_116 : i32
    %lt3A_118 = arith.constant 7812 : i32
    %lt3A_119 = arith.cmpi slt, %add3A_117, %lt3A_118 : i32
    %jit3A_120 = arith.constant 0 : i32
    %select_n3A_121 = arith.select %lt3A_119, %add3A_117, %jit3A_120 : i32
    %mul3A_122 = arith.constant 128 : i32
    %mul3A_123 = arith.muli %select_n3A_121, %mul3A_122 : i32
    %dma_start3A_124 = arith.constant 0 : i32
    %dma_start3A_125 = tpu.memref_slice %arg4[%mul3A_123, %dma_start3A_124] : memref<1000000x128xf32, #tpu.memory_space<hbm>> -> memref<128x128xf32, #tpu.memory_space<hbm>>
    %dma_start3A_126 = arith.constant 0 : i32
    %dma_start3A_127 = tpu.memref_slice %arg4[%mul3A_123, %dma_start3A_126] : memref<1000000x128xf32, #tpu.memory_space<hbm>> -> memref<128x128xf32, #tpu.memory_space<hbm>>
    tpu.enqueue_dma source(%arg7 : memref<128x128xf32, #tpu.memory_space<vmem>>) target(%dma_start3A_127 : memref<128x128xf32, #tpu.memory_space<hbm>>) target_semaphore(%arg12 : memref<!tpu.dma_semaphore, #tpu.memory_space<semaphore_mem>>)
    %add3A_128 = arith.constant 32 : i32
    %add3A_129 = arith.addi %add3A, %add3A_128 : i32
    %lt3A_130 = arith.constant 7812 : i32
    %lt3A_131 = arith.cmpi slt, %add3A_129, %lt3A_130 : i32
    %jit3A_132 = arith.constant 0 : i32
    %select_n3A_133 = arith.select %lt3A_131, %add3A_129, %jit3A_132 : i32
    %mul3A_134 = arith.constant 128 : i32
    %mul3A_135 = arith.muli %select_n3A_133, %mul3A_134 : i32
    %dma_start3A_136 = arith.constant 0 : i32
    %dma_start3A_137 = tpu.memref_slice %arg4[%mul3A_135, %dma_start3A_136] : memref<1000000x128xf32, #tpu.memory_space<hbm>> -> memref<128x128xf32, #tpu.memory_space<hbm>>
    %dma_start3A_138 = arith.constant 0 : i32
    %dma_start3A_139 = tpu.memref_slice %arg4[%mul3A_135, %dma_start3A_138] : memref<1000000x128xf32, #tpu.memory_space<hbm>> -> memref<128x128xf32, #tpu.memory_space<hbm>>
    tpu.enqueue_dma source(%arg8 : memref<128x128xf32, #tpu.memory_space<vmem>>) target(%dma_start3A_139 : memref<128x128xf32, #tpu.memory_space<hbm>>) target_semaphore(%arg13 : memref<!tpu.dma_semaphore, #tpu.memory_space<semaphore_mem>>)
    %scan3A = arith.constant 0 : i32
    %scan3A_140 = arith.constant 0 : i32
    %scan3A_141 = arith.constant 122 : i32
    %scan3A_142 = arith.addi %scan3A_140, %scan3A_141 : i32
    %scan3A_143 = arith.constant 1 : i32
    scf.for %scan3A_190 = %scan3A_140 to %scan3A_142 step %scan3A_143  : i32 {
      %mul3A_191 = arith.constant 2 : i32
      %mul3A_192 = arith.muli %mul3A_191, %scan3A_190 : i32
      %dma_wait3A_193 = arith.constant 0 : i32
      %dma_wait3A_194 = arith.constant 0 : i32
      %dma_wait3A_195 = tpu.memref_slice %arg2[%dma_wait3A_193, %dma_wait3A_194] : memref<64x1000000xf32, #tpu.memory_space<hbm>> -> memref<64x128xf32, #tpu.memory_space<hbm>>
      %dma_wait3A_196 = arith.constant 0 : i32
      %dma_wait3A_197 = arith.constant 0 : i32
      %dma_wait3A_198 = tpu.memref_slice %arg2[%dma_wait3A_196, %dma_wait3A_197] : memref<64x1000000xf32, #tpu.memory_space<hbm>> -> memref<64x128xf32, #tpu.memory_space<hbm>>
      tpu.wait_dma2 semaphore(%arg10 : memref<!tpu.dma_semaphore, #tpu.memory_space<semaphore_mem>>) src(%dma_wait3A_198 : memref<64x128xf32, #tpu.memory_space<hbm>>) dst(%arg5 : memref<64x128xf32, #tpu.memory_space<vmem>>)
      %dma_wait3A_199 = arith.constant 0 : i32
      %dma_wait3A_200 = arith.constant 0 : i32
      %dma_wait3A_201 = tpu.memref_slice %arg4[%dma_wait3A_199, %dma_wait3A_200] : memref<1000000x128xf32, #tpu.memory_space<hbm>> -> memref<128x128xf32, #tpu.memory_space<hbm>>
      %dma_wait3A_202 = arith.constant 0 : i32
      %dma_wait3A_203 = arith.constant 0 : i32
      %dma_wait3A_204 = tpu.memref_slice %arg4[%dma_wait3A_202, %dma_wait3A_203] : memref<1000000x128xf32, #tpu.memory_space<hbm>> -> memref<128x128xf32, #tpu.memory_space<hbm>>
      tpu.wait_dma2 semaphore(%arg12 : memref<!tpu.dma_semaphore, #tpu.memory_space<semaphore_mem>>) src(%arg7 : memref<128x128xf32, #tpu.memory_space<vmem>>) dst(%dma_wait3A_204 : memref<128x128xf32, #tpu.memory_space<hbm>>)
      %parallel_loop3A_205 = arith.constant 0 : i32
      %parallel_loop3A_206 = arith.constant 32 : i32
      %parallel_loop3A_207 = arith.constant 1 : i32
      scf.for %parallel_loop3A_283 = %parallel_loop3A_205 to %parallel_loop3A_206 step %parallel_loop3A_207  : i32 {
        %parallel_loop3A_284 = arith.constant 3 : i32
        %parallel_loop3A_285 = arith.shrui %parallel_loop3A_283, %parallel_loop3A_284 : i32
        %parallel_loop3A_286 = arith.constant 7 : i32
        %parallel_loop3A_287 = arith.andi %parallel_loop3A_283, %parallel_loop3A_286 : i32
        %parallel_loop3A_288 = arith.constant 16 : i32
        %parallel_loop3A_289 = arith.muli %parallel_loop3A_285, %parallel_loop3A_288 : i32
        %parallel_loop3A_290 = vector.broadcast %parallel_loop3A_289 : i32 to vector<16xi32>
        %parallel_loop3A_291 = arith.addi %parallel_loop3A_290, %iota3A : vector<16xi32>
        %parallel_loop3A_292 = arith.constant 16 : i32
        %parallel_loop3A_293 = arith.muli %parallel_loop3A_287, %parallel_loop3A_292 : i32
        %parallel_loop3A_294 = vector.broadcast %parallel_loop3A_293 : i32 to vector<16xi32>
        %parallel_loop3A_295 = arith.addi %parallel_loop3A_294, %and3A_5 : vector<16xi32>
        %parallel_loop3A_296 = tpu.vector_load_idx %arg5[%parallel_loop3A_291, %parallel_loop3A_295] : memref<64x128xf32, #tpu.memory_space<vmem>>[vector<16xi32>, vector<16xi32>], vector<16xf32>,
        tpu.vector_store_idx %arg7[%parallel_loop3A_295, %parallel_loop3A_291], %parallel_loop3A_296 : memref<128x128xf32, #tpu.memory_space<vmem>>[vector<16xi32>, vector<16xi32>], vector<16xf32>,
        %parallel_loop3A_297 = vector.broadcast %parallel_loop3A_293 : i32 to vector<16xi32>
        %parallel_loop3A_298 = arith.addi %parallel_loop3A_297, %and3A_11 : vector<16xi32>
        %parallel_loop3A_299 = tpu.vector_load_idx %arg5[%parallel_loop3A_291, %parallel_loop3A_298] : memref<64x128xf32, #tpu.memory_space<vmem>>[vector<16xi32>, vector<16xi32>], vector<16xf32>,
        tpu.vector_store_idx %arg7[%parallel_loop3A_298, %parallel_loop3A_291], %parallel_loop3A_299 : memref<128x128xf32, #tpu.memory_space<vmem>>[vector<16xi32>, vector<16xi32>], vector<16xf32>,
        %parallel_loop3A_300 = vector.broadcast %parallel_loop3A_293 : i32 to vector<16xi32>
        %parallel_loop3A_301 = arith.addi %parallel_loop3A_300, %and3A_17 : vector<16xi32>
        %parallel_loop3A_302 = tpu.vector_load_idx %arg5[%parallel_loop3A_291, %parallel_loop3A_301] : memref<64x128xf32, #tpu.memory_space<vmem>>[vector<16xi32>, vector<16xi32>], vector<16xf32>,
        tpu.vector_store_idx %arg7[%parallel_loop3A_301, %parallel_loop3A_291], %parallel_loop3A_302 : memref<128x128xf32, #tpu.memory_space<vmem>>[vector<16xi32>, vector<16xi32>], vector<16xf32>,
        %parallel_loop3A_303 = vector.broadcast %parallel_loop3A_293 : i32 to vector<16xi32>
        %parallel_loop3A_304 = arith.addi %parallel_loop3A_303, %and3A_23 : vector<16xi32>
        %parallel_loop3A_305 = tpu.vector_load_idx %arg5[%parallel_loop3A_291, %parallel_loop3A_304] : memref<64x128xf32, #tpu.memory_space<vmem>>[vector<16xi32>, vector<16xi32>], vector<16xf32>,
        tpu.vector_store_idx %arg7[%parallel_loop3A_304, %parallel_loop3A_291], %parallel_loop3A_305 : memref<128x128xf32, #tpu.memory_space<vmem>>[vector<16xi32>, vector<16xi32>], vector<16xf32>,
        %parallel_loop3A_306 = vector.broadcast %parallel_loop3A_293 : i32 to vector<16xi32>
        %parallel_loop3A_307 = arith.addi %parallel_loop3A_306, %and3A_29 : vector<16xi32>
        %parallel_loop3A_308 = tpu.vector_load_idx %arg5[%parallel_loop3A_291, %parallel_loop3A_307] : memref<64x128xf32, #tpu.memory_space<vmem>>[vector<16xi32>, vector<16xi32>], vector<16xf32>,
        tpu.vector_store_idx %arg7[%parallel_loop3A_307, %parallel_loop3A_291], %parallel_loop3A_308 : memref<128x128xf32, #tpu.memory_space<vmem>>[vector<16xi32>, vector<16xi32>], vector<16xf32>,
        %parallel_loop3A_309 = vector.broadcast %parallel_loop3A_293 : i32 to vector<16xi32>
        %parallel_loop3A_310 = arith.addi %parallel_loop3A_309, %and3A_35 : vector<16xi32>
        %parallel_loop3A_311 = tpu.vector_load_idx %arg5[%parallel_loop3A_291, %parallel_loop3A_310] : memref<64x128xf32, #tpu.memory_space<vmem>>[vector<16xi32>, vector<16xi32>], vector<16xf32>,
        tpu.vector_store_idx %arg7[%parallel_loop3A_310, %parallel_loop3A_291], %parallel_loop3A_311 : memref<128x128xf32, #tpu.memory_space<vmem>>[vector<16xi32>, vector<16xi32>], vector<16xf32>,
        %parallel_loop3A_312 = vector.broadcast %parallel_loop3A_293 : i32 to vector<16xi32>
        %parallel_loop3A_313 = arith.addi %parallel_loop3A_312, %and3A_41 : vector<16xi32>
        %parallel_loop3A_314 = tpu.vector_load_idx %arg5[%parallel_loop3A_291, %parallel_loop3A_313] : memref<64x128xf32, #tpu.memory_space<vmem>>[vector<16xi32>, vector<16xi32>], vector<16xf32>,
        tpu.vector_store_idx %arg7[%parallel_loop3A_313, %parallel_loop3A_291], %parallel_loop3A_314 : memref<128x128xf32, #tpu.memory_space<vmem>>[vector<16xi32>, vector<16xi32>], vector<16xf32>,
        %parallel_loop3A_315 = vector.broadcast %parallel_loop3A_293 : i32 to vector<16xi32>
        %parallel_loop3A_316 = arith.addi %parallel_loop3A_315, %and3A_47 : vector<16xi32>
        %parallel_loop3A_317 = tpu.vector_load_idx %arg5[%parallel_loop3A_291, %parallel_loop3A_316] : memref<64x128xf32, #tpu.memory_space<vmem>>[vector<16xi32>, vector<16xi32>], vector<16xf32>,
        tpu.vector_store_idx %arg7[%parallel_loop3A_316, %parallel_loop3A_291], %parallel_loop3A_317 : memref<128x128xf32, #tpu.memory_space<vmem>>[vector<16xi32>, vector<16xi32>], vector<16xf32>,
        %parallel_loop3A_318 = vector.broadcast %parallel_loop3A_293 : i32 to vector<16xi32>
        %parallel_loop3A_319 = arith.addi %parallel_loop3A_318, %and3A_53 : vector<16xi32>
        %parallel_loop3A_320 = tpu.vector_load_idx %arg5[%parallel_loop3A_291, %parallel_loop3A_319] : memref<64x128xf32, #tpu.memory_space<vmem>>[vector<16xi32>, vector<16xi32>], vector<16xf32>,
        tpu.vector_store_idx %arg7[%parallel_loop3A_319, %parallel_loop3A_291], %parallel_loop3A_320 : memref<128x128xf32, #tpu.memory_space<vmem>>[vector<16xi32>, vector<16xi32>], vector<16xf32>,
        %parallel_loop3A_321 = vector.broadcast %parallel_loop3A_293 : i32 to vector<16xi32>
        %parallel_loop3A_322 = arith.addi %parallel_loop3A_321, %and3A_59 : vector<16xi32>
        %parallel_loop3A_323 = tpu.vector_load_idx %arg5[%parallel_loop3A_291, %parallel_loop3A_322] : memref<64x128xf32, #tpu.memory_space<vmem>>[vector<16xi32>, vector<16xi32>], vector<16xf32>,
        tpu.vector_store_idx %arg7[%parallel_loop3A_322, %parallel_loop3A_291], %parallel_loop3A_323 : memref<128x128xf32, #tpu.memory_space<vmem>>[vector<16xi32>, vector<16xi32>], vector<16xf32>,
        %parallel_loop3A_324 = vector.broadcast %parallel_loop3A_293 : i32 to vector<16xi32>
        %parallel_loop3A_325 = arith.addi %parallel_loop3A_324, %and3A_65 : vector<16xi32>
        %parallel_loop3A_326 = tpu.vector_load_idx %arg5[%parallel_loop3A_291, %parallel_loop3A_325] : memref<64x128xf32, #tpu.memory_space<vmem>>[vector<16xi32>, vector<16xi32>], vector<16xf32>,
        tpu.vector_store_idx %arg7[%parallel_loop3A_325, %parallel_loop3A_291], %parallel_loop3A_326 : memref<128x128xf32, #tpu.memory_space<vmem>>[vector<16xi32>, vector<16xi32>], vector<16xf32>,
        %parallel_loop3A_327 = vector.broadcast %parallel_loop3A_293 : i32 to vector<16xi32>
        %parallel_loop3A_328 = arith.addi %parallel_loop3A_327, %and3A_71 : vector<16xi32>
        %parallel_loop3A_329 = tpu.vector_load_idx %arg5[%parallel_loop3A_291, %parallel_loop3A_328] : memref<64x128xf32, #tpu.memory_space<vmem>>[vector<16xi32>, vector<16xi32>], vector<16xf32>,
        tpu.vector_store_idx %arg7[%parallel_loop3A_328, %parallel_loop3A_291], %parallel_loop3A_329 : memref<128x128xf32, #tpu.memory_space<vmem>>[vector<16xi32>, vector<16xi32>], vector<16xf32>,
        %parallel_loop3A_330 = vector.broadcast %parallel_loop3A_293 : i32 to vector<16xi32>
        %parallel_loop3A_331 = arith.addi %parallel_loop3A_330, %and3A_77 : vector<16xi32>
        %parallel_loop3A_332 = tpu.vector_load_idx %arg5[%parallel_loop3A_291, %parallel_loop3A_331] : memref<64x128xf32, #tpu.memory_space<vmem>>[vector<16xi32>, vector<16xi32>], vector<16xf32>,
        tpu.vector_store_idx %arg7[%parallel_loop3A_331, %parallel_loop3A_291], %parallel_loop3A_332 : memref<128x128xf32, #tpu.memory_space<vmem>>[vector<16xi32>, vector<16xi32>], vector<16xf32>,
        %parallel_loop3A_333 = vector.broadcast %parallel_loop3A_293 : i32 to vector<16xi32>
        %parallel_loop3A_334 = arith.addi %parallel_loop3A_333, %and3A_83 : vector<16xi32>
        %parallel_loop3A_335 = tpu.vector_load_idx %arg5[%parallel_loop3A_291, %parallel_loop3A_334] : memref<64x128xf32, #tpu.memory_space<vmem>>[vector<16xi32>, vector<16xi32>], vector<16xf32>,
        tpu.vector_store_idx %arg7[%parallel_loop3A_334, %parallel_loop3A_291], %parallel_loop3A_335 : memref<128x128xf32, #tpu.memory_space<vmem>>[vector<16xi32>, vector<16xi32>], vector<16xf32>,
        %parallel_loop3A_336 = vector.broadcast %parallel_loop3A_293 : i32 to vector<16xi32>
        %parallel_loop3A_337 = arith.addi %parallel_loop3A_336, %and3A_89 : vector<16xi32>
        %parallel_loop3A_338 = tpu.vector_load_idx %arg5[%parallel_loop3A_291, %parallel_loop3A_337] : memref<64x128xf32, #tpu.memory_space<vmem>>[vector<16xi32>, vector<16xi32>], vector<16xf32>,
        tpu.vector_store_idx %arg7[%parallel_loop3A_337, %parallel_loop3A_291], %parallel_loop3A_338 : memref<128x128xf32, #tpu.memory_space<vmem>>[vector<16xi32>, vector<16xi32>], vector<16xf32>,
        %parallel_loop3A_339 = vector.broadcast %parallel_loop3A_293 : i32 to vector<16xi32>
        %parallel_loop3A_340 = arith.addi %parallel_loop3A_339, %and3A_95 : vector<16xi32>
        %parallel_loop3A_341 = tpu.vector_load_idx %arg5[%parallel_loop3A_291, %parallel_loop3A_340] : memref<64x128xf32, #tpu.memory_space<vmem>>[vector<16xi32>, vector<16xi32>], vector<16xf32>,
        tpu.vector_store_idx %arg7[%parallel_loop3A_340, %parallel_loop3A_291], %parallel_loop3A_341 : memref<128x128xf32, #tpu.memory_space<vmem>>[vector<16xi32>, vector<16xi32>], vector<16xf32>,
      } {sc.loop_unroll_factor = 1 : i64, sc.parallel_access}
      %mul3A_208 = arith.constant 32 : i32
      %mul3A_209 = arith.muli %mul3A_192, %mul3A_208 : i32
      %add3A_210 = arith.addi %add3A, %mul3A_209 : i32
      %lt3A_211 = arith.constant 7812 : i32
      %lt3A_212 = arith.cmpi slt, %add3A_210, %lt3A_211 : i32
      %jit3A_213 = arith.constant 0 : i32
      %select_n3A_214 = arith.select %lt3A_212, %add3A_210, %jit3A_213 : i32
      %mul3A_215 = arith.constant 128 : i32
      %mul3A_216 = arith.muli %select_n3A_214, %mul3A_215 : i32
      %dma_start3A_217 = arith.constant 0 : i32
      %dma_start3A_218 = tpu.memref_slice %arg4[%mul3A_216, %dma_start3A_217] : memref<1000000x128xf32, #tpu.memory_space<hbm>> -> memref<128x128xf32, #tpu.memory_space<hbm>>
      %dma_start3A_219 = arith.constant 0 : i32
      %dma_start3A_220 = tpu.memref_slice %arg4[%mul3A_216, %dma_start3A_219] : memref<1000000x128xf32, #tpu.memory_space<hbm>> -> memref<128x128xf32, #tpu.memory_space<hbm>>
      tpu.enqueue_dma source(%arg7 : memref<128x128xf32, #tpu.memory_space<vmem>>) target(%dma_start3A_220 : memref<128x128xf32, #tpu.memory_space<hbm>>) target_semaphore(%arg12 : memref<!tpu.dma_semaphore, #tpu.memory_space<semaphore_mem>>)
      %add3A_221 = arith.constant 2 : i32
      %add3A_222 = arith.addi %mul3A_192, %add3A_221 : i32
      %mul3A_223 = arith.constant 32 : i32
      %mul3A_224 = arith.muli %add3A_222, %mul3A_223 : i32
      %add3A_225 = arith.addi %add3A, %mul3A_224 : i32
      %lt3A_226 = arith.constant 7812 : i32
      %lt3A_227 = arith.cmpi slt, %add3A_225, %lt3A_226 : i32
      %jit3A_228 = arith.constant 0 : i32
      %select_n3A_229 = arith.select %lt3A_227, %add3A_225, %jit3A_228 : i32
      %mul3A_230 = arith.constant 128 : i32
      %mul3A_231 = arith.muli %select_n3A_229, %mul3A_230 : i32
      %dma_start3A_232 = arith.constant 0 : i32
      %dma_start3A_233 = tpu.memref_slice %arg2[%dma_start3A_232, %mul3A_231] : memref<64x1000000xf32, #tpu.memory_space<hbm>> -> memref<64x128xf32, #tpu.memory_space<hbm>>
      %dma_start3A_234 = arith.constant 0 : i32
      %dma_start3A_235 = tpu.memref_slice %arg2[%dma_start3A_234, %mul3A_231] : memref<64x1000000xf32, #tpu.memory_space<hbm>> -> memref<64x128xf32, #tpu.memory_space<hbm>>
      tpu.enqueue_dma source(%dma_start3A_235 : memref<64x128xf32, #tpu.memory_space<hbm>>) target(%arg5 : memref<64x128xf32, #tpu.memory_space<vmem>>) target_semaphore(%arg10 : memref<!tpu.dma_semaphore, #tpu.memory_space<semaphore_mem>>)
      %mul3A_236 = arith.constant 2 : i32
      %mul3A_237 = arith.muli %mul3A_236, %scan3A_190 : i32
      %add3A_238 = arith.constant 1 : i32
      %add3A_239 = arith.addi %mul3A_237, %add3A_238 : i32
      %dma_wait3A_240 = arith.constant 0 : i32
      %dma_wait3A_241 = arith.constant 0 : i32
      %dma_wait3A_242 = tpu.memref_slice %arg2[%dma_wait3A_240, %dma_wait3A_241] : memref<64x1000000xf32, #tpu.memory_space<hbm>> -> memref<64x128xf32, #tpu.memory_space<hbm>>
      %dma_wait3A_243 = arith.constant 0 : i32
      %dma_wait3A_244 = arith.constant 0 : i32
      %dma_wait3A_245 = tpu.memref_slice %arg2[%dma_wait3A_243, %dma_wait3A_244] : memref<64x1000000xf32, #tpu.memory_space<hbm>> -> memref<64x128xf32, #tpu.memory_space<hbm>>
      tpu.wait_dma2 semaphore(%arg11 : memref<!tpu.dma_semaphore, #tpu.memory_space<semaphore_mem>>) src(%dma_wait3A_245 : memref<64x128xf32, #tpu.memory_space<hbm>>) dst(%arg6 : memref<64x128xf32, #tpu.memory_space<vmem>>)
      %dma_wait3A_246 = arith.constant 0 : i32
      %dma_wait3A_247 = arith.constant 0 : i32
      %dma_wait3A_248 = tpu.memref_slice %arg4[%dma_wait3A_246, %dma_wait3A_247] : memref<1000000x128xf32, #tpu.memory_space<hbm>> -> memref<128x128xf32, #tpu.memory_space<hbm>>
      %dma_wait3A_249 = arith.constant 0 : i32
      %dma_wait3A_250 = arith.constant 0 : i32
      %dma_wait3A_251 = tpu.memref_slice %arg4[%dma_wait3A_249, %dma_wait3A_250] : memref<1000000x128xf32, #tpu.memory_space<hbm>> -> memref<128x128xf32, #tpu.memory_space<hbm>>
      tpu.wait_dma2 semaphore(%arg13 : memref<!tpu.dma_semaphore, #tpu.memory_space<semaphore_mem>>) src(%arg8 : memref<128x128xf32, #tpu.memory_space<vmem>>) dst(%dma_wait3A_251 : memref<128x128xf32, #tpu.memory_space<hbm>>)
      %parallel_loop3A_252 = arith.constant 0 : i32
      %parallel_loop3A_253 = arith.constant 32 : i32
      %parallel_loop3A_254 = arith.constant 1 : i32
      scf.for %parallel_loop3A_283 = %parallel_loop3A_252 to %parallel_loop3A_253 step %parallel_loop3A_254  : i32 {
        %parallel_loop3A_284 = arith.constant 3 : i32
        %parallel_loop3A_285 = arith.shrui %parallel_loop3A_283, %parallel_loop3A_284 : i32
        %parallel_loop3A_286 = arith.constant 7 : i32
        %parallel_loop3A_287 = arith.andi %parallel_loop3A_283, %parallel_loop3A_286 : i32
        %parallel_loop3A_288 = arith.constant 16 : i32
        %parallel_loop3A_289 = arith.muli %parallel_loop3A_285, %parallel_loop3A_288 : i32
        %parallel_loop3A_290 = vector.broadcast %parallel_loop3A_289 : i32 to vector<16xi32>
        %parallel_loop3A_291 = arith.addi %parallel_loop3A_290, %iota3A : vector<16xi32>
        %parallel_loop3A_292 = arith.constant 16 : i32
        %parallel_loop3A_293 = arith.muli %parallel_loop3A_287, %parallel_loop3A_292 : i32
        %parallel_loop3A_294 = vector.broadcast %parallel_loop3A_293 : i32 to vector<16xi32>
        %parallel_loop3A_295 = arith.addi %parallel_loop3A_294, %and3A_5 : vector<16xi32>
        %parallel_loop3A_296 = tpu.vector_load_idx %arg6[%parallel_loop3A_291, %parallel_loop3A_295] : memref<64x128xf32, #tpu.memory_space<vmem>>[vector<16xi32>, vector<16xi32>], vector<16xf32>,
        tpu.vector_store_idx %arg8[%parallel_loop3A_295, %parallel_loop3A_291], %parallel_loop3A_296 : memref<128x128xf32, #tpu.memory_space<vmem>>[vector<16xi32>, vector<16xi32>], vector<16xf32>,
        %parallel_loop3A_297 = vector.broadcast %parallel_loop3A_293 : i32 to vector<16xi32>
        %parallel_loop3A_298 = arith.addi %parallel_loop3A_297, %and3A_11 : vector<16xi32>
        %parallel_loop3A_299 = tpu.vector_load_idx %arg6[%parallel_loop3A_291, %parallel_loop3A_298] : memref<64x128xf32, #tpu.memory_space<vmem>>[vector<16xi32>, vector<16xi32>], vector<16xf32>,
        tpu.vector_store_idx %arg8[%parallel_loop3A_298, %parallel_loop3A_291], %parallel_loop3A_299 : memref<128x128xf32, #tpu.memory_space<vmem>>[vector<16xi32>, vector<16xi32>], vector<16xf32>,
        %parallel_loop3A_300 = vector.broadcast %parallel_loop3A_293 : i32 to vector<16xi32>
        %parallel_loop3A_301 = arith.addi %parallel_loop3A_300, %and3A_17 : vector<16xi32>
        %parallel_loop3A_302 = tpu.vector_load_idx %arg6[%parallel_loop3A_291, %parallel_loop3A_301] : memref<64x128xf32, #tpu.memory_space<vmem>>[vector<16xi32>, vector<16xi32>], vector<16xf32>,
        tpu.vector_store_idx %arg8[%parallel_loop3A_301, %parallel_loop3A_291], %parallel_loop3A_302 : memref<128x128xf32, #tpu.memory_space<vmem>>[vector<16xi32>, vector<16xi32>], vector<16xf32>,
        %parallel_loop3A_303 = vector.broadcast %parallel_loop3A_293 : i32 to vector<16xi32>
        %parallel_loop3A_304 = arith.addi %parallel_loop3A_303, %and3A_23 : vector<16xi32>
        %parallel_loop3A_305 = tpu.vector_load_idx %arg6[%parallel_loop3A_291, %parallel_loop3A_304] : memref<64x128xf32, #tpu.memory_space<vmem>>[vector<16xi32>, vector<16xi32>], vector<16xf32>,
        tpu.vector_store_idx %arg8[%parallel_loop3A_304, %parallel_loop3A_291], %parallel_loop3A_305 : memref<128x128xf32, #tpu.memory_space<vmem>>[vector<16xi32>, vector<16xi32>], vector<16xf32>,
        %parallel_loop3A_306 = vector.broadcast %parallel_loop3A_293 : i32 to vector<16xi32>
        %parallel_loop3A_307 = arith.addi %parallel_loop3A_306, %and3A_29 : vector<16xi32>
        %parallel_loop3A_308 = tpu.vector_load_idx %arg6[%parallel_loop3A_291, %parallel_loop3A_307] : memref<64x128xf32, #tpu.memory_space<vmem>>[vector<16xi32>, vector<16xi32>], vector<16xf32>,
        tpu.vector_store_idx %arg8[%parallel_loop3A_307, %parallel_loop3A_291], %parallel_loop3A_308 : memref<128x128xf32, #tpu.memory_space<vmem>>[vector<16xi32>, vector<16xi32>], vector<16xf32>,
        %parallel_loop3A_309 = vector.broadcast %parallel_loop3A_293 : i32 to vector<16xi32>
        %parallel_loop3A_310 = arith.addi %parallel_loop3A_309, %and3A_35 : vector<16xi32>
        %parallel_loop3A_311 = tpu.vector_load_idx %arg6[%parallel_loop3A_291, %parallel_loop3A_310] : memref<64x128xf32, #tpu.memory_space<vmem>>[vector<16xi32>, vector<16xi32>], vector<16xf32>,
        tpu.vector_store_idx %arg8[%parallel_loop3A_310, %parallel_loop3A_291], %parallel_loop3A_311 : memref<128x128xf32, #tpu.memory_space<vmem>>[vector<16xi32>, vector<16xi32>], vector<16xf32>,
        %parallel_loop3A_312 = vector.broadcast %parallel_loop3A_293 : i32 to vector<16xi32>
        %parallel_loop3A_313 = arith.addi %parallel_loop3A_312, %and3A_41 : vector<16xi32>
        %parallel_loop3A_314 = tpu.vector_load_idx %arg6[%parallel_loop3A_291, %parallel_loop3A_313] : memref<64x128xf32, #tpu.memory_space<vmem>>[vector<16xi32>, vector<16xi32>], vector<16xf32>,
        tpu.vector_store_idx %arg8[%parallel_loop3A_313, %parallel_loop3A_291], %parallel_loop3A_314 : memref<128x128xf32, #tpu.memory_space<vmem>>[vector<16xi32>, vector<16xi32>], vector<16xf32>,
        %parallel_loop3A_315 = vector.broadcast %parallel_loop3A_293 : i32 to vector<16xi32>
        %parallel_loop3A_316 = arith.addi %parallel_loop3A_315, %and3A_47 : vector<16xi32>
        %parallel_loop3A_317 = tpu.vector_load_idx %arg6[%parallel_loop3A_291, %parallel_loop3A_316] : memref<64x128xf32, #tpu.memory_space<vmem>>[vector<16xi32>, vector<16xi32>], vector<16xf32>,
        tpu.vector_store_idx %arg8[%parallel_loop3A_316, %parallel_loop3A_291], %parallel_loop3A_317 : memref<128x128xf32, #tpu.memory_space<vmem>>[vector<16xi32>, vector<16xi32>], vector<16xf32>,
        %parallel_loop3A_318 = vector.broadcast %parallel_loop3A_293 : i32 to vector<16xi32>
        %parallel_loop3A_319 = arith.addi %parallel_loop3A_318, %and3A_53 : vector<16xi32>
        %parallel_loop3A_320 = tpu.vector_load_idx %arg6[%parallel_loop3A_291, %parallel_loop3A_319] : memref<64x128xf32, #tpu.memory_space<vmem>>[vector<16xi32>, vector<16xi32>], vector<16xf32>,
        tpu.vector_store_idx %arg8[%parallel_loop3A_319, %parallel_loop3A_291], %parallel_loop3A_320 : memref<128x128xf32, #tpu.memory_space<vmem>>[vector<16xi32>, vector<16xi32>], vector<16xf32>,
        %parallel_loop3A_321 = vector.broadcast %parallel_loop3A_293 : i32 to vector<16xi32>
        %parallel_loop3A_322 = arith.addi %parallel_loop3A_321, %and3A_59 : vector<16xi32>
        %parallel_loop3A_323 = tpu.vector_load_idx %arg6[%parallel_loop3A_291, %parallel_loop3A_322] : memref<64x128xf32, #tpu.memory_space<vmem>>[vector<16xi32>, vector<16xi32>], vector<16xf32>,
        tpu.vector_store_idx %arg8[%parallel_loop3A_322, %parallel_loop3A_291], %parallel_loop3A_323 : memref<128x128xf32, #tpu.memory_space<vmem>>[vector<16xi32>, vector<16xi32>], vector<16xf32>,
        %parallel_loop3A_324 = vector.broadcast %parallel_loop3A_293 : i32 to vector<16xi32>
        %parallel_loop3A_325 = arith.addi %parallel_loop3A_324, %and3A_65 : vector<16xi32>
        %parallel_loop3A_326 = tpu.vector_load_idx %arg6[%parallel_loop3A_291, %parallel_loop3A_325] : memref<64x128xf32, #tpu.memory_space<vmem>>[vector<16xi32>, vector<16xi32>], vector<16xf32>,
        tpu.vector_store_idx %arg8[%parallel_loop3A_325, %parallel_loop3A_291], %parallel_loop3A_326 : memref<128x128xf32, #tpu.memory_space<vmem>>[vector<16xi32>, vector<16xi32>], vector<16xf32>,
        %parallel_loop3A_327 = vector.broadcast %parallel_loop3A_293 : i32 to vector<16xi32>
        %parallel_loop3A_328 = arith.addi %parallel_loop3A_327, %and3A_71 : vector<16xi32>
        %parallel_loop3A_329 = tpu.vector_load_idx %arg6[%parallel_loop3A_291, %parallel_loop3A_328] : memref<64x128xf32, #tpu.memory_space<vmem>>[vector<16xi32>, vector<16xi32>], vector<16xf32>,
        tpu.vector_store_idx %arg8[%parallel_loop3A_328, %parallel_loop3A_291], %parallel_loop3A_329 : memref<128x128xf32, #tpu.memory_space<vmem>>[vector<16xi32>, vector<16xi32>], vector<16xf32>,
        %parallel_loop3A_330 = vector.broadcast %parallel_loop3A_293 : i32 to vector<16xi32>
        %parallel_loop3A_331 = arith.addi %parallel_loop3A_330, %and3A_77 : vector<16xi32>
        %parallel_loop3A_332 = tpu.vector_load_idx %arg6[%parallel_loop3A_291, %parallel_loop3A_331] : memref<64x128xf32, #tpu.memory_space<vmem>>[vector<16xi32>, vector<16xi32>], vector<16xf32>,
        tpu.vector_store_idx %arg8[%parallel_loop3A_331, %parallel_loop3A_291], %parallel_loop3A_332 : memref<128x128xf32, #tpu.memory_space<vmem>>[vector<16xi32>, vector<16xi32>], vector<16xf32>,
        %parallel_loop3A_333 = vector.broadcast %parallel_loop3A_293 : i32 to vector<16xi32>
        %parallel_loop3A_334 = arith.addi %parallel_loop3A_333, %and3A_83 : vector<16xi32>
        %parallel_loop3A_335 = tpu.vector_load_idx %arg6[%parallel_loop3A_291, %parallel_loop3A_334] : memref<64x128xf32, #tpu.memory_space<vmem>>[vector<16xi32>, vector<16xi32>], vector<16xf32>,
        tpu.vector_store_idx %arg8[%parallel_loop3A_334, %parallel_loop3A_291], %parallel_loop3A_335 : memref<128x128xf32, #tpu.memory_space<vmem>>[vector<16xi32>, vector<16xi32>], vector<16xf32>,
        %parallel_loop3A_336 = vector.broadcast %parallel_loop3A_293 : i32 to vector<16xi32>
        %parallel_loop3A_337 = arith.addi %parallel_loop3A_336, %and3A_89 : vector<16xi32>
        %parallel_loop3A_338 = tpu.vector_load_idx %arg6[%parallel_loop3A_291, %parallel_loop3A_337] : memref<64x128xf32, #tpu.memory_space<vmem>>[vector<16xi32>, vector<16xi32>], vector<16xf32>,
        tpu.vector_store_idx %arg8[%parallel_loop3A_337, %parallel_loop3A_291], %parallel_loop3A_338 : memref<128x128xf32, #tpu.memory_space<vmem>>[vector<16xi32>, vector<16xi32>], vector<16xf32>,
        %parallel_loop3A_339 = vector.broadcast %parallel_loop3A_293 : i32 to vector<16xi32>
        %parallel_loop3A_340 = arith.addi %parallel_loop3A_339, %and3A_95 : vector<16xi32>
        %parallel_loop3A_341 = tpu.vector_load_idx %arg6[%parallel_loop3A_291, %parallel_loop3A_340] : memref<64x128xf32, #tpu.memory_space<vmem>>[vector<16xi32>, vector<16xi32>], vector<16xf32>,
        tpu.vector_store_idx %arg8[%parallel_loop3A_340, %parallel_loop3A_291], %parallel_loop3A_341 : memref<128x128xf32, #tpu.memory_space<vmem>>[vector<16xi32>, vector<16xi32>], vector<16xf32>,
      } {sc.loop_unroll_factor = 1 : i64, sc.parallel_access}
      %mul3A_255 = arith.constant 32 : i32
      %mul3A_256 = arith.muli %add3A_239, %mul3A_255 : i32
      %add3A_257 = arith.addi %add3A, %mul3A_256 : i32
      %lt3A_258 = arith.constant 7812 : i32
      %lt3A_259 = arith.cmpi slt, %add3A_257, %lt3A_258 : i32
      %jit3A_260 = arith.constant 0 : i32
      %select_n3A_261 = arith.select %lt3A_259, %add3A_257, %jit3A_260 : i32
      %mul3A_262 = arith.constant 128 : i32
      %mul3A_263 = arith.muli %select_n3A_261, %mul3A_262 : i32
      %dma_start3A_264 = arith.constant 0 : i32
      %dma_start3A_265 = tpu.memref_slice %arg4[%mul3A_263, %dma_start3A_264] : memref<1000000x128xf32, #tpu.memory_space<hbm>> -> memref<128x128xf32, #tpu.memory_space<hbm>>
      %dma_start3A_266 = arith.constant 0 : i32
      %dma_start3A_267 = tpu.memref_slice %arg4[%mul3A_263, %dma_start3A_266] : memref<1000000x128xf32, #tpu.memory_space<hbm>> -> memref<128x128xf32, #tpu.memory_space<hbm>>
      tpu.enqueue_dma source(%arg8 : memref<128x128xf32, #tpu.memory_space<vmem>>) target(%dma_start3A_267 : memref<128x128xf32, #tpu.memory_space<hbm>>) target_semaphore(%arg13 : memref<!tpu.dma_semaphore, #tpu.memory_space<semaphore_mem>>)
      %add3A_268 = arith.constant 2 : i32
      %add3A_269 = arith.addi %add3A_239, %add3A_268 : i32
      %mul3A_270 = arith.constant 32 : i32
      %mul3A_271 = arith.muli %add3A_269, %mul3A_270 : i32
      %add3A_272 = arith.addi %add3A, %mul3A_271 : i32
      %lt3A_273 = arith.constant 7812 : i32
      %lt3A_274 = arith.cmpi slt, %add3A_272, %lt3A_273 : i32
      %jit3A_275 = arith.constant 0 : i32
      %select_n3A_276 = arith.select %lt3A_274, %add3A_272, %jit3A_275 : i32
      %mul3A_277 = arith.constant 128 : i32
      %mul3A_278 = arith.muli %select_n3A_276, %mul3A_277 : i32
      %dma_start3A_279 = arith.constant 0 : i32
      %dma_start3A_280 = tpu.memref_slice %arg2[%dma_start3A_279, %mul3A_278] : memref<64x1000000xf32, #tpu.memory_space<hbm>> -> memref<64x128xf32, #tpu.memory_space<hbm>>
      %dma_start3A_281 = arith.constant 0 : i32
      %dma_start3A_282 = tpu.memref_slice %arg2[%dma_start3A_281, %mul3A_278] : memref<64x1000000xf32, #tpu.memory_space<hbm>> -> memref<64x128xf32, #tpu.memory_space<hbm>>
      tpu.enqueue_dma source(%dma_start3A_282 : memref<64x128xf32, #tpu.memory_space<hbm>>) target(%arg6 : memref<64x128xf32, #tpu.memory_space<vmem>>) target_semaphore(%arg11 : memref<!tpu.dma_semaphore, #tpu.memory_space<semaphore_mem>>)
    }
    %scan3A_144 = arith.constant 122 : i32
    %dma_wait3A = arith.constant 0 : i32
    %dma_wait3A_145 = arith.constant 0 : i32
    %dma_wait3A_146 = tpu.memref_slice %arg2[%dma_wait3A, %dma_wait3A_145] : memref<64x1000000xf32, #tpu.memory_space<hbm>> -> memref<64x128xf32, #tpu.memory_space<hbm>>
    %dma_wait3A_147 = arith.constant 0 : i32
    %dma_wait3A_148 = arith.constant 0 : i32
    %dma_wait3A_149 = tpu.memref_slice %arg2[%dma_wait3A_147, %dma_wait3A_148] : memref<64x1000000xf32, #tpu.memory_space<hbm>> -> memref<64x128xf32, #tpu.memory_space<hbm>>
    tpu.wait_dma2 semaphore(%arg10 : memref<!tpu.dma_semaphore, #tpu.memory_space<semaphore_mem>>) src(%dma_wait3A_149 : memref<64x128xf32, #tpu.memory_space<hbm>>) dst(%arg5 : memref<64x128xf32, #tpu.memory_space<vmem>>)
    %dma_wait3A_150 = arith.constant 0 : i32
    %dma_wait3A_151 = arith.constant 0 : i32
    %dma_wait3A_152 = tpu.memref_slice %arg4[%dma_wait3A_150, %dma_wait3A_151] : memref<1000000x128xf32, #tpu.memory_space<hbm>> -> memref<128x128xf32, #tpu.memory_space<hbm>>
    %dma_wait3A_153 = arith.constant 0 : i32
    %dma_wait3A_154 = arith.constant 0 : i32
    %dma_wait3A_155 = tpu.memref_slice %arg4[%dma_wait3A_153, %dma_wait3A_154] : memref<1000000x128xf32, #tpu.memory_space<hbm>> -> memref<128x128xf32, #tpu.memory_space<hbm>>
    tpu.wait_dma2 semaphore(%arg12 : memref<!tpu.dma_semaphore, #tpu.memory_space<semaphore_mem>>) src(%arg7 : memref<128x128xf32, #tpu.memory_space<vmem>>) dst(%dma_wait3A_155 : memref<128x128xf32, #tpu.memory_space<hbm>>)
    %parallel_loop3A = arith.constant 0 : i32
    %parallel_loop3A_156 = arith.constant 32 : i32
    %parallel_loop3A_157 = arith.constant 1 : i32
    scf.for %parallel_loop3A_190 = %parallel_loop3A to %parallel_loop3A_156 step %parallel_loop3A_157  : i32 {
      %parallel_loop3A_191 = arith.constant 3 : i32
      %parallel_loop3A_192 = arith.shrui %parallel_loop3A_190, %parallel_loop3A_191 : i32
      %parallel_loop3A_193 = arith.constant 7 : i32
      %parallel_loop3A_194 = arith.andi %parallel_loop3A_190, %parallel_loop3A_193 : i32
      %parallel_loop3A_195 = arith.constant 16 : i32
      %parallel_loop3A_196 = arith.muli %parallel_loop3A_192, %parallel_loop3A_195 : i32
      %parallel_loop3A_197 = vector.broadcast %parallel_loop3A_196 : i32 to vector<16xi32>
      %parallel_loop3A_198 = arith.addi %parallel_loop3A_197, %iota3A : vector<16xi32>
      %parallel_loop3A_199 = arith.constant 16 : i32
      %parallel_loop3A_200 = arith.muli %parallel_loop3A_194, %parallel_loop3A_199 : i32
      %parallel_loop3A_201 = vector.broadcast %parallel_loop3A_200 : i32 to vector<16xi32>
      %parallel_loop3A_202 = arith.addi %parallel_loop3A_201, %and3A_5 : vector<16xi32>
      %parallel_loop3A_203 = tpu.vector_load_idx %arg5[%parallel_loop3A_198, %parallel_loop3A_202] : memref<64x128xf32, #tpu.memory_space<vmem>>[vector<16xi32>, vector<16xi32>], vector<16xf32>,
      tpu.vector_store_idx %arg7[%parallel_loop3A_202, %parallel_loop3A_198], %parallel_loop3A_203 : memref<128x128xf32, #tpu.memory_space<vmem>>[vector<16xi32>, vector<16xi32>], vector<16xf32>,
      %parallel_loop3A_204 = vector.broadcast %parallel_loop3A_200 : i32 to vector<16xi32>
      %parallel_loop3A_205 = arith.addi %parallel_loop3A_204, %and3A_11 : vector<16xi32>
      %parallel_loop3A_206 = tpu.vector_load_idx %arg5[%parallel_loop3A_198, %parallel_loop3A_205] : memref<64x128xf32, #tpu.memory_space<vmem>>[vector<16xi32>, vector<16xi32>], vector<16xf32>,
      tpu.vector_store_idx %arg7[%parallel_loop3A_205, %parallel_loop3A_198], %parallel_loop3A_206 : memref<128x128xf32, #tpu.memory_space<vmem>>[vector<16xi32>, vector<16xi32>], vector<16xf32>,
      %parallel_loop3A_207 = vector.broadcast %parallel_loop3A_200 : i32 to vector<16xi32>
      %parallel_loop3A_208 = arith.addi %parallel_loop3A_207, %and3A_17 : vector<16xi32>
      %parallel_loop3A_209 = tpu.vector_load_idx %arg5[%parallel_loop3A_198, %parallel_loop3A_208] : memref<64x128xf32, #tpu.memory_space<vmem>>[vector<16xi32>, vector<16xi32>], vector<16xf32>,
      tpu.vector_store_idx %arg7[%parallel_loop3A_208, %parallel_loop3A_198], %parallel_loop3A_209 : memref<128x128xf32, #tpu.memory_space<vmem>>[vector<16xi32>, vector<16xi32>], vector<16xf32>,
      %parallel_loop3A_210 = vector.broadcast %parallel_loop3A_200 : i32 to vector<16xi32>
      %parallel_loop3A_211 = arith.addi %parallel_loop3A_210, %and3A_23 : vector<16xi32>
      %parallel_loop3A_212 = tpu.vector_load_idx %arg5[%parallel_loop3A_198, %parallel_loop3A_211] : memref<64x128xf32, #tpu.memory_space<vmem>>[vector<16xi32>, vector<16xi32>], vector<16xf32>,
      tpu.vector_store_idx %arg7[%parallel_loop3A_211, %parallel_loop3A_198], %parallel_loop3A_212 : memref<128x128xf32, #tpu.memory_space<vmem>>[vector<16xi32>, vector<16xi32>], vector<16xf32>,
      %parallel_loop3A_213 = vector.broadcast %parallel_loop3A_200 : i32 to vector<16xi32>
      %parallel_loop3A_214 = arith.addi %parallel_loop3A_213, %and3A_29 : vector<16xi32>
      %parallel_loop3A_215 = tpu.vector_load_idx %arg5[%parallel_loop3A_198, %parallel_loop3A_214] : memref<64x128xf32, #tpu.memory_space<vmem>>[vector<16xi32>, vector<16xi32>], vector<16xf32>,
      tpu.vector_store_idx %arg7[%parallel_loop3A_214, %parallel_loop3A_198], %parallel_loop3A_215 : memref<128x128xf32, #tpu.memory_space<vmem>>[vector<16xi32>, vector<16xi32>], vector<16xf32>,
      %parallel_loop3A_216 = vector.broadcast %parallel_loop3A_200 : i32 to vector<16xi32>
      %parallel_loop3A_217 = arith.addi %parallel_loop3A_216, %and3A_35 : vector<16xi32>
      %parallel_loop3A_218 = tpu.vector_load_idx %arg5[%parallel_loop3A_198, %parallel_loop3A_217] : memref<64x128xf32, #tpu.memory_space<vmem>>[vector<16xi32>, vector<16xi32>], vector<16xf32>,
      tpu.vector_store_idx %arg7[%parallel_loop3A_217, %parallel_loop3A_198], %parallel_loop3A_218 : memref<128x128xf32, #tpu.memory_space<vmem>>[vector<16xi32>, vector<16xi32>], vector<16xf32>,
      %parallel_loop3A_219 = vector.broadcast %parallel_loop3A_200 : i32 to vector<16xi32>
      %parallel_loop3A_220 = arith.addi %parallel_loop3A_219, %and3A_41 : vector<16xi32>
      %parallel_loop3A_221 = tpu.vector_load_idx %arg5[%parallel_loop3A_198, %parallel_loop3A_220] : memref<64x128xf32, #tpu.memory_space<vmem>>[vector<16xi32>, vector<16xi32>], vector<16xf32>,
      tpu.vector_store_idx %arg7[%parallel_loop3A_220, %parallel_loop3A_198], %parallel_loop3A_221 : memref<128x128xf32, #tpu.memory_space<vmem>>[vector<16xi32>, vector<16xi32>], vector<16xf32>,
      %parallel_loop3A_222 = vector.broadcast %parallel_loop3A_200 : i32 to vector<16xi32>
      %parallel_loop3A_223 = arith.addi %parallel_loop3A_222, %and3A_47 : vector<16xi32>
      %parallel_loop3A_224 = tpu.vector_load_idx %arg5[%parallel_loop3A_198, %parallel_loop3A_223] : memref<64x128xf32, #tpu.memory_space<vmem>>[vector<16xi32>, vector<16xi32>], vector<16xf32>,
      tpu.vector_store_idx %arg7[%parallel_loop3A_223, %parallel_loop3A_198], %parallel_loop3A_224 : memref<128x128xf32, #tpu.memory_space<vmem>>[vector<16xi32>, vector<16xi32>], vector<16xf32>,
      %parallel_loop3A_225 = vector.broadcast %parallel_loop3A_200 : i32 to vector<16xi32>
      %parallel_loop3A_226 = arith.addi %parallel_loop3A_225, %and3A_53 : vector<16xi32>
      %parallel_loop3A_227 = tpu.vector_load_idx %arg5[%parallel_loop3A_198, %parallel_loop3A_226] : memref<64x128xf32, #tpu.memory_space<vmem>>[vector<16xi32>, vector<16xi32>], vector<16xf32>,
      tpu.vector_store_idx %arg7[%parallel_loop3A_226, %parallel_loop3A_198], %parallel_loop3A_227 : memref<128x128xf32, #tpu.memory_space<vmem>>[vector<16xi32>, vector<16xi32>], vector<16xf32>,
      %parallel_loop3A_228 = vector.broadcast %parallel_loop3A_200 : i32 to vector<16xi32>
      %parallel_loop3A_229 = arith.addi %parallel_loop3A_228, %and3A_59 : vector<16xi32>
      %parallel_loop3A_230 = tpu.vector_load_idx %arg5[%parallel_loop3A_198, %parallel_loop3A_229] : memref<64x128xf32, #tpu.memory_space<vmem>>[vector<16xi32>, vector<16xi32>], vector<16xf32>,
      tpu.vector_store_idx %arg7[%parallel_loop3A_229, %parallel_loop3A_198], %parallel_loop3A_230 : memref<128x128xf32, #tpu.memory_space<vmem>>[vector<16xi32>, vector<16xi32>], vector<16xf32>,
      %parallel_loop3A_231 = vector.broadcast %parallel_loop3A_200 : i32 to vector<16xi32>
      %parallel_loop3A_232 = arith.addi %parallel_loop3A_231, %and3A_65 : vector<16xi32>
      %parallel_loop3A_233 = tpu.vector_load_idx %arg5[%parallel_loop3A_198, %parallel_loop3A_232] : memref<64x128xf32, #tpu.memory_space<vmem>>[vector<16xi32>, vector<16xi32>], vector<16xf32>,
      tpu.vector_store_idx %arg7[%parallel_loop3A_232, %parallel_loop3A_198], %parallel_loop3A_233 : memref<128x128xf32, #tpu.memory_space<vmem>>[vector<16xi32>, vector<16xi32>], vector<16xf32>,
      %parallel_loop3A_234 = vector.broadcast %parallel_loop3A_200 : i32 to vector<16xi32>
      %parallel_loop3A_235 = arith.addi %parallel_loop3A_234, %and3A_71 : vector<16xi32>
      %parallel_loop3A_236 = tpu.vector_load_idx %arg5[%parallel_loop3A_198, %parallel_loop3A_235] : memref<64x128xf32, #tpu.memory_space<vmem>>[vector<16xi32>, vector<16xi32>], vector<16xf32>,
      tpu.vector_store_idx %arg7[%parallel_loop3A_235, %parallel_loop3A_198], %parallel_loop3A_236 : memref<128x128xf32, #tpu.memory_space<vmem>>[vector<16xi32>, vector<16xi32>], vector<16xf32>,
      %parallel_loop3A_237 = vector.broadcast %parallel_loop3A_200 : i32 to vector<16xi32>
      %parallel_loop3A_238 = arith.addi %parallel_loop3A_237, %and3A_77 : vector<16xi32>
      %parallel_loop3A_239 = tpu.vector_load_idx %arg5[%parallel_loop3A_198, %parallel_loop3A_238] : memref<64x128xf32, #tpu.memory_space<vmem>>[vector<16xi32>, vector<16xi32>], vector<16xf32>,
      tpu.vector_store_idx %arg7[%parallel_loop3A_238, %parallel_loop3A_198], %parallel_loop3A_239 : memref<128x128xf32, #tpu.memory_space<vmem>>[vector<16xi32>, vector<16xi32>], vector<16xf32>,
      %parallel_loop3A_240 = vector.broadcast %parallel_loop3A_200 : i32 to vector<16xi32>
      %parallel_loop3A_241 = arith.addi %parallel_loop3A_240, %and3A_83 : vector<16xi32>
      %parallel_loop3A_242 = tpu.vector_load_idx %arg5[%parallel_loop3A_198, %parallel_loop3A_241] : memref<64x128xf32, #tpu.memory_space<vmem>>[vector<16xi32>, vector<16xi32>], vector<16xf32>,
      tpu.vector_store_idx %arg7[%parallel_loop3A_241, %parallel_loop3A_198], %parallel_loop3A_242 : memref<128x128xf32, #tpu.memory_space<vmem>>[vector<16xi32>, vector<16xi32>], vector<16xf32>,
      %parallel_loop3A_243 = vector.broadcast %parallel_loop3A_200 : i32 to vector<16xi32>
      %parallel_loop3A_244 = arith.addi %parallel_loop3A_243, %and3A_89 : vector<16xi32>
      %parallel_loop3A_245 = tpu.vector_load_idx %arg5[%parallel_loop3A_198, %parallel_loop3A_244] : memref<64x128xf32, #tpu.memory_space<vmem>>[vector<16xi32>, vector<16xi32>], vector<16xf32>,
      tpu.vector_store_idx %arg7[%parallel_loop3A_244, %parallel_loop3A_198], %parallel_loop3A_245 : memref<128x128xf32, #tpu.memory_space<vmem>>[vector<16xi32>, vector<16xi32>], vector<16xf32>,
      %parallel_loop3A_246 = vector.broadcast %parallel_loop3A_200 : i32 to vector<16xi32>
      %parallel_loop3A_247 = arith.addi %parallel_loop3A_246, %and3A_95 : vector<16xi32>
      %parallel_loop3A_248 = tpu.vector_load_idx %arg5[%parallel_loop3A_198, %parallel_loop3A_247] : memref<64x128xf32, #tpu.memory_space<vmem>>[vector<16xi32>, vector<16xi32>], vector<16xf32>,
      tpu.vector_store_idx %arg7[%parallel_loop3A_247, %parallel_loop3A_198], %parallel_loop3A_248 : memref<128x128xf32, #tpu.memory_space<vmem>>[vector<16xi32>, vector<16xi32>], vector<16xf32>,
    } {sc.loop_unroll_factor = 1 : i64, sc.parallel_access}
    %add3A_158 = arith.constant 7808 : i32
    %add3A_159 = arith.addi %add3A, %add3A_158 : i32
    %lt3A_160 = arith.constant 7812 : i32
    %lt3A_161 = arith.cmpi slt, %add3A_159, %lt3A_160 : i32
    %jit3A_162 = arith.constant 0 : i32
    %select_n3A_163 = arith.select %lt3A_161, %add3A_159, %jit3A_162 : i32
    %mul3A_164 = arith.constant 128 : i32
    %mul3A_165 = arith.muli %select_n3A_163, %mul3A_164 : i32
    %dma_start3A_166 = arith.constant 0 : i32
    %dma_start3A_167 = tpu.memref_slice %arg4[%mul3A_165, %dma_start3A_166] : memref<1000000x128xf32, #tpu.memory_space<hbm>> -> memref<128x128xf32, #tpu.memory_space<hbm>>
    %dma_start3A_168 = arith.constant 0 : i32
    %dma_start3A_169 = tpu.memref_slice %arg4[%mul3A_165, %dma_start3A_168] : memref<1000000x128xf32, #tpu.memory_space<hbm>> -> memref<128x128xf32, #tpu.memory_space<hbm>>
    tpu.enqueue_dma source(%arg7 : memref<128x128xf32, #tpu.memory_space<vmem>>) target(%dma_start3A_169 : memref<128x128xf32, #tpu.memory_space<hbm>>) target_semaphore(%arg12 : memref<!tpu.dma_semaphore, #tpu.memory_space<semaphore_mem>>)
    %dma_wait3A_170 = arith.constant 0 : i32
    %dma_wait3A_171 = arith.constant 0 : i32
    %dma_wait3A_172 = tpu.memref_slice %arg2[%dma_wait3A_170, %dma_wait3A_171] : memref<64x1000000xf32, #tpu.memory_space<hbm>> -> memref<64x128xf32, #tpu.memory_space<hbm>>
    %dma_wait3A_173 = arith.constant 0 : i32
    %dma_wait3A_174 = arith.constant 0 : i32
    %dma_wait3A_175 = tpu.memref_slice %arg2[%dma_wait3A_173, %dma_wait3A_174] : memref<64x1000000xf32, #tpu.memory_space<hbm>> -> memref<64x128xf32, #tpu.memory_space<hbm>>
    tpu.wait_dma2 semaphore(%arg11 : memref<!tpu.dma_semaphore, #tpu.memory_space<semaphore_mem>>) src(%dma_wait3A_175 : memref<64x128xf32, #tpu.memory_space<hbm>>) dst(%arg6 : memref<64x128xf32, #tpu.memory_space<vmem>>)
    %dma_wait3A_176 = arith.constant 0 : i32
    %dma_wait3A_177 = arith.constant 0 : i32
    %dma_wait3A_178 = tpu.memref_slice %arg4[%dma_wait3A_176, %dma_wait3A_177] : memref<1000000x128xf32, #tpu.memory_space<hbm>> -> memref<128x128xf32, #tpu.memory_space<hbm>>
    %dma_wait3A_179 = arith.constant 0 : i32
    %dma_wait3A_180 = arith.constant 0 : i32
    %dma_wait3A_181 = tpu.memref_slice %arg4[%dma_wait3A_179, %dma_wait3A_180] : memref<1000000x128xf32, #tpu.memory_space<hbm>> -> memref<128x128xf32, #tpu.memory_space<hbm>>
    tpu.wait_dma2 semaphore(%arg13 : memref<!tpu.dma_semaphore, #tpu.memory_space<semaphore_mem>>) src(%arg8 : memref<128x128xf32, #tpu.memory_space<vmem>>) dst(%dma_wait3A_181 : memref<128x128xf32, #tpu.memory_space<hbm>>)
    %dma_wait3A_182 = arith.constant 0 : i32
    %dma_wait3A_183 = arith.constant 0 : i32
    %dma_wait3A_184 = tpu.memref_slice %arg4[%dma_wait3A_182, %dma_wait3A_183] : memref<1000000x128xf32, #tpu.memory_space<hbm>> -> memref<128x128xf32, #tpu.memory_space<hbm>>
    %dma_wait3A_185 = arith.constant 0 : i32
    %dma_wait3A_186 = arith.constant 0 : i32
    %dma_wait3A_187 = tpu.memref_slice %arg4[%dma_wait3A_185, %dma_wait3A_186] : memref<1000000x128xf32, #tpu.memory_space<hbm>> -> memref<128x128xf32, #tpu.memory_space<hbm>>
    tpu.wait_dma2 semaphore(%arg12 : memref<!tpu.dma_semaphore, #tpu.memory_space<semaphore_mem>>) src(%arg7 : memref<128x128xf32, #tpu.memory_space<vmem>>) dst(%dma_wait3A_187 : memref<128x128xf32, #tpu.memory_space<hbm>>)
    %eq3A = arith.constant 0 : i32
    %eq3A_188 = arith.cmpi eq, %add3A, %eq3A : i32
    %convert_element_type3A = arith.extui %eq3A_188 : i1 to i32
    %cond3A = arith.constant 0 : i32
    %cond3A_189 = arith.cmpi ne, %convert_element_type3A, %cond3A : i32
    scf.if %cond3A_189 {
      "tpu.region"() ({
        %run_scoped3A = tpu.sem_alloc : memref<!tpu.dma_semaphore, #tpu.memory_space<semaphore_mem>>
        tpu.enqueue_dma source(%arg3 : memref<64x64xf32, #tpu.memory_space<hbm>>) target(%arg9 : memref<64x64xf32, #tpu.memory_space<vmem>>) target_semaphore(%run_scoped3A : memref<!tpu.dma_semaphore, #tpu.memory_space<semaphore_mem>>)
        tpu.wait_dma2 semaphore(%run_scoped3A : memref<!tpu.dma_semaphore, #tpu.memory_space<semaphore_mem>>) src(%arg3 : memref<64x64xf32, #tpu.memory_space<hbm>>) dst(%arg9 : memref<64x64xf32, #tpu.memory_space<vmem>>)
        tpu.yield
      }) : () -> ()
      %parallel_loop3A_190 = arith.constant 0 : i32
      %parallel_loop3A_191 = arith.constant 16 : i32
      %parallel_loop3A_192 = arith.constant 1 : i32
      scf.for %parallel_loop3A_193 = %parallel_loop3A_190 to %parallel_loop3A_191 step %parallel_loop3A_192  : i32 {
        %parallel_loop3A_194 = arith.constant 2 : i32
        %parallel_loop3A_195 = arith.shrui %parallel_loop3A_193, %parallel_loop3A_194 : i32
        %parallel_loop3A_196 = arith.constant 3 : i32
        %parallel_loop3A_197 = arith.andi %parallel_loop3A_193, %parallel_loop3A_196 : i32
        %parallel_loop3A_198 = arith.constant 16 : i32
        %parallel_loop3A_199 = arith.muli %parallel_loop3A_195, %parallel_loop3A_198 : i32
        %parallel_loop3A_200 = vector.broadcast %parallel_loop3A_199 : i32 to vector<16xi32>
        %parallel_loop3A_201 = arith.addi %parallel_loop3A_200, %iota3A : vector<16xi32>
        %parallel_loop3A_202 = arith.constant 16 : i32
        %parallel_loop3A_203 = arith.muli %parallel_loop3A_197, %parallel_loop3A_202 : i32
        %parallel_loop3A_204 = vector.broadcast %parallel_loop3A_203 : i32 to vector<16xi32>
        %parallel_loop3A_205 = arith.addi %parallel_loop3A_204, %and3A_5 : vector<16xi32>
        %parallel_loop3A_206 = tpu.vector_load_idx %arg9[%parallel_loop3A_201, %parallel_loop3A_205] : memref<64x64xf32, #tpu.memory_space<vmem>>[vector<16xi32>, vector<16xi32>], vector<16xf32>,
        tpu.vector_store_idx %arg7[%parallel_loop3A_205, %parallel_loop3A_201], %parallel_loop3A_206 : memref<128x128xf32, #tpu.memory_space<vmem>>[vector<16xi32>, vector<16xi32>], vector<16xf32>,
        %parallel_loop3A_207 = vector.broadcast %parallel_loop3A_203 : i32 to vector<16xi32>
        %parallel_loop3A_208 = arith.addi %parallel_loop3A_207, %and3A_11 : vector<16xi32>
        %parallel_loop3A_209 = tpu.vector_load_idx %arg9[%parallel_loop3A_201, %parallel_loop3A_208] : memref<64x64xf32, #tpu.memory_space<vmem>>[vector<16xi32>, vector<16xi32>], vector<16xf32>,
        tpu.vector_store_idx %arg7[%parallel_loop3A_208, %parallel_loop3A_201], %parallel_loop3A_209 : memref<128x128xf32, #tpu.memory_space<vmem>>[vector<16xi32>, vector<16xi32>], vector<16xf32>,
        %parallel_loop3A_210 = vector.broadcast %parallel_loop3A_203 : i32 to vector<16xi32>
        %parallel_loop3A_211 = arith.addi %parallel_loop3A_210, %and3A_17 : vector<16xi32>
        %parallel_loop3A_212 = tpu.vector_load_idx %arg9[%parallel_loop3A_201, %parallel_loop3A_211] : memref<64x64xf32, #tpu.memory_space<vmem>>[vector<16xi32>, vector<16xi32>], vector<16xf32>,
        tpu.vector_store_idx %arg7[%parallel_loop3A_211, %parallel_loop3A_201], %parallel_loop3A_212 : memref<128x128xf32, #tpu.memory_space<vmem>>[vector<16xi32>, vector<16xi32>], vector<16xf32>,
        %parallel_loop3A_213 = vector.broadcast %parallel_loop3A_203 : i32 to vector<16xi32>
        %parallel_loop3A_214 = arith.addi %parallel_loop3A_213, %and3A_23 : vector<16xi32>
        %parallel_loop3A_215 = tpu.vector_load_idx %arg9[%parallel_loop3A_201, %parallel_loop3A_214] : memref<64x64xf32, #tpu.memory_space<vmem>>[vector<16xi32>, vector<16xi32>], vector<16xf32>,
        tpu.vector_store_idx %arg7[%parallel_loop3A_214, %parallel_loop3A_201], %parallel_loop3A_215 : memref<128x128xf32, #tpu.memory_space<vmem>>[vector<16xi32>, vector<16xi32>], vector<16xf32>,
        %parallel_loop3A_216 = vector.broadcast %parallel_loop3A_203 : i32 to vector<16xi32>
        %parallel_loop3A_217 = arith.addi %parallel_loop3A_216, %and3A_29 : vector<16xi32>
        %parallel_loop3A_218 = tpu.vector_load_idx %arg9[%parallel_loop3A_201, %parallel_loop3A_217] : memref<64x64xf32, #tpu.memory_space<vmem>>[vector<16xi32>, vector<16xi32>], vector<16xf32>,
        tpu.vector_store_idx %arg7[%parallel_loop3A_217, %parallel_loop3A_201], %parallel_loop3A_218 : memref<128x128xf32, #tpu.memory_space<vmem>>[vector<16xi32>, vector<16xi32>], vector<16xf32>,
        %parallel_loop3A_219 = vector.broadcast %parallel_loop3A_203 : i32 to vector<16xi32>
        %parallel_loop3A_220 = arith.addi %parallel_loop3A_219, %and3A_35 : vector<16xi32>
        %parallel_loop3A_221 = tpu.vector_load_idx %arg9[%parallel_loop3A_201, %parallel_loop3A_220] : memref<64x64xf32, #tpu.memory_space<vmem>>[vector<16xi32>, vector<16xi32>], vector<16xf32>,
        tpu.vector_store_idx %arg7[%parallel_loop3A_220, %parallel_loop3A_201], %parallel_loop3A_221 : memref<128x128xf32, #tpu.memory_space<vmem>>[vector<16xi32>, vector<16xi32>], vector<16xf32>,
        %parallel_loop3A_222 = vector.broadcast %parallel_loop3A_203 : i32 to vector<16xi32>
        %parallel_loop3A_223 = arith.addi %parallel_loop3A_222, %and3A_41 : vector<16xi32>
        %parallel_loop3A_224 = tpu.vector_load_idx %arg9[%parallel_loop3A_201, %parallel_loop3A_223] : memref<64x64xf32, #tpu.memory_space<vmem>>[vector<16xi32>, vector<16xi32>], vector<16xf32>,
        tpu.vector_store_idx %arg7[%parallel_loop3A_223, %parallel_loop3A_201], %parallel_loop3A_224 : memref<128x128xf32, #tpu.memory_space<vmem>>[vector<16xi32>, vector<16xi32>], vector<16xf32>,
        %parallel_loop3A_225 = vector.broadcast %parallel_loop3A_203 : i32 to vector<16xi32>
        %parallel_loop3A_226 = arith.addi %parallel_loop3A_225, %and3A_47 : vector<16xi32>
        %parallel_loop3A_227 = tpu.vector_load_idx %arg9[%parallel_loop3A_201, %parallel_loop3A_226] : memref<64x64xf32, #tpu.memory_space<vmem>>[vector<16xi32>, vector<16xi32>], vector<16xf32>,
        tpu.vector_store_idx %arg7[%parallel_loop3A_226, %parallel_loop3A_201], %parallel_loop3A_227 : memref<128x128xf32, #tpu.memory_space<vmem>>[vector<16xi32>, vector<16xi32>], vector<16xf32>,
        %parallel_loop3A_228 = vector.broadcast %parallel_loop3A_203 : i32 to vector<16xi32>
        %parallel_loop3A_229 = arith.addi %parallel_loop3A_228, %and3A_53 : vector<16xi32>
        %parallel_loop3A_230 = tpu.vector_load_idx %arg9[%parallel_loop3A_201, %parallel_loop3A_229] : memref<64x64xf32, #tpu.memory_space<vmem>>[vector<16xi32>, vector<16xi32>], vector<16xf32>,
        tpu.vector_store_idx %arg7[%parallel_loop3A_229, %parallel_loop3A_201], %parallel_loop3A_230 : memref<128x128xf32, #tpu.memory_space<vmem>>[vector<16xi32>, vector<16xi32>], vector<16xf32>,
        %parallel_loop3A_231 = vector.broadcast %parallel_loop3A_203 : i32 to vector<16xi32>
        %parallel_loop3A_232 = arith.addi %parallel_loop3A_231, %and3A_59 : vector<16xi32>
        %parallel_loop3A_233 = tpu.vector_load_idx %arg9[%parallel_loop3A_201, %parallel_loop3A_232] : memref<64x64xf32, #tpu.memory_space<vmem>>[vector<16xi32>, vector<16xi32>], vector<16xf32>,
        tpu.vector_store_idx %arg7[%parallel_loop3A_232, %parallel_loop3A_201], %parallel_loop3A_233 : memref<128x128xf32, #tpu.memory_space<vmem>>[vector<16xi32>, vector<16xi32>], vector<16xf32>,
        %parallel_loop3A_234 = vector.broadcast %parallel_loop3A_203 : i32 to vector<16xi32>
        %parallel_loop3A_235 = arith.addi %parallel_loop3A_234, %and3A_65 : vector<16xi32>
        %parallel_loop3A_236 = tpu.vector_load_idx %arg9[%parallel_loop3A_201, %parallel_loop3A_235] : memref<64x64xf32, #tpu.memory_space<vmem>>[vector<16xi32>, vector<16xi32>], vector<16xf32>,
        tpu.vector_store_idx %arg7[%parallel_loop3A_235, %parallel_loop3A_201], %parallel_loop3A_236 : memref<128x128xf32, #tpu.memory_space<vmem>>[vector<16xi32>, vector<16xi32>], vector<16xf32>,
        %parallel_loop3A_237 = vector.broadcast %parallel_loop3A_203 : i32 to vector<16xi32>
        %parallel_loop3A_238 = arith.addi %parallel_loop3A_237, %and3A_71 : vector<16xi32>
        %parallel_loop3A_239 = tpu.vector_load_idx %arg9[%parallel_loop3A_201, %parallel_loop3A_238] : memref<64x64xf32, #tpu.memory_space<vmem>>[vector<16xi32>, vector<16xi32>], vector<16xf32>,
        tpu.vector_store_idx %arg7[%parallel_loop3A_238, %parallel_loop3A_201], %parallel_loop3A_239 : memref<128x128xf32, #tpu.memory_space<vmem>>[vector<16xi32>, vector<16xi32>], vector<16xf32>,
        %parallel_loop3A_240 = vector.broadcast %parallel_loop3A_203 : i32 to vector<16xi32>
        %parallel_loop3A_241 = arith.addi %parallel_loop3A_240, %and3A_77 : vector<16xi32>
        %parallel_loop3A_242 = tpu.vector_load_idx %arg9[%parallel_loop3A_201, %parallel_loop3A_241] : memref<64x64xf32, #tpu.memory_space<vmem>>[vector<16xi32>, vector<16xi32>], vector<16xf32>,
        tpu.vector_store_idx %arg7[%parallel_loop3A_241, %parallel_loop3A_201], %parallel_loop3A_242 : memref<128x128xf32, #tpu.memory_space<vmem>>[vector<16xi32>, vector<16xi32>], vector<16xf32>,
        %parallel_loop3A_243 = vector.broadcast %parallel_loop3A_203 : i32 to vector<16xi32>
        %parallel_loop3A_244 = arith.addi %parallel_loop3A_243, %and3A_83 : vector<16xi32>
        %parallel_loop3A_245 = tpu.vector_load_idx %arg9[%parallel_loop3A_201, %parallel_loop3A_244] : memref<64x64xf32, #tpu.memory_space<vmem>>[vector<16xi32>, vector<16xi32>], vector<16xf32>,
        tpu.vector_store_idx %arg7[%parallel_loop3A_244, %parallel_loop3A_201], %parallel_loop3A_245 : memref<128x128xf32, #tpu.memory_space<vmem>>[vector<16xi32>, vector<16xi32>], vector<16xf32>,
        %parallel_loop3A_246 = vector.broadcast %parallel_loop3A_203 : i32 to vector<16xi32>
        %parallel_loop3A_247 = arith.addi %parallel_loop3A_246, %and3A_89 : vector<16xi32>
        %parallel_loop3A_248 = tpu.vector_load_idx %arg9[%parallel_loop3A_201, %parallel_loop3A_247] : memref<64x64xf32, #tpu.memory_space<vmem>>[vector<16xi32>, vector<16xi32>], vector<16xf32>,
        tpu.vector_store_idx %arg7[%parallel_loop3A_247, %parallel_loop3A_201], %parallel_loop3A_248 : memref<128x128xf32, #tpu.memory_space<vmem>>[vector<16xi32>, vector<16xi32>], vector<16xf32>,
        %parallel_loop3A_249 = vector.broadcast %parallel_loop3A_203 : i32 to vector<16xi32>
        %parallel_loop3A_250 = arith.addi %parallel_loop3A_249, %and3A_95 : vector<16xi32>
        %parallel_loop3A_251 = tpu.vector_load_idx %arg9[%parallel_loop3A_201, %parallel_loop3A_250] : memref<64x64xf32, #tpu.memory_space<vmem>>[vector<16xi32>, vector<16xi32>], vector<16xf32>,
        tpu.vector_store_idx %arg7[%parallel_loop3A_250, %parallel_loop3A_201], %parallel_loop3A_251 : memref<128x128xf32, #tpu.memory_space<vmem>>[vector<16xi32>, vector<16xi32>], vector<16xf32>,
      } {sc.loop_unroll_factor = 1 : i64, sc.parallel_access}
      "tpu.region"() ({
        %run_scoped3A = tpu.sem_alloc : memref<!tpu.dma_semaphore, #tpu.memory_space<semaphore_mem>>
        %dma_start3A_193 = arith.constant 0 : i32
        %dma_start3A_194 = arith.constant 0 : i32
        %dma_start3A_195 = tpu.memref_slice %arg7[%dma_start3A_193, %dma_start3A_194] : memref<128x128xf32, #tpu.memory_space<vmem>> -> memref<64x128xf32, #tpu.memory_space<vmem>>
        %dma_start3A_196 = arith.constant 999936 : i32
        %dma_start3A_197 = arith.constant 0 : i32
        %dma_start3A_198 = tpu.memref_slice %arg4[%dma_start3A_196, %dma_start3A_197] : memref<1000000x128xf32, #tpu.memory_space<hbm>> -> memref<64x128xf32, #tpu.memory_space<hbm>>
        %dma_start3A_199 = arith.constant 999936 : i32
        %dma_start3A_200 = arith.constant 0 : i32
        %dma_start3A_201 = tpu.memref_slice %arg4[%dma_start3A_199, %dma_start3A_200] : memref<1000000x128xf32, #tpu.memory_space<hbm>> -> memref<64x128xf32, #tpu.memory_space<hbm>>
        %dma_start3A_202 = arith.constant 0 : i32
        %dma_start3A_203 = arith.constant 0 : i32
        %dma_start3A_204 = tpu.memref_slice %arg7[%dma_start3A_202, %dma_start3A_203] : memref<128x128xf32, #tpu.memory_space<vmem>> -> memref<64x128xf32, #tpu.memory_space<vmem>>
        tpu.enqueue_dma source(%dma_start3A_204 : memref<64x128xf32, #tpu.memory_space<vmem>>) target(%dma_start3A_201 : memref<64x128xf32, #tpu.memory_space<hbm>>) target_semaphore(%run_scoped3A : memref<!tpu.dma_semaphore, #tpu.memory_space<semaphore_mem>>)
        %dma_wait3A_205 = arith.constant 0 : i32
        %dma_wait3A_206 = arith.constant 0 : i32
        %dma_wait3A_207 = tpu.memref_slice %arg7[%dma_wait3A_205, %dma_wait3A_206] : memref<128x128xf32, #tpu.memory_space<vmem>> -> memref<64x128xf32, #tpu.memory_space<vmem>>
        %dma_wait3A_208 = arith.constant 999936 : i32
        %dma_wait3A_209 = arith.constant 0 : i32
        %dma_wait3A_210 = tpu.memref_slice %arg4[%dma_wait3A_208, %dma_wait3A_209] : memref<1000000x128xf32, #tpu.memory_space<hbm>> -> memref<64x128xf32, #tpu.memory_space<hbm>>
        %dma_wait3A_211 = arith.constant 999936 : i32
        %dma_wait3A_212 = arith.constant 0 : i32
        %dma_wait3A_213 = tpu.memref_slice %arg4[%dma_wait3A_211, %dma_wait3A_212] : memref<1000000x128xf32, #tpu.memory_space<hbm>> -> memref<64x128xf32, #tpu.memory_space<hbm>>
        %dma_wait3A_214 = arith.constant 0 : i32
        %dma_wait3A_215 = arith.constant 0 : i32
        %dma_wait3A_216 = tpu.memref_slice %arg7[%dma_wait3A_214, %dma_wait3A_215] : memref<128x128xf32, #tpu.memory_space<vmem>> -> memref<64x128xf32, #tpu.memory_space<vmem>>
        tpu.wait_dma2 semaphore(%run_scoped3A : memref<!tpu.dma_semaphore, #tpu.memory_space<semaphore_mem>>) src(%dma_wait3A_216 : memref<64x128xf32, #tpu.memory_space<vmem>>) dst(%dma_wait3A_213 : memref<64x128xf32, #tpu.memory_space<hbm>>)
        tpu.yield
      }) : () -> ()
    } else {
    }
    return
  }
}

</mosaic_0001>

<sc_bundles>
// kernel: _sc_transpose.3.cloned.1.call-start
scs
__scs_entry_jumppad:
0x0: {  	(pc) =	sbr.rel $0x88, $3  }
0x1: {  	(tag) =	ssettag $0x0;
	lr =	simm.s32 $0x1  }
0x2: {  	[smem:$0x3F9F] =	sst lr;
	_ =	strace $0xD0000000  }
0x3: {  	_ = 	snop  }
0x4: {  	_ = 	snop  }
0x5: {  	_ = 	snop  }
0x6: {  	_ = 	snop  }
0x7: {  	_ = 	snop  }
__scs_overlays_trampoline_lowered:
0x8: {  	[smem:$0x3FAE] =	sst s0  }
0x9: {  	[smem:$0x3FAF] =	sst s1  }
0xa: {  	[smem:$0x3FB0] =	sst s2  }
0xb: {  	[smem:$0x3FB1] =	sst s3  }
0xc: {  	[smem:$0x3FB2] =	sst s4  }
0xd: {  	[smem:$0x3FB3] =	sst s5  }
0xe: {  	[smem:$0x3FB4] =	sst s6  }
0xf: {  	[smem:$0x3FB5] =	sst s7  }
0x10: {  	[smem:$0x3FB6] =	sst s8  }
0x11: {  	[smem:$0x3FB7] =	sst s9;
	s0 =	simm.s32 @!p0 $0x0  }
0x12: {  	s1 =	sld [smem:$0x3F9D];
	s0 =	simm.s32 @p0 $0x1  }
0x13: {  	[smem:$0x3FB8] =	sst s0;
	s0 =	simm.s32 @!p1 $0x0  }
0x14: {  	s2 =	sld [smem:$0x3F9C];
	s0 =	simm.s32 @p1 $0x1  }
0x15: {  	[smem:$0x3FB9] =	sst s0;
	s0 =	simm.s32 @!p2 $0x0  }
0x16: {  	s3 =	sld [smem:$0x3FDB];
	s0 =	simm.s32 @p2 $0x1  }
0x17: {  	s4 =	simm.s32 $0x1BF5;
	[smem:$0x3FBB] =	sst s0  }
0x18: {  	s0 =	sld [smem:$0x3F9E];
	_ =	swait.ge [sflag:s4], $0x0  }
0x19: {  	s7 =	sld [smem:$0x3F9F]  }
0x1a: {  	s8 =	sadd.s32 $0xFFFFE003, lr  }
0x1b: {  	s9 =	sadd.s32 $0xFFFFFEF7, lr;
	s5 =	simm.s32 $0xFFFFFFFF;
	p2 =	slt.u32 s8, $0xFFFFF086  }
0x1c: {  	p1 =	slt.u32 s9, $0xF7A;
	s5 =	simm.s32 @!p2 $0x0  }
0x1d: {  	s5 =	simm.s32 @p1 $0x1;
	p0 =	seq.s32 s7, s2  }
0x1e: {  	s7 =	smul.u32 @!p0 $0xF7A, s2;
	p2 =	seq.s32 @!p0 s5, $0x0  }
0x1f: {  	s9 =	smul.u32 $0xF7A, s1;
	s8 =	simm.s32 @!p0 $0x1BF5;
	p2 =	por !p2, p0  }
0x20: {  	[sflag:s8] =	ssyncset.s32 @!p0 $0xFFFFF086;
	s6 =	sadd.s32 @!p0 s3, s7;
	s7 =	simm.s32 @!p0 $0x108  }
0x21: {  	s3 =	sadd.s32 s3, s9;
	s6 =	sadd.s32 @!p0 $0x88, s6;
	s7 =	simm.s32 @p2 $0x1082  }
0x22: {  	[simem:s7], [sflag:s8] =	dma.local @!p0 [hbm:s6], $0xF7A  }
0x23: {  	s9 =	sor.u32 $0xD0000000, s2;
	s6 =	simm.s32 $0x108;
	_ =	swait.ge @!p0 [sflag:s8], $0x0  }
0x24: {  	s3 =	sadd.s32 $0x88, s3;
	s6 =	simm.s32 @!p1 $0x1082;
	[sflag:s4] =	ssyncset.s32 $0xFFFFF086  }
0x25: {  	[simem:s6], [sflag:s4] =	dma.local [hbm:s3], $0xF7A  }
0x26: {  	[smem:$0x3F9F] =	sst s1;
	(tag) =	ssettag s2;
	_ =	strace s9  }
0x27: {  	s1 =	sld [smem:$0x3FAF]  }
0x28: {  	s2 =	sld [smem:$0x3FB0]  }
0x29: {  	s4 =	sld [smem:$0x3FB2]  }
0x2a: {  	p0 =	seq.s32 s5, $0x0;
	s5 =	sld [smem:$0x3FB3]  }
0x2b: {  	s6 =	sld [smem:$0x3FB4]  }
0x2c: {  	s7 =	sld [smem:$0x3FB5]  }
0x2d: {  	s3 =	simm.s32 $0x108;
	s8 =	sld [smem:$0x3FB6]  }
0x2e: {  	s3 =	simm.s32 @!p0 $0x1082;
	s9 =	sld [smem:$0x3FB7]  }
0x2f: {  	lr =	sadd.s32 s0, s3;
	s0 =	sld [smem:$0x3FAE]  }
0x30: {  	s3 =	sld [smem:$0x3FB1]  }
0x31: {  	[smem:$0x3FBA] =	sst s10  }
0x32: {  	s10 =	sld [smem:$0x3FB8];
	_ =	sdelay $0x3  }
0x33: {  	p0 =	seq.s32 s10, $0x1;
	s10 =	sld [smem:$0x3FBA];
	_ =	sdelay $0x3  }
0x34: {  	[smem:$0x3FBA] =	sst s10  }
0x35: {  	s10 =	sld [smem:$0x3FB9];
	_ =	sdelay $0x3  }
0x36: {  	p1 =	seq.s32 s10, $0x1;
	s10 =	sld [smem:$0x3FBA];
	_ =	sdelay $0x3  }
0x37: {  	[smem:$0x3FBA] =	sst s10  }
0x38: {  	s10 =	sld [smem:$0x3FBB]  }
0x39: {  	_ = 	snop;
	(pc) =	sbr.ind lr, $3  }
0x3a: {  	_ = 	snop  }
0x3b: {  	_ = 	snop  }
0x3c: {  	p2 =	seq.s32 s10, $0x1;
	s10 =	sld [smem:$0x3FBA]  }
0x3d: {  	_ =	shalt  }
0x3e: {  	_ =	shalt  }
0x3f: {  	_ =	shalt  }
0x40: {  	_ =	shalt  }
0x41: {  	_ =	shalt  }
0x42: {  	_ =	shalt  }
0x43: {  	_ =	shalt  }
0x44: {  	_ =	shalt  }
0x45: {  	_ =	shalt  }
0x46: {  	_ =	shalt  }
0x47: {  	_ =	shalt  }
0x48: {  	_ =	shalt  }
0x49: {  	_ =	shalt  }
0x4a: {  	_ =	shalt  }
0x4b: {  	_ =	shalt  }
0x4c: {  	_ =	shalt  }
0x4d: {  	_ =	shalt  }
0x4e: {  	_ =	shalt  }
0x4f: {  	_ =	shalt  }
0x50: {  	_ =	shalt  }
0x51: {  	_ =	shalt  }
0x52: {  	_ =	shalt  }
0x53: {  	_ =	shalt  }
0x54: {  	_ =	shalt  }
0x55: {  	_ =	shalt  }
0x56: {  	_ =	shalt  }
0x57: {  	_ =	shalt  }
0x58: {  	_ =	shalt  }
0x59: {  	_ =	shalt  }
0x5a: {  	_ =	shalt  }
0x5b: {  	_ =	shalt  }
0x5c: {  	_ =	shalt  }
0x5d: {  	_ =	shalt  }
0x5e: {  	_ =	shalt  }
0x5f: {  	_ =	shalt  }
0x60: {  	_ =	shalt  }
0x61: {  	_ =	shalt  }
0x62: {  	_ =	shalt  }
0x63: {  	_ =	shalt  }
0x64: {  	_ =	shalt  }
0x65: {  	_ =	shalt  }
0x66: {  	_ =	shalt  }
0x67: {  	_ =	shalt  }
0x68: {  	_ =	shalt  }
0x69: {  	_ =	shalt  }
0x6a: {  	_ =	shalt  }
0x6b: {  	_ =	shalt  }
0x6c: {  	_ =	shalt  }
0x6d: {  	_ =	shalt  }
0x6e: {  	_ =	shalt  }
0x6f: {  	_ =	shalt  }
0x70: {  	_ =	shalt  }
0x71: {  	_ =	shalt  }
0x72: {  	_ =	shalt  }
0x73: {  	_ =	shalt  }
0x74: {  	_ =	shalt  }
0x75: {  	_ =	shalt  }
0x76: {  	_ =	shalt  }
0x77: {  	_ =	shalt  }
0x78: {  	_ =	shalt  }
0x79: {  	_ =	shalt  }
0x7a: {  	_ =	shalt  }
0x7b: {  	_ =	shalt  }
0x7c: {  	_ =	shalt  }
0x7d: {  	_ =	shalt  }
0x7e: {  	_ =	shalt  }
0x7f: {  	_ =	shalt  }
0x80: {  	_ =	shalt  }
0x81: {  	_ =	shalt  }
0x82: {  	_ =	shalt  }
0x83: {  	_ =	shalt  }
0x84: {  	_ =	shalt  }
0x85: {  	_ =	shalt  }
0x86: {  	_ =	shalt  }
0x87: {  	_ =	shalt  }
.Lfunc_end0:
.L_simem_size_0:
called_computation_lowered:
.L_overlay_start_0:
0x88: {  	s2 =	sld [smem:$0x3FD9]  }
0x89: {  	s3 =	sld [smem:$0x3FFE];
	_ =	sdelay $0x1  }
0x8a: {  	s1 =	srdreg.scid  }
0x8b: {  	s0 =	sand.u32 $0x1, s1  }
0x8c: {  	s18 =	sshll.u32 s0, $0xA;
	s2 =	sadd.s32 s3, s2  }
0x8d: {  	s2 =	sadd.s32 s2, s18  }
0x8e: {  	[smem:$0x3FC6] =	sst s2  }
0x8f: {  	_ = 	snop  }
0x90: {  	s2 =	sld [smem:$0x3FC9]  }
0x91: {  	s19 =	sld [smem:$0x3FC8]  }
0x92: {  	s4 =	sld [smem:$0x3FD0];
	(tm) =	ssettm $0x1  }
0x93: {  	s5 =	sld [smem:$0x3FFB];
	_ =	sdelay $0x3  }
0x94: {  	_ =	strace s5  }
0x95: {  	s5 =	sld [smem:$0x3FFC];
	_ =	sdelay $0x3  }
0x96: {  	_ =	strace s5  }
0x97: {  	s5 =	sld [smem:$0x3FFD];
	_ =	sdelay $0x3  }
0x98: {  	_ =	strace s5  }
0x99: {  	_ =	strace $0x8FFFFFFF  }
0x9a: {  	s20 =	sld [smem:$0x3FDB];
	_ =	sdelay $0x1  }
0x9b: {  	s6 =	simm.s32 $_scs_section_size  }
0x9c: {  	s7 =	simm.s32 $_size__tile_overlayer_lowered;
	s8 =	simm.s32 $_tile_overlayer_lowered  }
0x9d: {  	s23 =	simm.s32 $0x1BFF;
	s22 =	sshll.u32 s8, $0x1;
	s5 =	sadd.s32 s6, s20  }
0x9e: {  	s9 =	simm.s32 $0x0;
	s21 =	sshll.u32 s7, $0x1;
	s7 =	sadd.s32 s22, s5  }
0x9f: {  	[timem:s9], [sflag:s23] =	dma.local [hbm:s7], s21  }
0xa0: {  	_ =	swait.ge [sflag:s23], s21  }
0xa1: {  	s6 =	ssub.s32 $0x0, s21;
	[sflag:s23] =	ssyncset.done $0x0  }
0xa2: {  	[sflag:s23] =	ssyncadd.s32 s6;
	_ =	sdelay $0x1  }
0xa3: {  	s24 =	simm.s32 $0x1B8B  }
0xa4: {  	_ =	swait.ge [sflag:s24], $0x1  }
0xa5: {  	[sflag:s24] =	ssyncset.done $0x0  }
0xa6: {  	s25 =	simm.s32 $0x1B8E;
	[sflag:s24] =	ssyncadd.s32 $0xFFFFFFFF  }
0xa7: {  	s26 =	simm.s32 $execute0_lowered;
	[smem:$0x3FD2] =	sst s25  }
0xa8: {  	s6 =	sshll.u32 s26, $0x1;
	_ =	strace $0x80000046;
	[dreg:$0x1] =	wrdreg $0xFFFFFFFF  }
0xa9: {  	s28 =	simm.s32 $_size_execute0_lowered;
	s5 =	sadd.s32 s5, s6;
	[dreg:$0x0] =	wrdreg $0x0  }
0xaa: {  	s6 =	sshll.u32 s28, $0x1;
	[dreg:$0x2] =	wrdreg s5  }
0xab: {  	[dreg:$0x3] =	wrdreg s6  }
0xac: {  	[dreg:$0x4] =	wrdreg $0xC0  }
0xad: {  	_ =	task [dreg:s9], $0x5FFFF  }
0xae: {  	[dreg:$0x1] =	wrdreg $0xFFFFFFFF  }
0xaf: {  	[dreg:$0x0] =	wrdreg $0x60  }
0xb0: {  	[dreg:$0x2] =	wrdreg s2  }
0xb1: {  	[dreg:$0x3] =	wrdreg s19  }
0xb2: {  	[dreg:$0x4] =	wrdreg s4  }
0xb3: {  	[dreg:$0x5] =	wrdreg $0x9  }
0xb4: {  	_ =	task.clear_ibuf [dreg:s9], $0x6FFFF;
	_ =	strace $0x90000046  }
0xb5: {  	s29 =	simm.s32 $0x9;
	_ =	strace $0x80000048  }
0xb6: {  	_ =	swait.ge [sflag:s29], $0x1  }
0xb7: {  	[sflag:s29] =	ssyncadd.s32 $0xFFFFFFFF  }
0xb8: {  	_ =	strace $0x90000048  }
0xb9: {  	_ =	sfence  }
0xba: {  	s30 =	sld [smem:$0x0];
	_ =	sdelay $0x2  }
0xbb: {  	s31 =	sshll.u32 s1, $0xD;
	s1 =	sshrl.u32 s1, $0x2  }
0xbc: {  	s3 =	sand.u32 $0x4000, s31;
	s1 =	sadd.s32 s1, s30  }
0xbd: {  	s0 =	sor.u32 s3, s0;
	s1 =	sshll.u32 s1, $0x11  }
0xbe: {  	s0 =	sor.u32 s1, s0  }
0xbf: {  	s0 =	sadd.s32 $0x8F2B, s0  }
0xc0: {  	[sflag:s0] =	ssyncadd.remote.s32 $0x1  }
0xc1: {  	_ =	sfence.sel $0xFFFF  }
0xc2: {  	[dreg:$0x0] =	wrdreg $0xFFFFFFFF;
	(pc) =	sbr.abs _section_cstart, $3  }
0xc3: {  	[dreg:$0x1] =	wrdreg $0xFFFFFFFF  }
0xc4: {  	_ =	task.clear_ibuf [dreg:s9], $0x2FFFF;
	_ =	strace $0x9FFFFFFF  }
0xc5: {  	(tm) =	ssettm $0x7FFFFFFF  }
tec
execute0_lowered:
.L_overlay_start_1:
0x0: {  	(tag) =	ssettag $0x1  }
0x1: {  	v0 =	vimm.s32 $0xFEDCBA9  }
0x2: {  	v2 =	vimm.s32 $0x87654321;
	v3 =	vimm.s32 $0x98765432;
	v4 =	vimm.s32 $0x210FEDCB  }
0x3: {  	v5 =	vimm.s32 $0xA9876543;
	v15 =	vimm.s32 $0xCBA98765;
	v17 =	vimm.s32 $0x6543210F  }
0x4: {  	v18 =	vimm.s32 $0xEDCBA987;
	v19 =	vimm.s32 $0xFEDCBA98;
	v20 =	vimm.s32 $0x76543210  }
0x5: {  	v1 =	vunpack.c.l.s4.s8 v0;
	v0 =	vlaneseq.u32;
	v3 =	vunpack.c.l.s4.s8 v3  }
0x6: {  	v4 =	vunpack.c.l.s4.s8 v4;
	v17 =	vunpack.c.l.s4.s8 v17;
	v18 =	vunpack.c.l.s4.s8 v18  }
0x7: {  	v19 =	vunpack.c.l.s4.s8 v19;
	v7 =	vunpack.c.0.s8.s32 v1;
	v1 =	vunpack.c.l.s4.s8 v2  }
0x8: {  	v2 =	vimm.s32 $0x10FEDCBA;
	v10 =	vunpack.c.0.s8.s32 v3;
	v11 =	vunpack.c.0.s8.s32 v4  }
0x9: {  	v17 =	vunpack.c.0.s8.s32 v17;
	v18 =	vunpack.c.0.s8.s32 v18;
	v2 =	vunpack.c.l.s4.s8 v2  }
0xa: {  	v19 =	vunpack.c.0.s8.s32 v19;
	v8 =	vunpack.c.0.s8.s32 v1;
	v1 =	vunpack.c.l.s4.s8 v5  }
0xb: {  	s0 =	rddreg [dreg:$0x0];
	v23 =	vcombine.low v18, v17;
	v9 =	vunpack.c.0.s8.s32 v2;
	v2 =	vimm.s32 $0x3210FEDC  }
0xc: {  	s2 =	rddreg [dreg:$0x2];
	v19 =	vand.u32 $0xF, v19;
	v12 =	vunpack.c.0.s8.s32 v1;
	v1 =	vunpack.c.l.s4.s8 v2  }
0xd: {  	s1 =	srdreg.scid;
	s7 =	stileid.u32;
	s5 =	simm.s32 $0x0;
	v2 =	vimm.s32 $0xBA987654;
	v3 =	vcombine.low v8, v7;
	v63 =	vcombine.low v7, v8  }
0xe: {  	s16 =	simm.s32 $0x400;
	s17 =	simm.s32 $0x7A1400;
	s18 =	simm.s32 $0x2000;
	v8 =	vand.u32 $0xF, v23;
	v4 =	vcombine.low v10, v9;
	v2 =	vunpack.c.l.s4.s8 v2  }
0xf: {  	s19 =	simm.s32 $0x4000;
	s20 =	simm.s32 $0x8000;
	s21 =	simm.s32 $0x1;
	v10 =	vcombine.low v9, v10;
	v5 =	vcombine.low v12, v11;
	v13 =	vunpack.c.0.s8.s32 v1  }
0x10: {  	s22 =	simm.s32 $0x3;
	s23 =	simm.s32 $0x2;
	s24 =	simm.s32 $0x4;
	v1 =	vimm.s32 $0x43210FED;
	v11 =	vcombine.low v11, v12;
	v14 =	vunpack.c.0.s8.s32 v2  }
0x11: {  	s28 =	simm.s32 $0x0;
	s1 =	sand.u32 $0x1, s1;
	s3 =	sshll.u32 s7, $0x1;
	v6 =	vunpack.c.l.s4.s8 v1;
	v2 =	vand.u32 $0xF, v4;
	v4 =	vunpack.c.l.s4.s8 v15  }
0x12: {  	[smem:$0x7FF] =	sst s5;
	p0 =	slt.u32 s7, $0x2;
	s31 =	sadd.s32 $0xF42000, s2;
	v9 =	vand.u32 $0xF, v63;
	v1 =	vand.u32 $0xF, v3;
	v10 =	vand.u32 $0xF, v10  }
0x13: {  	s4 =	ssub.s32 $0x2, s1;
	s6 =	sor.u32 s1, s3;
	_ =	strace $0x80000047;
	v3 =	vand.u32 $0xF, v5;
	v15 =	vunpack.c.0.s8.s32 v6;
	v16 =	vunpack.c.0.s8.s32 v4  }
0x14: {  	[dreg:$0x7] =	wrdreg s31;
	s25 =	sshrl.u32 s4, $0x1;
	s3 =	sshll.u32 s6, $0x7;
	v4 =	vimm.s32 $0x543210FE;
	v6 =	vimm.s32 $0xDCBA9876;
	v12 =	vcombine.low v13, v14  }
0x15: {  	s30 =	sshll.u32 s6, $0xB;
	s11 =	sor.u32 $0x40, s6;
	s12 =	sor.u32 $0x60, s6;
	v11 =	vand.u32 $0xF, v11;
	v4 =	vunpack.c.l.s4.s8 v4;
	v6 =	vunpack.c.l.s4.s8 v6  }
0x16: {  	s1 =	ssub.s32 s4, s25;
	s26 =	sor.u32 $0x1000, s3;
	s3 =	sadd.s32 s0, s3;
	v5 =	vcombine.low v14, v13;
	v13 =	vcombine.low v15, v16;
	v12 =	vand.u32 $0xF, v12  }
.Ltmp0:
0x17: {  	s7 =	sor.u32 $0xF40000, s30;
	s25 =	simm.s32 $0xC000;
	v21 =	vunpack.c.0.s8.s32 v4;
	v22 =	vunpack.c.0.s8.s32 v6;
	v6 =	vunpack.c.l.s4.s8 v20;
	(pc) =	sbr.rel .LBB2_1-.Ltmp0, $4  }
0x18: {  	[dreg:$0x4] =	wrdreg s3;
	s29 =	sadd.s32 s0, s26;
	s4 =	sshll.u32 s26, $0x4;
	v4 =	vand.u32 $0xF, v5;
	v5 =	vcombine.low v16, v15;
	v15 =	vcombine.low v17, v18  }
0x19: {  	s3 =	sadd.s32 s2, s30;
	s7 =	simm.s32 @!p0 $0x0;
	s15 =	smax.u32 s1, $0x1;
	v6 =	vunpack.c.0.s8.s32 v6;
	v62 =	vcombine.low v22, v21;
	v14 =	vcombine.low v21, v22  }
0x1a: {  	p0 =	sne.s32 s6, $0x0;
	s26 =	simm.s32 $0x5;
	[dreg:$0x5] =	wrdreg s29;
	v13 =	vand.u32 $0xF, v13;
	v5 =	vand.u32 $0xF, v5;
	v15 =	vand.u32 $0xF, v15  }
0x1b: {  	[dreg:$0x6] =	wrdreg s3;
	s10 =	sadd.s32 s2, s4;
	s13 =	sadd.s32 s2, s7;
	v6 =	vcombine.low v19, v6;
	v7 =	vand.u32 $0xF, v62;
	v14 =	vand.u32 $0xF, v14  }
.LBB2_13:
0x1c: {  	s28 =	sadd.s32 $0x1, s28  }
0x1d: {  	p1 =	sne.s32 s28, s15  }
.Ltmp1:
0x1e: {  	_ = 	snop;
	(pc) =	sbr.rel @!p1 .LBB2_14-.Ltmp1, $1  }
0x1f: {  	_ =	sdelay $0x3  }
.LBB2_1:
0x20: {  	s1 =	rddreg [dreg:$0x4]  }
0x21: {  	[tilespmem:s5], [sflag:$0x1] =	stream.strided.gather [hbm4b:s1+s16], $0x2000, s17, s16, $0x38;
	[tilespmem:$0xE000] =	vst v63  }
0x22: {  	s30 =	rddreg [dreg:$0x5]  }
0x23: {  	[tilespmem:s18], [sflag:$0x2] =	stream.strided.gather [hbm4b:s30+s16], $0x2000, s17, s16, $0x38;
	[tilespmem:$0xE000] =	vst v63  }
0x24: {  	s31 =	rddreg [dreg:$0x6]  }
0x25: {  	[hbm4b:s31+s5] =	stream.linear.scatter [tilespmem:s19], [sflag:$0x3], $0x4000, $0x38;
	[tilespmem:$0xE000] =	vst v63  }
0x26: {  	s29 =	simm.s32 $0x0  }
0x27: {  	[hbm4b:s10+s5] =	stream.linear.scatter [tilespmem:s20], [sflag:$0x4], $0x4000, $0x38;
	[tilespmem:$0xE000] =	vst v63  }
.LBB2_2:
0x28: {  	s1 =	simm.s32 $0x0  }
0x29: {  	s3 =	sand.u32 $0x30, s1  }
0x2a: {  	s7 =	sand.u32 $0x70, s1;
	v26 =	vor.u32 s3, v0  }
0x2b: {  	_ =	swait.ge [sflag:s21], $0x2000;
	v16 =	vor.u32 s7, v0;
	v24 =	vshll.u32 v26, $0x7  }
0x2c: {  	[sflag:s21] =	ssyncset.done $0x0;
	v17 =	vor.u32 v16, v24  }
0x2d: {  	[sflag:s21] =	ssyncadd.s32 $0xFFFFE000  }
0x2e: {  	_ =	swait.ge [sflag:s22], $0x4000  }
0x2f: {  	[sflag:s22] =	ssyncset.done $0x0  }
0x30: {  	v16 =	vshll.u32 v16, $0x7;
	[sflag:s22] =	ssyncadd.s32 $0xFFFFC000  }
0x31: {  	v18 =	vor.u32 s7, v1;
	v16 =	vor.u32 v26, v16;
	v17 =	vld.idx.msk [tilespmem:v17+s5+$0x0], $0xffff  }
0x32: {  	v19 =	vor.u32 v18, v24;
	_ =	sdelay $0x3  }
0x33: {  	[tilespmem:v16+s19+$0x0] =	vst.idx.msk $0xffff, v17;
	v16 =	vshll.u32 v18, $0x7  }
0x34: {  	v18 =	vor.u32 s7, v2;
	v17 =	vld.idx.msk [tilespmem:v19+s5+$0x0], $0xffff;
	v16 =	vor.u32 v26, v16  }
0x35: {  	v19 =	vor.u32 v18, v24;
	_ =	sdelay $0x2  }
0x36: {  	s8 =	simm.s32 $0x2  }
0x37: {  	s9 =	simm.s32 $0x10;
	s1 =	sand.u32 $0x30, s8;
	[tilespmem:v16+s19+$0x0] =	vst.idx.msk $0xffff, v17;
	v17 =	vshll.u32 v18, $0x7  }
0x38: {  	s30 =	sand.u32 $0x70, s9;
	v20 =	vor.u32 s7, v3;
	v16 =	vor.u32 s1, v0;
	v18 =	vld.idx.msk [tilespmem:v19+s5+$0x0], $0xffff;
	v19 =	vor.u32 v26, v17  }
0x39: {  	v21 =	vor.u32 s30, v0;
	v22 =	vor.u32 v20, v24;
	v17 =	vshll.u32 v16, $0x7  }
0x3a: {  	v23 =	vor.u32 v21, v17;
	_ =	sdelay $0x2  }
0x3b: {  	[tilespmem:v19+s19+$0x0] =	vst.idx.msk $0xffff, v18;
	v18 =	vshll.u32 v20, $0x7  }
0x3c: {  	v21 =	vshll.u32 v21, $0x7;
	v20 =	vor.u32 s7, v4;
	v19 =	vld.idx.msk [tilespmem:v22+s5+$0x0], $0xffff;
	v18 =	vor.u32 v26, v18  }
0x3d: {  	v25 =	vor.u32 s30, v1;
	v21 =	vor.u32 v16, v21;
	v22 =	vor.u32 v20, v24;
	v23 =	vld.idx.msk [tilespmem:v23+s5+$0x0], $0xffff  }
0x3e: {  	v27 =	vor.u32 v25, v17;
	_ =	sdelay $0x2  }
0x3f: {  	[tilespmem:v18+s19+$0x0] =	vst.idx.msk $0xffff, v19;
	v18 =	vshll.u32 v20, $0x7  }
0x40: {  	v19 =	vor.u32 s7, v5;
	[tilespmem:v21+s19+$0x0] =	vst.idx.msk $0xffff, v23;
	v21 =	vshll.u32 v25, $0x7;
	v20 =	vld.idx.msk [tilespmem:v22+s5+$0x0], $0xffff;
	v18 =	vor.u32 v26, v18  }
0x41: {  	v25 =	vor.u32 s30, v2;
	v22 =	vor.u32 v19, v24;
	v23 =	vld.idx.msk [tilespmem:v27+s5+$0x0], $0xffff;
	v21 =	vor.u32 v16, v21  }
0x42: {  	v27 =	vor.u32 v25, v17;
	_ =	sdelay $0x2  }
0x43: {  	[tilespmem:v18+s19+$0x0] =	vst.idx.msk $0xffff, v20;
	v18 =	vshll.u32 v19, $0x7  }
0x44: {  	s14 =	simm.s32 $0x4;
	v20 =	vor.u32 s7, v7;
	[tilespmem:v21+s19+$0x0] =	vst.idx.msk $0xffff, v23;
	v22 =	vld.idx.msk [tilespmem:v22+s5+$0x0], $0xffff;
	v21 =	vor.u32 v26, v18;
	v18 =	vshll.u32 v25, $0x7  }
0x45: {  	s31 =	simm.s32 $0x20;
	v28 =	vor.u32 s30, v3;
	s1 =	sand.u32 $0x30, s14;
	v23 =	vor.u32 v20, v24;
	v25 =	vld.idx.msk [tilespmem:v27+s5+$0x0], $0xffff;
	v27 =	vor.u32 v16, v18  }
0x46: {  	s4 =	sand.u32 $0x70, s31;
	v29 =	vor.u32 v28, v17;
	v18 =	vor.u32 s1, v0  }
0x47: {  	v30 =	vor.u32 s4, v0;
	v19 =	vshll.u32 v18, $0x7  }
0x48: {  	v31 =	vor.u32 v30, v19  }
0x49: {  	v20 =	vshll.u32 v20, $0x7;
	[tilespmem:v21+s19+$0x0] =	vst.idx.msk $0xffff, v22  }
0x4a: {  	v20 =	vor.u32 v26, v20;
	v22 =	vor.u32 s7, v8;
	v21 =	vld.idx.msk [tilespmem:v23+s5+$0x0], $0xffff;
	[tilespmem:v27+s19+$0x0] =	vst.idx.msk $0xffff, v25;
	v23 =	vshll.u32 v28, $0x7  }
0x4b: {  	v27 =	vor.u32 s30, v4;
	v28 =	vor.u32 v22, v24;
	v25 =	vld.idx.msk [tilespmem:v29+s5+$0x0], $0xffff;
	v23 =	vor.u32 v16, v23  }
0x4c: {  	v30 =	vshll.u32 v30, $0x7;
	v29 =	vor.u32 v27, v17  }
0x4d: {  	v32 =	vor.u32 s4, v1;
	v30 =	vor.u32 v18, v30;
	v31 =	vld.idx.msk [tilespmem:v31+s5+$0x0], $0xffff  }
0x4e: {  	v33 =	vor.u32 v32, v19  }
0x4f: {  	[tilespmem:v20+s19+$0x0] =	vst.idx.msk $0xffff, v21;
	v20 =	vshll.u32 v22, $0x7  }
0x50: {  	v22 =	vor.u32 s7, v6;
	v21 =	vld.idx.msk [tilespmem:v28+s5+$0x0], $0xffff;
	[tilespmem:v23+s19+$0x0] =	vst.idx.msk $0xffff, v25;
	v20 =	vor.u32 v26, v20;
	v23 =	vshll.u32 v27, $0x7  }
0x51: {  	v25 =	vor.u32 s30, v5;
	v28 =	vor.u32 v22, v24;
	v27 =	vld.idx.msk [tilespmem:v29+s5+$0x0], $0xffff;
	v23 =	vor.u32 v16, v23  }
0x52: {  	[tilespmem:v30+s19+$0x0] =	vst.idx.msk $0xffff, v31;
	v29 =	vor.u32 v25, v17;
	v30 =	vshll.u32 v32, $0x7  }
0x53: {  	v57 =	vor.u32 s4, v2;
	v31 =	vld.idx.msk [tilespmem:v33+s5+$0x0], $0xffff;
	v30 =	vor.u32 v18, v30  }
0x54: {  	v58 =	vor.u32 v57, v19  }
0x55: {  	[tilespmem:v20+s19+$0x0] =	vst.idx.msk $0xffff, v21;
	v20 =	vshll.u32 v22, $0x7  }
0x56: {  	v22 =	vld.idx.msk [tilespmem:v28+s5+$0x0], $0xffff;
	[tilespmem:v23+s19+$0x0] =	vst.idx.msk $0xffff, v27;
	v23 =	vor.u32 v26, v20;
	v27 =	vor.u32 s7, v9;
	v20 =	vshll.u32 v25, $0x7  }
0x57: {  	s3 =	simm.s32 $0x6;
	v25 =	vor.u32 s30, v7;
	v28 =	vld.idx.msk [tilespmem:v29+s5+$0x0], $0xffff;
	v29 =	vor.u32 v27, v24;
	v34 =	vor.u32 v16, v20  }
0x58: {  	s8 =	simm.s32 $0x30;
	s1 =	sand.u32 $0x30, s3;
	v21 =	vshll.u32 v57, $0x7;
	[tilespmem:v30+s19+$0x0] =	vst.idx.msk $0xffff, v31;
	v30 =	vor.u32 v25, v17  }
0x59: {  	v59 =	vor.u32 s4, v3;
	s3 =	sand.u32 $0x70, s8;
	v32 =	vor.u32 v18, v21;
	v20 =	vor.u32 s1, v0;
	v31 =	vld.idx.msk [tilespmem:v58+s5+$0x0], $0xffff  }
0x5a: {  	v35 =	vor.u32 s3, v0;
	v36 =	vor.u32 v59, v19;
	v21 =	vshll.u32 v20, $0x7  }
0x5b: {  	[tilespmem:v23+s19+$0x0] =	vst.idx.msk $0xffff, v22;
	v22 =	vshll.u32 v27, $0x7;
	v23 =	vor.u32 v35, v21  }
0x5c: {  	v25 =	vshll.u32 v25, $0x7;
	v27 =	vld.idx.msk [tilespmem:v29+s5+$0x0], $0xffff;
	[tilespmem:v34+s19+$0x0] =	vst.idx.msk $0xffff, v28;
	v22 =	vor.u32 v26, v22;
	v28 =	vor.u32 s7, v10  }
0x5d: {  	v60 =	vor.u32 s30, v8;
	v25 =	vor.u32 v16, v25;
	v29 =	vld.idx.msk [tilespmem:v30+s5+$0x0], $0xffff;
	v30 =	vor.u32 v28, v24  }
0x5e: {  	v61 =	vor.u32 v60, v17;
	[tilespmem:v32+s19+$0x0] =	vst.idx.msk $0xffff, v31;
	v31 =	vshll.u32 v59, $0x7  }
0x5f: {  	v63 =	vor.u32 s4, v4;
	v41 =	vor.u32 s30, v6;
	v62 =	vld.idx.msk [tilespmem:v36+s5+$0x0], $0xffff;
	v31 =	vor.u32 v18, v31  }
0x60: {  	v43 =	vor.u32 s4, v5;
	v37 =	vor.u32 v63, v19;
	v35 =	vshll.u32 v35, $0x7  }
0x61: {  	v45 =	vor.u32 s7, v12;
	v38 =	vor.u32 s3, v1;
	v23 =	vld.idx.msk [tilespmem:v23+s5+$0x0], $0xffff;
	[tilespmem:v22+s19+$0x0] =	vst.idx.msk $0xffff, v27;
	v22 =	vor.u32 v20, v35  }
0x62: {  	v48 =	vor.u32 s30, v9;
	v27 =	vshll.u32 v28, $0x7;
	v28 =	vor.u32 v38, v21;
	v30 =	vld.idx.msk [tilespmem:v30+s5+$0x0], $0xffff;
	[tilespmem:v25+s19+$0x0] =	vst.idx.msk $0xffff, v29  }
0x63: {  	v25 =	vor.u32 v26, v27;
	v27 =	vor.u32 s7, v11;
	v29 =	vshll.u32 v60, $0x7;
	v32 =	vld.idx.msk [tilespmem:v61+s5+$0x0], $0xffff  }
0x64: {  	v40 =	vor.u32 v27, v24;
	v29 =	vor.u32 v16, v29;
	[tilespmem:v31+s19+$0x0] =	vst.idx.msk $0xffff, v62;
	v31 =	vshll.u32 v63, $0x7  }
0x65: {  	v49 =	vor.u32 s4, v7;
	v42 =	vor.u32 v41, v17;
	v37 =	vld.idx.msk [tilespmem:v37+s5+$0x0], $0xffff;
	v31 =	vor.u32 v18, v31  }
0x66: {  	v51 =	vor.u32 s7, v13;
	v46 =	vshll.u32 v41, $0x7;
	v53 =	vshll.u32 v48, $0x7  }
0x67: {  	v47 =	vor.u32 v45, v24;
	[tilespmem:v22+s19+$0x0] =	vst.idx.msk $0xffff, v23;
	v23 =	vor.u32 v43, v19;
	v22 =	vshll.u32 v38, $0x7  }
0x68: {  	v44 =	vor.u32 s3, v2;
	v28 =	vld.idx.msk [tilespmem:v28+s5+$0x0], $0xffff;
	[tilespmem:v25+s19+$0x0] =	vst.idx.msk $0xffff, v30;
	v25 =	vor.u32 v20, v22;
	v22 =	vshll.u32 v27, $0x7  }
0x69: {  	v30 =	vor.u32 v44, v21;
	v27 =	vld.idx.msk [tilespmem:v40+s5+$0x0], $0xffff;
	[tilespmem:v29+s19+$0x0] =	vst.idx.msk $0xffff, v32;
	v29 =	vor.u32 v26, v22  }
0x6a: {  	v55 =	vor.u32 v51, v24;
	v33 =	vld.idx.msk [tilespmem:v42+s5+$0x0], $0xffff;
	[tilespmem:v31+s19+$0x0] =	vst.idx.msk $0xffff, v37;
	v31 =	vor.u32 v16, v46  }
0x6b: {  	v50 =	vor.u32 v48, v17;
	v41 =	vor.u32 s3, v3;
	v57 =	vshll.u32 v49, $0x7  }
0x6c: {  	s9 =	simm.s32 $0x8;
	v59 =	vor.u32 s4, v8;
	v60 =	vor.u32 s7, v14;
	v39 =	vld.idx.msk [tilespmem:v23+s5+$0x0], $0xffff;
	v23 =	vshll.u32 v43, $0x7  }
0x6d: {  	s1 =	sand.u32 $0x30, s9;
	[tilespmem:v25+s19+$0x0] =	vst.idx.msk $0xffff, v28;
	v25 =	vor.u32 v18, v23;
	v28 =	vor.u32 v49, v19;
	v23 =	vshll.u32 v44, $0x7  }
0x6e: {  	s14 =	simm.s32 $0x40;
	v22 =	vor.u32 s1, v0;
	v30 =	vld.idx.msk [tilespmem:v30+s5+$0x0], $0xffff;
	v40 =	vor.u32 v20, v23;
	[tilespmem:v29+s19+$0x0] =	vst.idx.msk $0xffff, v27;
	v23 =	vshll.u32 v45, $0x7  }
0x6f: {  	s1 =	sand.u32 $0x70, s14;
	v29 =	vor.u32 v41, v21;
	v52 =	vld.idx.msk [tilespmem:v47+s5+$0x0], $0xffff;
	[tilespmem:v31+s19+$0x0] =	vst.idx.msk $0xffff, v33;
	v31 =	vor.u32 v26, v23  }
0x70: {  	v62 =	vor.u32 s3, v4;
	v27 =	vor.u32 s1, v0;
	v23 =	vshll.u32 v22, $0x7  }
0x71: {  	v61 =	vshll.u32 v41, $0x7;
	v63 =	vor.u32 v62, v21;
	v56 =	vor.u32 v27, v23  }
0x72: {  	v38 =	vshll.u32 v51, $0x7;
	v42 =	vor.u32 s30, v10;
	v54 =	vld.idx.msk [tilespmem:v50+s5+$0x0], $0xffff;
	[tilespmem:v25+s19+$0x0] =	vst.idx.msk $0xffff, v39;
	v25 =	vor.u32 v16, v53  }
0x73: {  	v58 =	vor.u32 v42, v17;
	v28 =	vld.idx.msk [tilespmem:v28+s5+$0x0], $0xffff;
	[tilespmem:v40+s19+$0x0] =	vst.idx.msk $0xffff, v30;
	v30 =	vor.u32 v18, v57  }
0x74: {  	v38 =	vor.u32 v26, v38;
	v29 =	vld.idx.msk [tilespmem:v29+s5+$0x0], $0xffff;
	[tilespmem:v31+s19+$0x0] =	vst.idx.msk $0xffff, v52;
	v31 =	vor.u32 v20, v61  }
0x75: {  	v48 =	vor.u32 s1, v1;
	v43 =	vor.u32 v59, v19;
	v27 =	vshll.u32 v27, $0x7;
	v35 =	vld.idx.msk [tilespmem:v55+s5+$0x0], $0xffff  }
0x76: {  	v42 =	vshll.u32 v42, $0x7;
	v44 =	vor.u32 v60, v24;
	v27 =	vor.u32 v22, v27;
	v36 =	vld.idx.msk [tilespmem:v56+s5+$0x0], $0xffff  }
0x77: {  	v49 =	vor.u32 v16, v42;
	v45 =	vor.u32 s7, v15;
	v50 =	vor.u32 s30, v11;
	[tilespmem:v25+s19+$0x0] =	vst.idx.msk $0xffff, v54  }
0x78: {  	v53 =	vshll.u32 v62, $0x7;
	v57 =	vshll.u32 v48, $0x7;
	v25 =	vor.u32 v48, v23;
	v37 =	vld.idx.msk [tilespmem:v58+s5+$0x0], $0xffff;
	[tilespmem:v30+s19+$0x0] =	vst.idx.msk $0xffff, v28  }
0x79: {  	v52 =	vor.u32 s3, v5;
	v28 =	vshll.u32 v59, $0x7;
	v30 =	vor.u32 v50, v17;
	[tilespmem:v31+s19+$0x0] =	vst.idx.msk $0xffff, v29  }
0x7a: {  	v55 =	vshll.u32 v60, $0x7;
	v51 =	vld.idx.msk [tilespmem:v43+s5+$0x0], $0xffff;
	v28 =	vor.u32 v18, v28;
	v29 =	vor.u32 s4, v6;
	[tilespmem:v38+s19+$0x0] =	vst.idx.msk $0xffff, v35  }
0x7b: {  	v31 =	vld.idx.msk [tilespmem:v63+s5+$0x0], $0xffff;
	v54 =	vor.u32 v29, v19;
	[tilespmem:v27+s19+$0x0] =	vst.idx.msk $0xffff, v36;
	v27 =	vor.u32 v20, v53  }
0x7c: {  	v61 =	vor.u32 v45, v24;
	v56 =	vor.u32 v52, v21;
	v39 =	vor.u32 v26, v55;
	v38 =	vld.idx.msk [tilespmem:v44+s5+$0x0], $0xffff  }
0x7d: {  	v60 =	vshll.u32 v50, $0x7;
	v58 =	vor.u32 s1, v2;
	v59 =	vor.u32 v22, v57;
	v25 =	vld.idx.msk [tilespmem:v25+s5+$0x0], $0xffff;
	[tilespmem:v49+s19+$0x0] =	vst.idx.msk $0xffff, v37  }
0x7e: {  	v47 =	vor.u32 s30, v12;
	v46 =	vor.u32 v16, v60;
	v62 =	vor.u32 v58, v23;
	v30 =	vld.idx.msk [tilespmem:v30+s5+$0x0], $0xffff  }
0x7f: {  	v34 =	vor.u32 s3, v7;
	v48 =	vor.u32 v47, v17;
	[tilespmem:v28+s19+$0x0] =	vst.idx.msk $0xffff, v51;
	v28 =	vshll.u32 v29, $0x7  }
0x80: {  	v40 =	vor.u32 s1, v3;
	v29 =	vld.idx.msk [tilespmem:v54+s5+$0x0], $0xffff;
	[tilespmem:v27+s19+$0x0] =	vst.idx.msk $0xffff, v31;
	v32 =	vor.u32 v18, v28;
	v31 =	vor.u32 s4, v9  }
0x81: {  	s31 =	simm.s32 $0xA;
	v63 =	vshll.u32 v45, $0x7;
	v27 =	vshll.u32 v52, $0x7;
	v35 =	vld.idx.msk [tilespmem:v56+s5+$0x0], $0xffff;
	v33 =	vor.u32 v31, v19;
	[tilespmem:v39+s19+$0x0] =	vst.idx.msk $0xffff, v38  }
0x82: {  	s7 =	sand.u32 $0x30, s31;
	v36 =	vor.u32 v34, v21;
	v37 =	vor.u32 v20, v27;
	[tilespmem:v59+s19+$0x0] =	vst.idx.msk $0xffff, v25;
	v25 =	vld.idx.msk [tilespmem:v61+s5+$0x0], $0xffff  }
0x83: {  	v24 =	vor.u32 s7, v0;
	s7 =	simm.s32 $0x50;
	v26 =	vor.u32 v26, v63;
	v27 =	vshll.u32 v58, $0x7;
	v39 =	vld.idx.msk [tilespmem:v62+s5+$0x0], $0xffff;
	[tilespmem:v46+s19+$0x0] =	vst.idx.msk $0xffff, v30  }
0x84: {  	s8 =	simm.s32 $0xC;
	s14 =	sand.u32 $0x70, s7;
	v28 =	vor.u32 s30, v13;
	v38 =	vshll.u32 v47, $0x7;
	v41 =	vor.u32 v22, v27;
	v30 =	vld.idx.msk [tilespmem:v48+s5+$0x0], $0xffff  }
.LBB2_3:
0x85: {  	p1 =	sne.s32 s8, $0x3E;
	v27 =	vor.u32 s14, v0;
	v42 =	vor.u32 v40, v23;
	[tilespmem:v32+s19+$0x0] =	vst.idx.msk $0xffff, v29;
	v29 =	vor.u32 v16, v38  }
0x86: {  	v38 =	vshll.u32 v24, $0x7;
	v31 =	vshll.u32 v31, $0x7;
	v43 =	vmovc v20;
	v20 =	vmovc v22;
	v32 =	vld.idx.msk [tilespmem:v33+s5+$0x0], $0xffff;
	v33 =	vor.u32 v28, v17  }
0x87: {  	v44 =	vor.u32 v27, v38;
	v31 =	vor.u32 v18, v31;
	[tilespmem:v37+s19+$0x0] =	vst.idx.msk $0xffff, v35;
	v35 =	vor.u32 s4, v10  }
0x88: {  	v34 =	vshll.u32 v34, $0x7;
	v22 =	vmov v24;
	v36 =	vld.idx.msk [tilespmem:v36+s5+$0x0], $0xffff;
	v37 =	vor.u32 v35, v19;
	[tilespmem:v26+s19+$0x0] =	vst.idx.msk $0xffff, v25  }
0x89: {  	v24 =	vor.u32 v43, v34;
	v25 =	vor.u32 s3, v8;
	v26 =	vor.u32 s30, v14;
	[tilespmem:v41+s19+$0x0] =	vst.idx.msk $0xffff, v39  }
0x8a: {  	v39 =	vshll.u32 v40, $0x7;
	v40 =	vor.u32 s1, v4;
	v41 =	vor.u32 v25, v21;
	v34 =	vld.idx.msk [tilespmem:v42+s5+$0x0], $0xffff;
	[tilespmem:v29+s19+$0x0] =	vst.idx.msk $0xffff, v30  }
0x8b: {  	v28 =	vshll.u32 v28, $0x7;
	v29 =	vor.u32 v20, v39;
	v30 =	vor.u32 v40, v23;
	v33 =	vld.idx.msk [tilespmem:v33+s5+$0x0], $0xffff  }
0x8c: {  	v27 =	vshll.u32 v27, $0x7;
	v28 =	vor.u32 v16, v28;
	v42 =	vor.u32 s14, v1;
	v39 =	vld.idx.msk [tilespmem:v44+s5+$0x0], $0xffff;
	[tilespmem:v31+s19+$0x0] =	vst.idx.msk $0xffff, v32  }
0x8d: {  	v27 =	vor.u32 v22, v27;
	v32 =	vshll.u32 v35, $0x7;
	v35 =	vor.u32 v26, v17;
	v31 =	vld.idx.msk [tilespmem:v37+s5+$0x0], $0xffff  }
0x8e: {  	v37 =	vor.u32 v42, v38;
	[tilespmem:v24+s19+$0x0] =	vst.idx.msk $0xffff, v36;
	v24 =	vor.u32 v18, v32;
	v32 =	vor.u32 s4, v11  }
0x8f: {  	v25 =	vshll.u32 v25, $0x7;
	v44 =	vor.u32 s30, v15;
	s30 =	smov.u32 s4;
	s4 =	smov.u32 s3;
	s3 =	smov.u32 s1;
	v36 =	vld.idx.msk [tilespmem:v41+s5+$0x0], $0xffff;
	v41 =	vor.u32 v32, v19  }
0x90: {  	v25 =	vor.u32 v43, v25;
	s1 =	smov.u32 s14;
	v45 =	vor.u32 s3, v5;
	[tilespmem:v29+s19+$0x0] =	vst.idx.msk $0xffff, v34;
	v34 =	vor.u32 s4, v6  }
0x91: {  	v26 =	vshll.u32 v26, $0x7;
	v29 =	vshll.u32 v40, $0x7;
	v30 =	vld.idx.msk [tilespmem:v30+s5+$0x0], $0xffff;
	v40 =	vor.u32 v34, v21;
	[tilespmem:v28+s19+$0x0] =	vst.idx.msk $0xffff, v33  }
0x92: {  	v28 =	vor.u32 v45, v23;
	[tilespmem:v27+s19+$0x0] =	vst.idx.msk $0xffff, v39;
	v27 =	vor.u32 v20, v29;
	v39 =	vld.idx.msk [tilespmem:v35+s5+$0x0], $0xffff  }
0x93: {  	v26 =	vor.u32 v16, v26;
	v29 =	vshll.u32 v42, $0x7;
	v42 =	vor.u32 s1, v2;
	v37 =	vld.idx.msk [tilespmem:v37+s5+$0x0], $0xffff;
	[tilespmem:v24+s19+$0x0] =	vst.idx.msk $0xffff, v31  }
0x94: {  	v47 =	vor.u32 v44, v17;
	v17 =	vmovc v19;
	v46 =	vor.u32 v22, v29;
	v24 =	vshll.u32 v32, $0x7;
	v41 =	vld.idx.msk [tilespmem:v41+s5+$0x0], $0xffff  }
0x95: {  	s9 =	sand.u32 $0x30, s8;
	v50 =	vor.u32 s30, v12;
	v48 =	vor.u32 v42, v38;
	v49 =	vor.u32 v18, v24;
	[tilespmem:v25+s19+$0x0] =	vst.idx.msk $0xffff, v36  }
0x96: {  	v51 =	vor.u32 v50, v17;
	v19 =	vmovc v21;
	v21 =	vmovc v23;
	v24 =	vor.u32 s9, v0;
	v25 =	vshll.u32 v34, $0x7;
	v29 =	vld.idx.msk [tilespmem:v40+s5+$0x0], $0xffff  }
.Ltmp2:
0x97: {  	v23 =	vmovc v38;
	v31 =	vor.u32 s4, v9;
	v34 =	vor.u32 s3, v7;
	v32 =	vor.u32 v43, v25;
	[tilespmem:v27+s19+$0x0] =	vst.idx.msk $0xffff, v30;
	(pc) =	sbr.rel @p1 .LBB2_3-.Ltmp2, $4  }
0x98: {  	v33 =	vor.u32 v31, v19;
	v25 =	vshll.u32 v45, $0x7;
	v35 =	vld.idx.msk [tilespmem:v28+s5+$0x0], $0xffff;
	[tilespmem:v26+s19+$0x0] =	vst.idx.msk $0xffff, v39;
	v26 =	vshll.u32 v44, $0x7  }
0x99: {  	v36 =	vor.u32 v34, v21;
	[tilespmem:v46+s19+$0x0] =	vst.idx.msk $0xffff, v37;
	v37 =	vor.u32 v20, v25;
	v25 =	vld.idx.msk [tilespmem:v47+s5+$0x0], $0xffff  }
0x9a: {  	s7 =	sadd.s32 $0x10, s7;
	v27 =	vshll.u32 v42, $0x7;
	v28 =	vor.u32 s30, v13;
	v26 =	vor.u32 v16, v26;
	v39 =	vld.idx.msk [tilespmem:v48+s5+$0x0], $0xffff;
	[tilespmem:v49+s19+$0x0] =	vst.idx.msk $0xffff, v41  }
0x9b: {  	s8 =	sadd.s32 $0x2, s8;
	s14 =	sand.u32 $0x70, s7;
	v38 =	vshll.u32 v50, $0x7;
	v40 =	vor.u32 s1, v3;
	v16 =	vmovc v18;
	v18 =	vmovc v43;
	v41 =	vor.u32 v22, v27;
	v30 =	vld.idx.msk [tilespmem:v51+s5+$0x0], $0xffff  }
0x9c: {  	v42 =	vor.u32 s14, v0;
	v27 =	vshll.u32 v24, $0x7  }
0x9d: {  	v43 =	vor.u32 v42, v27;
	_ =	sdelay $0x3  }
0x9e: {  	v42 =	vshll.u32 v42, $0x7  }
0x9f: {  	v44 =	vor.u32 s14, v1;
	v42 =	vor.u32 v24, v42;
	v43 =	vld.idx.msk [tilespmem:v43+s5+$0x0], $0xffff  }
0xa0: {  	v45 =	vor.u32 v44, v27;
	_ =	sdelay $0x3  }
0xa1: {  	v61 =	vshll.u32 v44, $0x7;
	[tilespmem:v42+s19+$0x0] =	vst.idx.msk $0xffff, v43  }
0xa2: {  	v62 =	vor.u32 s14, v2;
	v42 =	vor.u32 v24, v61;
	v43 =	vld.idx.msk [tilespmem:v45+s5+$0x0], $0xffff  }
0xa3: {  	v63 =	vor.u32 v62, v27;
	_ =	sdelay $0x3  }
0xa4: {  	v48 =	vshll.u32 v62, $0x7;
	[tilespmem:v42+s19+$0x0] =	vst.idx.msk $0xffff, v43  }
0xa5: {  	v49 =	vor.u32 v40, v23;
	v51 =	vor.u32 s14, v3;
	v42 =	vor.u32 v24, v48;
	v50 =	vld.idx.msk [tilespmem:v63+s5+$0x0], $0xffff  }
0xa6: {  	v46 =	vor.u32 v51, v27;
	_ =	sdelay $0x2  }
0xa7: {  	v52 =	vshll.u32 v40, $0x7;
	[tilespmem:v41+s19+$0x0] =	vst.idx.msk $0xffff, v39  }
0xa8: {  	v54 =	vor.u32 s1, v4;
	v55 =	vshll.u32 v51, $0x7;
	v39 =	vor.u32 v22, v52;
	v53 =	vld.idx.msk [tilespmem:v49+s5+$0x0], $0xffff;
	[tilespmem:v42+s19+$0x0] =	vst.idx.msk $0xffff, v50  }
0xa9: {  	v57 =	vor.u32 s14, v4;
	v56 =	vor.u32 v54, v23;
	v42 =	vor.u32 v24, v55;
	v44 =	vld.idx.msk [tilespmem:v46+s5+$0x0], $0xffff  }
0xaa: {  	v58 =	vor.u32 v57, v27;
	_ =	sdelay $0x2  }
0xab: {  	v59 =	vshll.u32 v54, $0x7;
	[tilespmem:v39+s19+$0x0] =	vst.idx.msk $0xffff, v53  }
0xac: {  	v60 =	vor.u32 s1, v5;
	v62 =	vshll.u32 v57, $0x7;
	v39 =	vor.u32 v22, v59;
	v61 =	vld.idx.msk [tilespmem:v56+s5+$0x0], $0xffff;
	[tilespmem:v42+s19+$0x0] =	vst.idx.msk $0xffff, v44  }
0xad: {  	v48 =	vor.u32 s14, v5;
	v63 =	vor.u32 v60, v23;
	v42 =	vor.u32 v24, v62;
	v49 =	vld.idx.msk [tilespmem:v58+s5+$0x0], $0xffff  }
0xae: {  	v50 =	vor.u32 v48, v27;
	_ =	sdelay $0x2  }
0xaf: {  	v51 =	vshll.u32 v60, $0x7;
	[tilespmem:v39+s19+$0x0] =	vst.idx.msk $0xffff, v61  }
0xb0: {  	v52 =	vor.u32 s1, v7;
	v39 =	vor.u32 v22, v51;
	v53 =	vshll.u32 v48, $0x7;
	v41 =	vld.idx.msk [tilespmem:v63+s5+$0x0], $0xffff;
	[tilespmem:v42+s19+$0x0] =	vst.idx.msk $0xffff, v49  }
0xb1: {  	v54 =	vor.u32 v52, v23;
	v55 =	vor.u32 s14, v7;
	v42 =	vor.u32 v24, v53;
	v45 =	vld.idx.msk [tilespmem:v50+s5+$0x0], $0xffff  }
0xb2: {  	v56 =	vor.u32 v55, v27  }
0xb3: {  	v34 =	vshll.u32 v34, $0x7;
	[tilespmem:v37+s19+$0x0] =	vst.idx.msk $0xffff, v35  }
0xb4: {  	v34 =	vor.u32 v20, v34;
	v57 =	vor.u32 s3, v8;
	v35 =	vld.idx.msk [tilespmem:v36+s5+$0x0], $0xffff  }
0xb5: {  	v59 =	vshll.u32 v52, $0x7;
	[tilespmem:v39+s19+$0x0] =	vst.idx.msk $0xffff, v41;
	v58 =	vor.u32 v57, v21  }
0xb6: {  	v61 =	vor.u32 s1, v8;
	v39 =	vor.u32 v22, v59;
	v60 =	vld.idx.msk [tilespmem:v54+s5+$0x0], $0xffff;
	v62 =	vshll.u32 v55, $0x7;
	[tilespmem:v42+s19+$0x0] =	vst.idx.msk $0xffff, v45  }
0xb7: {  	v63 =	vor.u32 v61, v23;
	v49 =	vor.u32 s14, v8;
	v42 =	vor.u32 v24, v62;
	v48 =	vld.idx.msk [tilespmem:v56+s5+$0x0], $0xffff  }
0xb8: {  	[tilespmem:v32+s19+$0x0] =	vst.idx.msk $0xffff, v29;
	v31 =	vshll.u32 v31, $0x7;
	v50 =	vor.u32 v49, v27  }
0xb9: {  	v33 =	vld.idx.msk [tilespmem:v33+s5+$0x0], $0xffff;
	v31 =	vor.u32 v18, v31;
	[tilespmem:v34+s19+$0x0] =	vst.idx.msk $0xffff, v35;
	v51 =	vshll.u32 v57, $0x7  }
0xba: {  	v52 =	vor.u32 s3, v6;
	v34 =	vor.u32 v20, v51;
	v35 =	vld.idx.msk [tilespmem:v58+s5+$0x0], $0xffff  }
0xbb: {  	v54 =	vshll.u32 v61, $0x7;
	[tilespmem:v39+s19+$0x0] =	vst.idx.msk $0xffff, v60;
	v53 =	vor.u32 v52, v21  }
0xbc: {  	v55 =	vor.u32 s1, v6;
	v39 =	vor.u32 v22, v54;
	v40 =	vld.idx.msk [tilespmem:v63+s5+$0x0], $0xffff;
	v56 =	vshll.u32 v49, $0x7;
	[tilespmem:v42+s19+$0x0] =	vst.idx.msk $0xffff, v48  }
0xbd: {  	v57 =	vor.u32 v55, v23;
	v58 =	vor.u32 s14, v6;
	v42 =	vor.u32 v24, v56;
	v44 =	vld.idx.msk [tilespmem:v50+s5+$0x0], $0xffff  }
0xbe: {  	[tilespmem:v31+s19+$0x0] =	vst.idx.msk $0xffff, v33;
	v29 =	vor.u32 v58, v27  }
0xbf: {  	v59 =	vor.u32 v16, v38;
	v60 =	vshll.u32 v52, $0x7;
	[tilespmem:v34+s19+$0x0] =	vst.idx.msk $0xffff, v35  }
0xc0: {  	v61 =	vor.u32 v28, v17;
	v63 =	vor.u32 s3, v9;
	v34 =	vor.u32 v20, v60;
	v62 =	vld.idx.msk [tilespmem:v53+s5+$0x0], $0xffff  }
0xc1: {  	[tilespmem:v39+s19+$0x0] =	vst.idx.msk $0xffff, v40;
	v49 =	vshll.u32 v55, $0x7;
	v48 =	vor.u32 v63, v21  }
0xc2: {  	v51 =	vshll.u32 v58, $0x7;
	v40 =	vld.idx.msk [tilespmem:v57+s5+$0x0], $0xffff;
	v39 =	vor.u32 v22, v49;
	v50 =	vor.u32 s1, v9;
	[tilespmem:v42+s19+$0x0] =	vst.idx.msk $0xffff, v44  }
0xc3: {  	v53 =	vor.u32 s14, v9;
	v52 =	vor.u32 v50, v23;
	v42 =	vor.u32 v24, v51;
	v29 =	vld.idx.msk [tilespmem:v29+s5+$0x0], $0xffff  }
0xc4: {  	v28 =	vshll.u32 v28, $0x7;
	[tilespmem:v59+s19+$0x0] =	vst.idx.msk $0xffff, v30;
	v30 =	vor.u32 v53, v27  }
0xc5: {  	v28 =	vor.u32 v16, v28;
	v54 =	vor.u32 s4, v10;
	v35 =	vld.idx.msk [tilespmem:v61+s5+$0x0], $0xffff;
	[tilespmem:v34+s19+$0x0] =	vst.idx.msk $0xffff, v62;
	v56 =	vshll.u32 v63, $0x7  }
0xc6: {  	v58 =	vor.u32 s3, v10;
	v55 =	vor.u32 v54, v19;
	v57 =	vor.u32 v20, v56;
	v31 =	vld.idx.msk [tilespmem:v48+s5+$0x0], $0xffff  }
0xc7: {  	v59 =	vor.u32 v58, v21;
	[tilespmem:v39+s19+$0x0] =	vst.idx.msk $0xffff, v40;
	v60 =	vshll.u32 v50, $0x7  }
0xc8: {  	v62 =	vor.u32 s1, v10;
	v37 =	vor.u32 v22, v60;
	v61 =	vld.idx.msk [tilespmem:v52+s5+$0x0], $0xffff;
	[tilespmem:v42+s19+$0x0] =	vst.idx.msk $0xffff, v29;
	v29 =	vshll.u32 v53, $0x7  }
0xc9: {  	v63 =	vor.u32 v62, v23;
	v48 =	vor.u32 s14, v10;
	v30 =	vld.idx.msk [tilespmem:v30+s5+$0x0], $0xffff;
	v29 =	vor.u32 v24, v29  }
0xca: {  	v49 =	vshll.u32 v54, $0x7;
	[tilespmem:v28+s19+$0x0] =	vst.idx.msk $0xffff, v35;
	v51 =	vor.u32 v48, v27  }
0xcb: {  	v32 =	vld.idx.msk [tilespmem:v55+s5+$0x0], $0xffff;
	v50 =	vor.u32 s4, v11;
	[tilespmem:v57+s19+$0x0] =	vst.idx.msk $0xffff, v31;
	v31 =	vshll.u32 v58, $0x7;
	v42 =	vor.u32 v18, v49  }
0xcc: {  	v52 =	vor.u32 v50, v19;
	v28 =	vld.idx.msk [tilespmem:v59+s5+$0x0], $0xffff;
	v31 =	vor.u32 v20, v31;
	v53 =	vor.u32 s3, v11  }
0xcd: {  	v45 =	vor.u32 s30, v15;
	v55 =	vshll.u32 v62, $0x7;
	[tilespmem:v37+s19+$0x0] =	vst.idx.msk $0xffff, v61;
	v54 =	vor.u32 v53, v21  }
0xce: {  	v35 =	vor.u32 v22, v55;
	v57 =	vor.u32 s1, v11;
	v56 =	vld.idx.msk [tilespmem:v63+s5+$0x0], $0xffff;
	[tilespmem:v29+s19+$0x0] =	vst.idx.msk $0xffff, v30;
	v29 =	vshll.u32 v48, $0x7  }
0xcf: {  	v59 =	vor.u32 s14, v11;
	v30 =	vor.u32 v57, v23;
	v58 =	vld.idx.msk [tilespmem:v51+s5+$0x0], $0xffff;
	v29 =	vor.u32 v24, v29  }
0xd0: {  	v55 =	vor.u32 s14, v12;
	v60 =	vshll.u32 v50, $0x7;
	v61 =	vor.u32 v59, v27;
	[tilespmem:v42+s19+$0x0] =	vst.idx.msk $0xffff, v32  }
0xd1: {  	v50 =	vor.u32 s30, v14;
	[tilespmem:v31+s19+$0x0] =	vst.idx.msk $0xffff, v28;
	v28 =	vshll.u32 v53, $0x7;
	v32 =	vor.u32 v18, v60;
	v62 =	vld.idx.msk [tilespmem:v52+s5+$0x0], $0xffff  }
0xd2: {  	v49 =	vor.u32 s3, v12;
	v63 =	vor.u32 s4, v12;
	v28 =	vor.u32 v20, v28;
	v48 =	vld.idx.msk [tilespmem:v54+s5+$0x0], $0xffff  }
0xd3: {  	v31 =	vor.u32 v63, v19;
	[tilespmem:v35+s19+$0x0] =	vst.idx.msk $0xffff, v56;
	v52 =	vshll.u32 v57, $0x7;
	v51 =	vor.u32 v49, v21  }
0xd4: {  	v53 =	vor.u32 s1, v12;
	v35 =	vor.u32 v22, v52;
	v30 =	vld.idx.msk [tilespmem:v30+s5+$0x0], $0xffff;
	[tilespmem:v29+s19+$0x0] =	vst.idx.msk $0xffff, v58;
	v29 =	vshll.u32 v59, $0x7  }
0xd5: {  	v43 =	vshll.u32 v50, $0x7;
	v54 =	vor.u32 v53, v23;
	v38 =	vld.idx.msk [tilespmem:v61+s5+$0x0], $0xffff;
	v29 =	vor.u32 v24, v29  }
0xd6: {  	v56 =	vor.u32 v50, v17;
	v57 =	vshll.u32 v63, $0x7;
	[tilespmem:v32+s19+$0x0] =	vst.idx.msk $0xffff, v62;
	v58 =	vor.u32 v55, v27  }
0xd7: {  	v32 =	vor.u32 v18, v57;
	[tilespmem:v28+s19+$0x0] =	vst.idx.msk $0xffff, v48;
	v28 =	vshll.u32 v49, $0x7;
	v62 =	vshll.u32 v53, $0x7  }
0xd8: {  	v59 =	vor.u32 s4, v13;
	v31 =	vld.idx.msk [tilespmem:v31+s5+$0x0], $0xffff;
	v28 =	vor.u32 v20, v28;
	v61 =	vor.u32 s3, v13  }
0xd9: {  	v44 =	vld.idx.msk [tilespmem:v51+s5+$0x0], $0xffff;
	v60 =	vor.u32 v59, v19;
	[tilespmem:v35+s19+$0x0] =	vst.idx.msk $0xffff, v30;
	v30 =	vor.u32 v61, v21  }
0xda: {  	v63 =	vor.u32 s1, v13;
	v35 =	vor.u32 v22, v62;
	v37 =	vld.idx.msk [tilespmem:v54+s5+$0x0], $0xffff;
	[tilespmem:v29+s19+$0x0] =	vst.idx.msk $0xffff, v38;
	v29 =	vshll.u32 v55, $0x7  }
0xdb: {  	v48 =	vor.u32 v63, v23;
	v49 =	vor.u32 s14, v13;
	v41 =	vld.idx.msk [tilespmem:v58+s5+$0x0], $0xffff;
	v29 =	vor.u32 v24, v29  }
0xdc: {  	v43 =	vor.u32 v16, v43;
	v36 =	vshll.u32 v63, $0x7;
	v50 =	vor.u32 v49, v27  }
0xdd: {  	v36 =	vor.u32 v22, v36;
	v40 =	vld.idx.msk [tilespmem:v56+s5+$0x0], $0xffff;
	v53 =	vor.u32 s3, v14;
	[tilespmem:v32+s19+$0x0] =	vst.idx.msk $0xffff, v31;
	v31 =	vshll.u32 v59, $0x7  }
0xde: {  	v51 =	vor.u32 s4, v14;
	[tilespmem:v28+s19+$0x0] =	vst.idx.msk $0xffff, v44;
	v28 =	vshll.u32 v61, $0x7;
	v33 =	vld.idx.msk [tilespmem:v60+s5+$0x0], $0xffff;
	v31 =	vor.u32 v18, v31  }
0xdf: {  	v52 =	vor.u32 v51, v19;
	v28 =	vor.u32 v20, v28;
	v30 =	vld.idx.msk [tilespmem:v30+s5+$0x0], $0xffff;
	[tilespmem:v35+s19+$0x0] =	vst.idx.msk $0xffff, v37  }
0xe0: {  	v54 =	vor.u32 v53, v21;
	v55 =	vor.u32 s1, v14;
	v38 =	vld.idx.msk [tilespmem:v48+s5+$0x0], $0xffff;
	[tilespmem:v29+s19+$0x0] =	vst.idx.msk $0xffff, v41;
	v29 =	vshll.u32 v49, $0x7  }
0xe1: {  	v57 =	vor.u32 s14, v14;
	v56 =	vor.u32 v55, v23;
	v32 =	vld.idx.msk [tilespmem:v50+s5+$0x0], $0xffff;
	v29 =	vor.u32 v24, v29  }
0xe2: {  	v17 =	vor.u32 v45, v17;
	v59 =	vor.u32 s4, v15;
	v58 =	vor.u32 v57, v27  }
0xe3: {  	v19 =	vor.u32 v59, v19;
	v60 =	vshll.u32 v55, $0x7;
	[tilespmem:v31+s19+$0x0] =	vst.idx.msk $0xffff, v33;
	v31 =	vshll.u32 v51, $0x7  }
0xe4: {  	v34 =	vld.idx.msk [tilespmem:v52+s5+$0x0], $0xffff;
	v31 =	vor.u32 v18, v31;
	[tilespmem:v28+s19+$0x0] =	vst.idx.msk $0xffff, v30;
	v28 =	vor.u32 s3, v15;
	v30 =	vshll.u32 v53, $0x7  }
0xe5: {  	v35 =	vld.idx.msk [tilespmem:v54+s5+$0x0], $0xffff;
	v30 =	vor.u32 v20, v30;
	v21 =	vor.u32 v28, v21;
	[tilespmem:v36+s19+$0x0] =	vst.idx.msk $0xffff, v38  }
0xe6: {  	v61 =	vor.u32 s1, v15;
	v36 =	vor.u32 v22, v60;
	v38 =	vld.idx.msk [tilespmem:v56+s5+$0x0], $0xffff;
	[tilespmem:v29+s19+$0x0] =	vst.idx.msk $0xffff, v32;
	v29 =	vshll.u32 v57, $0x7  }
0xe7: {  	v62 =	vor.u32 s14, v15;
	v23 =	vor.u32 v61, v23;
	v33 =	vld.idx.msk [tilespmem:v58+s5+$0x0], $0xffff;
	v29 =	vor.u32 v24, v29  }
0xe8: {  	v63 =	vshll.u32 v45, $0x7;
	[tilespmem:v43+s19+$0x0] =	vst.idx.msk $0xffff, v40;
	v27 =	vor.u32 v62, v27  }
0xe9: {  	v16 =	vor.u32 v16, v63;
	v17 =	vld.idx.msk [tilespmem:v17+s5+$0x0], $0xffff;
	[tilespmem:v31+s19+$0x0] =	vst.idx.msk $0xffff, v34;
	v31 =	vshll.u32 v59, $0x7  }
0xea: {  	v28 =	vshll.u32 v28, $0x7;
	v19 =	vld.idx.msk [tilespmem:v19+s5+$0x0], $0xffff;
	v18 =	vor.u32 v18, v31;
	[tilespmem:v30+s19+$0x0] =	vst.idx.msk $0xffff, v35  }
0xeb: {  	v20 =	vor.u32 v20, v28;
	v28 =	vshll.u32 v61, $0x7;
	v21 =	vld.idx.msk [tilespmem:v21+s5+$0x0], $0xffff;
	[tilespmem:v36+s19+$0x0] =	vst.idx.msk $0xffff, v38  }
0xec: {  	v22 =	vor.u32 v22, v28;
	v28 =	vshll.u32 v62, $0x7;
	v23 =	vld.idx.msk [tilespmem:v23+s5+$0x0], $0xffff;
	[tilespmem:v29+s19+$0x0] =	vst.idx.msk $0xffff, v33  }
0xed: {  	[tilespmem:v26+s19+$0x0] =	vst.idx.msk $0xffff, v25;
	v24 =	vor.u32 v24, v28;
	v25 =	vld.idx.msk [tilespmem:v27+s5+$0x0], $0xffff  }
0xee: {  	[tilespmem:v16+s19+$0x0] =	vst.idx.msk $0xffff, v17  }
0xef: {  	s30 =	sshll.u32 s29, $0x6;
	[tilespmem:v18+s19+$0x0] =	vst.idx.msk $0xffff, v19  }
0xf0: {  	s7 =	sor.u32 s6, s30;
	[tilespmem:v20+s19+$0x0] =	vst.idx.msk $0xffff, v21  }
0xf1: {  	s31 =	sshll.u32 s7, $0xB;
	[tilespmem:v22+s19+$0x0] =	vst.idx.msk $0xffff, v23  }
0xf2: {  	s8 =	simm.s32 $0x0;
	s9 =	sadd.s32 s11, s30;
	s1 =	sadd.s32 s2, s31;
	[tilespmem:v24+s19+$0x0] =	vst.idx.msk $0xffff, v25  }
0xf3: {  	[hbm4b:s1+s8] =	stream.linear.scatter [tilespmem:s19], [sflag:$0x3], $0x4000, $0x38;
	[tilespmem:$0xE000] =	vst v63  }
0xf4: {  	p1 =	slt.u32 s9, $0x1E84;
	s1 =	sshll.u32 s9, $0x7  }
0xf5: {  	s1 =	simm.s32 @!p1 $0x0  }
0xf6: {  	s7 =	sand.u32 $0x70, s8;
	s14 =	sand.u32 $0x30, s8;
	s1 =	sadd.s32 s0, s1  }
0xf7: {  	v26 =	vor.u32 s14, v0;
	[tilespmem:s8], [sflag:$0x1] =	stream.strided.gather [hbm4b:s1+s16], $0x2000, s17, s16, $0x38;
	[tilespmem:$0xE000] =	vst v63  }
0xf8: {  	v16 =	vor.u32 s7, v0;
	v24 =	vshll.u32 v26, $0x7;
	_ =	swait.ge [sflag:s23], $0x2000  }
0xf9: {  	v17 =	vor.u32 v16, v24;
	[sflag:s23] =	ssyncset.done $0x0  }
0xfa: {  	[sflag:s23] =	ssyncadd.s32 $0xFFFFE000  }
0xfb: {  	_ =	swait.ge [sflag:s24], $0x4000  }
0xfc: {  	[sflag:s24] =	ssyncset.done $0x0  }
0xfd: {  	v16 =	vshll.u32 v16, $0x7;
	[sflag:s24] =	ssyncadd.s32 $0xFFFFC000  }
0xfe: {  	v18 =	vor.u32 s7, v1;
	v16 =	vor.u32 v26, v16;
	v17 =	vld.idx.msk [tilespmem:v17+s18+$0x0], $0xffff  }
0xff: {  	v19 =	vor.u32 v18, v24;
	_ =	sdelay $0x3  }
0x100: {  	[tilespmem:v16+s20+$0x0] =	vst.idx.msk $0xffff, v17;
	v16 =	vshll.u32 v18, $0x7  }
0x101: {  	v18 =	vor.u32 s7, v2;
	v17 =	vld.idx.msk [tilespmem:v19+s18+$0x0], $0xffff;
	v16 =	vor.u32 v26, v16  }
0x102: {  	v19 =	vor.u32 v18, v24;
	_ =	sdelay $0x2  }
0x103: {  	s4 =	simm.s32 $0x2  }
0x104: {  	s1 =	sand.u32 $0x30, s4;
	s8 =	simm.s32 $0x10;
	[tilespmem:v16+s20+$0x0] =	vst.idx.msk $0xffff, v17;
	v17 =	vshll.u32 v18, $0x7  }
0x105: {  	v20 =	vor.u32 s7, v3;
	s4 =	sand.u32 $0x70, s8;
	v16 =	vor.u32 s1, v0;
	v18 =	vld.idx.msk [tilespmem:v19+s18+$0x0], $0xffff;
	v19 =	vor.u32 v26, v17  }
0x106: {  	v22 =	vor.u32 v20, v24;
	v21 =	vor.u32 s4, v0;
	v17 =	vshll.u32 v16, $0x7  }
0x107: {  	v23 =	vor.u32 v21, v17;
	_ =	sdelay $0x2  }
0x108: {  	[tilespmem:v19+s20+$0x0] =	vst.idx.msk $0xffff, v18;
	v18 =	vshll.u32 v20, $0x7  }
0x109: {  	v21 =	vshll.u32 v21, $0x7;
	v20 =	vor.u32 s7, v4;
	v19 =	vld.idx.msk [tilespmem:v22+s18+$0x0], $0xffff;
	v18 =	vor.u32 v26, v18  }
0x10a: {  	v25 =	vor.u32 s4, v1;
	v21 =	vor.u32 v16, v21;
	v22 =	vor.u32 v20, v24;
	v23 =	vld.idx.msk [tilespmem:v23+s18+$0x0], $0xffff  }
0x10b: {  	v27 =	vor.u32 v25, v17;
	_ =	sdelay $0x2  }
0x10c: {  	[tilespmem:v18+s20+$0x0] =	vst.idx.msk $0xffff, v19;
	v18 =	vshll.u32 v20, $0x7  }
0x10d: {  	v19 =	vor.u32 s7, v5;
	[tilespmem:v21+s20+$0x0] =	vst.idx.msk $0xffff, v23;
	v21 =	vshll.u32 v25, $0x7;
	v20 =	vld.idx.msk [tilespmem:v22+s18+$0x0], $0xffff;
	v18 =	vor.u32 v26, v18  }
0x10e: {  	v25 =	vor.u32 s4, v2;
	v22 =	vor.u32 v19, v24;
	v23 =	vld.idx.msk [tilespmem:v27+s18+$0x0], $0xffff;
	v21 =	vor.u32 v16, v21  }
0x10f: {  	v27 =	vor.u32 v25, v17;
	_ =	sdelay $0x2  }
0x110: {  	[tilespmem:v18+s20+$0x0] =	vst.idx.msk $0xffff, v20;
	v18 =	vshll.u32 v19, $0x7  }
0x111: {  	s9 =	simm.s32 $0x4;
	v20 =	vor.u32 s7, v7;
	[tilespmem:v21+s20+$0x0] =	vst.idx.msk $0xffff, v23;
	v22 =	vld.idx.msk [tilespmem:v22+s18+$0x0], $0xffff;
	v21 =	vor.u32 v26, v18;
	v18 =	vshll.u32 v25, $0x7  }
0x112: {  	s14 =	simm.s32 $0x20;
	v28 =	vor.u32 s4, v3;
	s1 =	sand.u32 $0x30, s9;
	v23 =	vor.u32 v20, v24;
	v25 =	vld.idx.msk [tilespmem:v27+s18+$0x0], $0xffff;
	v27 =	vor.u32 v16, v18  }
0x113: {  	s3 =	sand.u32 $0x70, s14;
	v29 =	vor.u32 v28, v17;
	v18 =	vor.u32 s1, v0  }
0x114: {  	v30 =	vor.u32 s3, v0;
	v19 =	vshll.u32 v18, $0x7  }
0x115: {  	v31 =	vor.u32 v30, v19  }
0x116: {  	v20 =	vshll.u32 v20, $0x7;
	[tilespmem:v21+s20+$0x0] =	vst.idx.msk $0xffff, v22  }
0x117: {  	v20 =	vor.u32 v26, v20;
	v22 =	vor.u32 s7, v8;
	v21 =	vld.idx.msk [tilespmem:v23+s18+$0x0], $0xffff;
	[tilespmem:v27+s20+$0x0] =	vst.idx.msk $0xffff, v25;
	v23 =	vshll.u32 v28, $0x7  }
0x118: {  	v27 =	vor.u32 s4, v4;
	v28 =	vor.u32 v22, v24;
	v25 =	vld.idx.msk [tilespmem:v29+s18+$0x0], $0xffff;
	v23 =	vor.u32 v16, v23  }
0x119: {  	v30 =	vshll.u32 v30, $0x7;
	v29 =	vor.u32 v27, v17  }
0x11a: {  	v39 =	vor.u32 s3, v1;
	v30 =	vor.u32 v18, v30;
	v31 =	vld.idx.msk [tilespmem:v31+s18+$0x0], $0xffff  }
0x11b: {  	v40 =	vor.u32 v39, v19  }
0x11c: {  	[tilespmem:v20+s20+$0x0] =	vst.idx.msk $0xffff, v21;
	v20 =	vshll.u32 v22, $0x7  }
0x11d: {  	v22 =	vor.u32 s7, v6;
	v21 =	vld.idx.msk [tilespmem:v28+s18+$0x0], $0xffff;
	[tilespmem:v23+s20+$0x0] =	vst.idx.msk $0xffff, v25;
	v20 =	vor.u32 v26, v20;
	v23 =	vshll.u32 v27, $0x7  }
0x11e: {  	v25 =	vor.u32 s4, v5;
	v28 =	vor.u32 v22, v24;
	v27 =	vld.idx.msk [tilespmem:v29+s18+$0x0], $0xffff;
	v23 =	vor.u32 v16, v23  }
0x11f: {  	[tilespmem:v30+s20+$0x0] =	vst.idx.msk $0xffff, v31;
	v29 =	vor.u32 v25, v17;
	v30 =	vshll.u32 v39, $0x7  }
0x120: {  	v41 =	vor.u32 s3, v2;
	v31 =	vld.idx.msk [tilespmem:v40+s18+$0x0], $0xffff;
	v30 =	vor.u32 v18, v30  }
0x121: {  	v42 =	vor.u32 v41, v19  }
0x122: {  	[tilespmem:v20+s20+$0x0] =	vst.idx.msk $0xffff, v21;
	v20 =	vshll.u32 v22, $0x7  }
0x123: {  	v22 =	vld.idx.msk [tilespmem:v28+s18+$0x0], $0xffff;
	[tilespmem:v23+s20+$0x0] =	vst.idx.msk $0xffff, v27;
	v23 =	vor.u32 v26, v20;
	v27 =	vor.u32 s7, v9;
	v20 =	vshll.u32 v25, $0x7  }
0x124: {  	s8 =	simm.s32 $0x6;
	v25 =	vor.u32 s4, v7;
	v28 =	vld.idx.msk [tilespmem:v29+s18+$0x0], $0xffff;
	v29 =	vor.u32 v27, v24;
	v43 =	vor.u32 v16, v20  }
0x125: {  	s1 =	sand.u32 $0x30, s8;
	s8 =	simm.s32 $0x30;
	v21 =	vshll.u32 v41, $0x7;
	[tilespmem:v30+s20+$0x0] =	vst.idx.msk $0xffff, v31;
	v30 =	vor.u32 v25, v17  }
0x126: {  	v44 =	vor.u32 s3, v3;
	v32 =	vor.u32 v18, v21;
	v20 =	vor.u32 s1, v0;
	s1 =	sand.u32 $0x70, s8;
	v31 =	vld.idx.msk [tilespmem:v42+s18+$0x0], $0xffff  }
0x127: {  	v46 =	vor.u32 v44, v19;
	v45 =	vor.u32 s1, v0;
	v21 =	vshll.u32 v20, $0x7  }
0x128: {  	[tilespmem:v23+s20+$0x0] =	vst.idx.msk $0xffff, v22;
	v22 =	vshll.u32 v27, $0x7;
	v23 =	vor.u32 v45, v21  }
0x129: {  	v25 =	vshll.u32 v25, $0x7;
	v27 =	vld.idx.msk [tilespmem:v29+s18+$0x0], $0xffff;
	[tilespmem:v43+s20+$0x0] =	vst.idx.msk $0xffff, v28;
	v22 =	vor.u32 v26, v22;
	v28 =	vor.u32 s7, v10  }
0x12a: {  	v47 =	vor.u32 s4, v8;
	v25 =	vor.u32 v16, v25;
	v29 =	vld.idx.msk [tilespmem:v30+s18+$0x0], $0xffff;
	v30 =	vor.u32 v28, v24  }
0x12b: {  	v48 =	vor.u32 v47, v17;
	[tilespmem:v32+s20+$0x0] =	vst.idx.msk $0xffff, v31;
	v31 =	vshll.u32 v44, $0x7  }
0x12c: {  	v50 =	vor.u32 s3, v4;
	v56 =	vor.u32 s3, v5;
	v49 =	vld.idx.msk [tilespmem:v46+s18+$0x0], $0xffff;
	v31 =	vor.u32 v18, v31  }
0x12d: {  	v62 =	vor.u32 s3, v7;
	v51 =	vor.u32 v50, v19;
	v35 =	vshll.u32 v45, $0x7  }
0x12e: {  	v58 =	vor.u32 s7, v12;
	v52 =	vor.u32 s1, v1;
	v23 =	vld.idx.msk [tilespmem:v23+s18+$0x0], $0xffff;
	[tilespmem:v22+s20+$0x0] =	vst.idx.msk $0xffff, v27;
	v22 =	vor.u32 v20, v35  }
0x12f: {  	v54 =	vor.u32 s4, v6;
	v27 =	vshll.u32 v28, $0x7;
	v28 =	vor.u32 v52, v21;
	v30 =	vld.idx.msk [tilespmem:v30+s18+$0x0], $0xffff;
	[tilespmem:v25+s20+$0x0] =	vst.idx.msk $0xffff, v29  }
0x130: {  	v25 =	vor.u32 v26, v27;
	v27 =	vor.u32 s7, v11;
	v29 =	vshll.u32 v47, $0x7;
	v32 =	vld.idx.msk [tilespmem:v48+s18+$0x0], $0xffff  }
0x131: {  	v53 =	vor.u32 v27, v24;
	v29 =	vor.u32 v16, v29;
	[tilespmem:v31+s20+$0x0] =	vst.idx.msk $0xffff, v49;
	v31 =	vshll.u32 v50, $0x7  }
0x132: {  	v60 =	vor.u32 v58, v24;
	v55 =	vor.u32 v54, v17;
	v37 =	vld.idx.msk [tilespmem:v51+s18+$0x0], $0xffff;
	v31 =	vor.u32 v18, v31  }
0x133: {  	v61 =	vor.u32 s4, v9;
	v59 =	vshll.u32 v54, $0x7;
	v54 =	vshll.u32 v62, $0x7  }
0x134: {  	v57 =	vor.u32 s1, v2;
	[tilespmem:v22+s20+$0x0] =	vst.idx.msk $0xffff, v23;
	v23 =	vor.u32 v56, v19;
	v22 =	vshll.u32 v52, $0x7  }
0x135: {  	v45 =	vor.u32 s7, v13;
	v28 =	vld.idx.msk [tilespmem:v28+s18+$0x0], $0xffff;
	[tilespmem:v25+s20+$0x0] =	vst.idx.msk $0xffff, v30;
	v25 =	vor.u32 v20, v22;
	v22 =	vshll.u32 v27, $0x7  }
0x136: {  	v30 =	vor.u32 v57, v21;
	v27 =	vld.idx.msk [tilespmem:v53+s18+$0x0], $0xffff;
	[tilespmem:v29+s20+$0x0] =	vst.idx.msk $0xffff, v32;
	v29 =	vor.u32 v26, v22  }
0x137: {  	v34 =	vor.u32 s1, v7;
	v38 =	vshll.u32 v45, $0x7;
	v33 =	vld.idx.msk [tilespmem:v55+s18+$0x0], $0xffff;
	[tilespmem:v31+s20+$0x0] =	vst.idx.msk $0xffff, v37;
	v31 =	vor.u32 v16, v59  }
0x138: {  	v44 =	vor.u32 v61, v17;
	v38 =	vor.u32 v26, v38;
	v47 =	vor.u32 s1, v3  }
0x139: {  	s9 =	simm.s32 $0x8;
	v49 =	vshll.u32 v61, $0x7;
	v51 =	vor.u32 v45, v24;
	v63 =	vld.idx.msk [tilespmem:v23+s18+$0x0], $0xffff;
	v23 =	vshll.u32 v56, $0x7  }
0x13a: {  	s8 =	sand.u32 $0x30, s9;
	[tilespmem:v25+s20+$0x0] =	vst.idx.msk $0xffff, v28;
	v25 =	vor.u32 v18, v23;
	v28 =	vor.u32 v62, v19;
	v23 =	vshll.u32 v57, $0x7  }
0x13b: {  	s14 =	simm.s32 $0x40;
	v22 =	vor.u32 s8, v0;
	v30 =	vld.idx.msk [tilespmem:v30+s18+$0x0], $0xffff;
	v46 =	vor.u32 v20, v23;
	[tilespmem:v29+s20+$0x0] =	vst.idx.msk $0xffff, v27;
	v23 =	vshll.u32 v58, $0x7  }
0x13c: {  	s14 =	sand.u32 $0x70, s14;
	v29 =	vor.u32 v47, v21;
	v48 =	vld.idx.msk [tilespmem:v60+s18+$0x0], $0xffff;
	[tilespmem:v31+s20+$0x0] =	vst.idx.msk $0xffff, v33;
	v31 =	vor.u32 v26, v23  }
0x13d: {  	v53 =	vor.u32 s4, v10;
	v27 =	vor.u32 s14, v0;
	v23 =	vshll.u32 v22, $0x7  }
0x13e: {  	v55 =	vor.u32 v53, v17;
	v59 =	vor.u32 s1, v4;
	v52 =	vor.u32 v27, v23  }
0x13f: {  	v61 =	vor.u32 v59, v21;
	v50 =	vld.idx.msk [tilespmem:v44+s18+$0x0], $0xffff;
	[tilespmem:v25+s20+$0x0] =	vst.idx.msk $0xffff, v63;
	v25 =	vor.u32 v16, v49  }
0x140: {  	v45 =	vor.u32 s7, v15;
	v58 =	vshll.u32 v47, $0x7;
	v28 =	vld.idx.msk [tilespmem:v28+s18+$0x0], $0xffff;
	[tilespmem:v46+s20+$0x0] =	vst.idx.msk $0xffff, v30;
	v30 =	vor.u32 v18, v54  }
0x141: {  	v42 =	vshll.u32 v53, $0x7;
	v56 =	vor.u32 s3, v8;
	v29 =	vld.idx.msk [tilespmem:v29+s18+$0x0], $0xffff;
	[tilespmem:v31+s20+$0x0] =	vst.idx.msk $0xffff, v48;
	v31 =	vor.u32 v20, v58  }
0x142: {  	v57 =	vor.u32 s7, v14;
	v60 =	vor.u32 v56, v19;
	v27 =	vshll.u32 v27, $0x7;
	v35 =	vld.idx.msk [tilespmem:v51+s18+$0x0], $0xffff  }
0x143: {  	v62 =	vor.u32 s14, v1;
	v27 =	vor.u32 v22, v27;
	v49 =	vor.u32 v16, v42;
	v36 =	vld.idx.msk [tilespmem:v52+s18+$0x0], $0xffff  }
0x144: {  	v63 =	vor.u32 s1, v5;
	v54 =	vshll.u32 v57, $0x7;
	v48 =	vor.u32 v57, v24;
	[tilespmem:v25+s20+$0x0] =	vst.idx.msk $0xffff, v50  }
0x145: {  	v57 =	vor.u32 s14, v2;
	v25 =	vor.u32 v62, v23;
	v50 =	vor.u32 s4, v11;
	v37 =	vld.idx.msk [tilespmem:v55+s18+$0x0], $0xffff;
	[tilespmem:v30+s20+$0x0] =	vst.idx.msk $0xffff, v28  }
0x146: {  	v39 =	vor.u32 v26, v54;
	v28 =	vshll.u32 v56, $0x7;
	v30 =	vor.u32 v50, v17;
	[tilespmem:v31+s20+$0x0] =	vst.idx.msk $0xffff, v29  }
0x147: {  	v52 =	vshll.u32 v59, $0x7;
	v51 =	vld.idx.msk [tilespmem:v60+s18+$0x0], $0xffff;
	v28 =	vor.u32 v18, v28;
	v29 =	vor.u32 s3, v6;
	[tilespmem:v38+s20+$0x0] =	vst.idx.msk $0xffff, v35  }
0x148: {  	v31 =	vld.idx.msk [tilespmem:v61+s18+$0x0], $0xffff;
	v53 =	vor.u32 v29, v19;
	[tilespmem:v27+s20+$0x0] =	vst.idx.msk $0xffff, v36;
	v27 =	vor.u32 v20, v52  }
0x149: {  	v55 =	vor.u32 v63, v21;
	v56 =	vshll.u32 v62, $0x7;
	v59 =	vshll.u32 v50, $0x7;
	v38 =	vld.idx.msk [tilespmem:v48+s18+$0x0], $0xffff  }
0x14a: {  	v58 =	vor.u32 v22, v56;
	v60 =	vor.u32 v45, v24;
	v25 =	vld.idx.msk [tilespmem:v25+s18+$0x0], $0xffff;
	[tilespmem:v49+s20+$0x0] =	vst.idx.msk $0xffff, v37  }
0x14b: {  	v47 =	vor.u32 s4, v12;
	v62 =	vor.u32 v16, v59;
	v61 =	vor.u32 v57, v23;
	v30 =	vld.idx.msk [tilespmem:v30+s18+$0x0], $0xffff  }
0x14c: {  	v36 =	vor.u32 v34, v21;
	v48 =	vor.u32 v47, v17;
	[tilespmem:v28+s20+$0x0] =	vst.idx.msk $0xffff, v51;
	v28 =	vshll.u32 v29, $0x7  }
0x14d: {  	v29 =	vld.idx.msk [tilespmem:v53+s18+$0x0], $0xffff;
	[tilespmem:v27+s20+$0x0] =	vst.idx.msk $0xffff, v31;
	v32 =	vor.u32 v18, v28;
	v31 =	vor.u32 s3, v9  }
0x14e: {  	s9 =	simm.s32 $0xA;
	v27 =	vshll.u32 v63, $0x7;
	v35 =	vld.idx.msk [tilespmem:v55+s18+$0x0], $0xffff;
	v33 =	vor.u32 v31, v19;
	[tilespmem:v39+s20+$0x0] =	vst.idx.msk $0xffff, v38  }
0x14f: {  	v40 =	vor.u32 s14, v3;
	s7 =	sand.u32 $0x30, s9;
	v63 =	vshll.u32 v45, $0x7;
	v37 =	vor.u32 v20, v27;
	[tilespmem:v58+s20+$0x0] =	vst.idx.msk $0xffff, v25;
	v25 =	vld.idx.msk [tilespmem:v60+s18+$0x0], $0xffff  }
0x150: {  	s8 =	simm.s32 $0x50;
	v24 =	vor.u32 s7, v0;
	v27 =	vshll.u32 v57, $0x7;
	v26 =	vor.u32 v26, v63;
	v39 =	vld.idx.msk [tilespmem:v61+s18+$0x0], $0xffff;
	[tilespmem:v62+s20+$0x0] =	vst.idx.msk $0xffff, v30  }
0x151: {  	s9 =	simm.s32 $0xC;
	s7 =	sand.u32 $0x70, s8;
	v28 =	vor.u32 s4, v13;
	v38 =	vshll.u32 v47, $0x7;
	v41 =	vor.u32 v22, v27;
	v30 =	vld.idx.msk [tilespmem:v48+s18+$0x0], $0xffff  }
.LBB2_5:
0x152: {  	p1 =	sne.s32 s9, $0x3E;
	v27 =	vor.u32 s7, v0;
	v42 =	vor.u32 v40, v23;
	[tilespmem:v32+s20+$0x0] =	vst.idx.msk $0xffff, v29;
	v29 =	vor.u32 v16, v38  }
0x153: {  	v38 =	vshll.u32 v24, $0x7;
	v31 =	vshll.u32 v31, $0x7;
	v43 =	vmovc v20;
	v20 =	vmovc v22;
	v32 =	vld.idx.msk [tilespmem:v33+s18+$0x0], $0xffff;
	v33 =	vor.u32 v28, v17  }
0x154: {  	v44 =	vor.u32 v27, v38;
	v31 =	vor.u32 v18, v31;
	[tilespmem:v37+s20+$0x0] =	vst.idx.msk $0xffff, v35;
	v35 =	vor.u32 s3, v10  }
0x155: {  	v34 =	vshll.u32 v34, $0x7;
	v22 =	vmov v24;
	v36 =	vld.idx.msk [tilespmem:v36+s18+$0x0], $0xffff;
	v37 =	vor.u32 v35, v19;
	[tilespmem:v26+s20+$0x0] =	vst.idx.msk $0xffff, v25  }
0x156: {  	v24 =	vor.u32 v43, v34;
	v25 =	vor.u32 s1, v8;
	v26 =	vor.u32 s4, v14;
	[tilespmem:v41+s20+$0x0] =	vst.idx.msk $0xffff, v39  }
0x157: {  	v39 =	vshll.u32 v40, $0x7;
	v40 =	vor.u32 s14, v4;
	v41 =	vor.u32 v25, v21;
	v34 =	vld.idx.msk [tilespmem:v42+s18+$0x0], $0xffff;
	[tilespmem:v29+s20+$0x0] =	vst.idx.msk $0xffff, v30  }
0x158: {  	v28 =	vshll.u32 v28, $0x7;
	v29 =	vor.u32 v20, v39;
	v30 =	vor.u32 v40, v23;
	v33 =	vld.idx.msk [tilespmem:v33+s18+$0x0], $0xffff  }
0x159: {  	v27 =	vshll.u32 v27, $0x7;
	v28 =	vor.u32 v16, v28;
	v42 =	vor.u32 s7, v1;
	v39 =	vld.idx.msk [tilespmem:v44+s18+$0x0], $0xffff;
	[tilespmem:v31+s20+$0x0] =	vst.idx.msk $0xffff, v32  }
0x15a: {  	v27 =	vor.u32 v22, v27;
	v32 =	vshll.u32 v35, $0x7;
	v35 =	vor.u32 v26, v17;
	v31 =	vld.idx.msk [tilespmem:v37+s18+$0x0], $0xffff  }
0x15b: {  	v37 =	vor.u32 v42, v38;
	[tilespmem:v24+s20+$0x0] =	vst.idx.msk $0xffff, v36;
	v24 =	vor.u32 v18, v32;
	v32 =	vor.u32 s3, v11  }
0x15c: {  	v25 =	vshll.u32 v25, $0x7;
	v44 =	vor.u32 s4, v15;
	s4 =	smov.u32 s3;
	s3 =	smov.u32 s1;
	s1 =	smov.u32 s14;
	v36 =	vld.idx.msk [tilespmem:v41+s18+$0x0], $0xffff;
	v41 =	vor.u32 v32, v19  }
0x15d: {  	v25 =	vor.u32 v43, v25;
	s14 =	smov.u32 s7;
	v45 =	vor.u32 s1, v5;
	[tilespmem:v29+s20+$0x0] =	vst.idx.msk $0xffff, v34;
	v34 =	vor.u32 s3, v6  }
0x15e: {  	v26 =	vshll.u32 v26, $0x7;
	v29 =	vshll.u32 v40, $0x7;
	v30 =	vld.idx.msk [tilespmem:v30+s18+$0x0], $0xffff;
	v40 =	vor.u32 v34, v21;
	[tilespmem:v28+s20+$0x0] =	vst.idx.msk $0xffff, v33  }
0x15f: {  	v28 =	vor.u32 v45, v23;
	[tilespmem:v27+s20+$0x0] =	vst.idx.msk $0xffff, v39;
	v27 =	vor.u32 v20, v29;
	v39 =	vld.idx.msk [tilespmem:v35+s18+$0x0], $0xffff  }
0x160: {  	v26 =	vor.u32 v16, v26;
	v29 =	vshll.u32 v42, $0x7;
	v42 =	vor.u32 s14, v2;
	v37 =	vld.idx.msk [tilespmem:v37+s18+$0x0], $0xffff;
	[tilespmem:v24+s20+$0x0] =	vst.idx.msk $0xffff, v31  }
0x161: {  	v47 =	vor.u32 v44, v17;
	v17 =	vmovc v19;
	v46 =	vor.u32 v22, v29;
	v24 =	vshll.u32 v32, $0x7;
	v41 =	vld.idx.msk [tilespmem:v41+s18+$0x0], $0xffff  }
0x162: {  	v50 =	vor.u32 s4, v12;
	s7 =	sand.u32 $0x30, s9;
	v48 =	vor.u32 v42, v38;
	v49 =	vor.u32 v18, v24;
	[tilespmem:v25+s20+$0x0] =	vst.idx.msk $0xffff, v36  }
0x163: {  	v51 =	vor.u32 v50, v17;
	v19 =	vmovc v21;
	v21 =	vmovc v23;
	v24 =	vor.u32 s7, v0;
	v25 =	vshll.u32 v34, $0x7;
	v29 =	vld.idx.msk [tilespmem:v40+s18+$0x0], $0xffff  }
.Ltmp3:
0x164: {  	v23 =	vmovc v38;
	v31 =	vor.u32 s3, v9;
	v34 =	vor.u32 s1, v7;
	v32 =	vor.u32 v43, v25;
	[tilespmem:v27+s20+$0x0] =	vst.idx.msk $0xffff, v30;
	(pc) =	sbr.rel @p1 .LBB2_5-.Ltmp3, $4  }
0x165: {  	v33 =	vor.u32 v31, v19;
	v25 =	vshll.u32 v45, $0x7;
	v35 =	vld.idx.msk [tilespmem:v28+s18+$0x0], $0xffff;
	[tilespmem:v26+s20+$0x0] =	vst.idx.msk $0xffff, v39;
	v26 =	vshll.u32 v44, $0x7  }
0x166: {  	v36 =	vor.u32 v34, v21;
	[tilespmem:v46+s20+$0x0] =	vst.idx.msk $0xffff, v37;
	v37 =	vor.u32 v20, v25;
	v25 =	vld.idx.msk [tilespmem:v47+s18+$0x0], $0xffff  }
0x167: {  	s8 =	sadd.s32 $0x10, s8;
	v27 =	vshll.u32 v42, $0x7;
	v28 =	vor.u32 s4, v13;
	v26 =	vor.u32 v16, v26;
	v39 =	vld.idx.msk [tilespmem:v48+s18+$0x0], $0xffff;
	[tilespmem:v49+s20+$0x0] =	vst.idx.msk $0xffff, v41  }
0x168: {  	s9 =	sadd.s32 $0x2, s9;
	v38 =	vshll.u32 v50, $0x7;
	s7 =	sand.u32 $0x70, s8;
	v40 =	vor.u32 s14, v3;
	v16 =	vmovc v18;
	v18 =	vmovc v43;
	v41 =	vor.u32 v22, v27;
	v30 =	vld.idx.msk [tilespmem:v51+s18+$0x0], $0xffff  }
0x169: {  	v42 =	vor.u32 s7, v0;
	v27 =	vshll.u32 v24, $0x7  }
0x16a: {  	v43 =	vor.u32 v42, v27;
	_ =	sdelay $0x3  }
0x16b: {  	v42 =	vshll.u32 v42, $0x7  }
0x16c: {  	v44 =	vor.u32 s7, v1;
	v42 =	vor.u32 v24, v42;
	v43 =	vld.idx.msk [tilespmem:v43+s18+$0x0], $0xffff  }
0x16d: {  	v45 =	vor.u32 v44, v27;
	_ =	sdelay $0x3  }
0x16e: {  	v53 =	vshll.u32 v44, $0x7;
	[tilespmem:v42+s20+$0x0] =	vst.idx.msk $0xffff, v43  }
0x16f: {  	v54 =	vor.u32 s7, v2;
	v42 =	vor.u32 v24, v53;
	v43 =	vld.idx.msk [tilespmem:v45+s18+$0x0], $0xffff  }
0x170: {  	v55 =	vor.u32 v54, v27;
	_ =	sdelay $0x3  }
0x171: {  	v56 =	vshll.u32 v54, $0x7;
	[tilespmem:v42+s20+$0x0] =	vst.idx.msk $0xffff, v43  }
0x172: {  	v57 =	vor.u32 v40, v23;
	v59 =	vor.u32 s7, v3;
	v42 =	vor.u32 v24, v56;
	v58 =	vld.idx.msk [tilespmem:v55+s18+$0x0], $0xffff  }
0x173: {  	v46 =	vor.u32 v59, v27;
	_ =	sdelay $0x2  }
0x174: {  	v60 =	vshll.u32 v40, $0x7;
	[tilespmem:v41+s20+$0x0] =	vst.idx.msk $0xffff, v39  }
0x175: {  	v62 =	vor.u32 s14, v4;
	v63 =	vshll.u32 v59, $0x7;
	v39 =	vor.u32 v22, v60;
	v61 =	vld.idx.msk [tilespmem:v57+s18+$0x0], $0xffff;
	[tilespmem:v42+s20+$0x0] =	vst.idx.msk $0xffff, v58  }
0x176: {  	v49 =	vor.u32 s7, v4;
	v48 =	vor.u32 v62, v23;
	v42 =	vor.u32 v24, v63;
	v44 =	vld.idx.msk [tilespmem:v46+s18+$0x0], $0xffff  }
0x177: {  	v50 =	vor.u32 v49, v27;
	_ =	sdelay $0x2  }
0x178: {  	v51 =	vshll.u32 v62, $0x7;
	[tilespmem:v39+s20+$0x0] =	vst.idx.msk $0xffff, v61  }
0x179: {  	v52 =	vor.u32 s14, v5;
	v54 =	vshll.u32 v49, $0x7;
	v39 =	vor.u32 v22, v51;
	v53 =	vld.idx.msk [tilespmem:v48+s18+$0x0], $0xffff;
	[tilespmem:v42+s20+$0x0] =	vst.idx.msk $0xffff, v44  }
0x17a: {  	v56 =	vor.u32 s7, v5;
	v55 =	vor.u32 v52, v23;
	v42 =	vor.u32 v24, v54;
	v57 =	vld.idx.msk [tilespmem:v50+s18+$0x0], $0xffff  }
0x17b: {  	v58 =	vor.u32 v56, v27;
	_ =	sdelay $0x2  }
0x17c: {  	v59 =	vshll.u32 v52, $0x7;
	[tilespmem:v39+s20+$0x0] =	vst.idx.msk $0xffff, v53  }
0x17d: {  	v60 =	vor.u32 s14, v7;
	v39 =	vor.u32 v22, v59;
	v61 =	vshll.u32 v56, $0x7;
	v41 =	vld.idx.msk [tilespmem:v55+s18+$0x0], $0xffff;
	[tilespmem:v42+s20+$0x0] =	vst.idx.msk $0xffff, v57  }
0x17e: {  	v62 =	vor.u32 v60, v23;
	v63 =	vor.u32 s7, v7;
	v42 =	vor.u32 v24, v61;
	v45 =	vld.idx.msk [tilespmem:v58+s18+$0x0], $0xffff  }
0x17f: {  	v48 =	vor.u32 v63, v27  }
0x180: {  	v34 =	vshll.u32 v34, $0x7  }
0x181: {  	[tilespmem:v37+s20+$0x0] =	vst.idx.msk $0xffff, v35;
	v34 =	vor.u32 v20, v34;
	v51 =	vshll.u32 v60, $0x7  }
0x182: {  	v49 =	vor.u32 s1, v8;
	v35 =	vld.idx.msk [tilespmem:v36+s18+$0x0], $0xffff;
	[tilespmem:v39+s20+$0x0] =	vst.idx.msk $0xffff, v41;
	v39 =	vor.u32 v22, v51  }
0x183: {  	v53 =	vor.u32 s14, v8;
	v52 =	vld.idx.msk [tilespmem:v62+s18+$0x0], $0xffff;
	v54 =	vshll.u32 v63, $0x7;
	v50 =	vor.u32 v49, v21;
	[tilespmem:v42+s20+$0x0] =	vst.idx.msk $0xffff, v45  }
0x184: {  	v55 =	vor.u32 v53, v23;
	v57 =	vor.u32 s7, v8;
	v42 =	vor.u32 v24, v54;
	v56 =	vld.idx.msk [tilespmem:v48+s18+$0x0], $0xffff  }
0x185: {  	v58 =	vor.u32 v57, v27;
	_ =	sdelay $0x1  }
0x186: {  	[tilespmem:v34+s20+$0x0] =	vst.idx.msk $0xffff, v35;
	v60 =	vor.u32 s1, v6;
	v59 =	vshll.u32 v49, $0x7;
	v62 =	vshll.u32 v53, $0x7  }
0x187: {  	v34 =	vor.u32 v20, v59;
	[tilespmem:v39+s20+$0x0] =	vst.idx.msk $0xffff, v52;
	v39 =	vor.u32 v22, v62;
	v35 =	vld.idx.msk [tilespmem:v50+s18+$0x0], $0xffff  }
0x188: {  	v63 =	vor.u32 s14, v6;
	v61 =	vor.u32 v60, v21;
	v40 =	vld.idx.msk [tilespmem:v55+s18+$0x0], $0xffff;
	v48 =	vshll.u32 v57, $0x7;
	[tilespmem:v42+s20+$0x0] =	vst.idx.msk $0xffff, v56  }
0x189: {  	v49 =	vor.u32 v63, v23;
	v50 =	vor.u32 s7, v6;
	v42 =	vor.u32 v24, v48;
	v44 =	vld.idx.msk [tilespmem:v58+s18+$0x0], $0xffff  }
0x18a: {  	v51 =	vor.u32 v50, v27  }
0x18b: {  	[tilespmem:v32+s20+$0x0] =	vst.idx.msk $0xffff, v29;
	v31 =	vshll.u32 v31, $0x7;
	v53 =	vshll.u32 v60, $0x7;
	v52 =	vor.u32 v16, v38  }
0x18c: {  	v59 =	vor.u32 s14, v9;
	v60 =	vshll.u32 v50, $0x7;
	[tilespmem:v34+s20+$0x0] =	vst.idx.msk $0xffff, v35;
	v34 =	vor.u32 v20, v53  }
0x18d: {  	[tilespmem:v39+s20+$0x0] =	vst.idx.msk $0xffff, v40;
	v54 =	vor.u32 v28, v17;
	v55 =	vld.idx.msk [tilespmem:v61+s18+$0x0], $0xffff;
	v56 =	vor.u32 s1, v9;
	v58 =	vshll.u32 v63, $0x7  }
0x18e: {  	v40 =	vld.idx.msk [tilespmem:v49+s18+$0x0], $0xffff;
	v57 =	vor.u32 v56, v21;
	v39 =	vor.u32 v22, v58;
	[tilespmem:v42+s20+$0x0] =	vst.idx.msk $0xffff, v44  }
0x18f: {  	v62 =	vor.u32 s7, v9;
	v61 =	vor.u32 v59, v23;
	v42 =	vor.u32 v24, v60;
	v29 =	vld.idx.msk [tilespmem:v51+s18+$0x0], $0xffff  }
0x190: {  	v46 =	vor.u32 v62, v27;
	[tilespmem:v52+s20+$0x0] =	vst.idx.msk $0xffff, v30;
	v52 =	vor.u32 s1, v10;
	v49 =	vshll.u32 v28, $0x7  }
0x191: {  	v33 =	vld.idx.msk [tilespmem:v33+s18+$0x0], $0xffff;
	v31 =	vor.u32 v18, v31;
	v53 =	vor.u32 v52, v21;
	v28 =	vor.u32 v16, v49  }
0x192: {  	v35 =	vld.idx.msk [tilespmem:v54+s18+$0x0], $0xffff;
	[tilespmem:v34+s20+$0x0] =	vst.idx.msk $0xffff, v55;
	v54 =	vshll.u32 v59, $0x7;
	v63 =	vor.u32 s3, v10;
	v48 =	vshll.u32 v56, $0x7  }
0x193: {  	v47 =	vor.u32 v63, v19;
	v50 =	vld.idx.msk [tilespmem:v57+s18+$0x0], $0xffff;
	v51 =	vor.u32 v20, v48;
	[tilespmem:v39+s20+$0x0] =	vst.idx.msk $0xffff, v40  }
0x194: {  	v37 =	vor.u32 v22, v54;
	v56 =	vor.u32 s14, v10;
	v57 =	vshll.u32 v62, $0x7;
	v55 =	vld.idx.msk [tilespmem:v61+s18+$0x0], $0xffff;
	[tilespmem:v42+s20+$0x0] =	vst.idx.msk $0xffff, v29  }
0x195: {  	v59 =	vor.u32 s7, v10;
	v58 =	vor.u32 v56, v23;
	v29 =	vor.u32 v24, v57;
	v30 =	vld.idx.msk [tilespmem:v46+s18+$0x0], $0xffff  }
0x196: {  	[tilespmem:v31+s20+$0x0] =	vst.idx.msk $0xffff, v33;
	v34 =	vshll.u32 v52, $0x7;
	v49 =	vshll.u32 v56, $0x7;
	v62 =	vor.u32 v59, v27  }
0x197: {  	v31 =	vor.u32 v20, v34;
	[tilespmem:v28+s20+$0x0] =	vst.idx.msk $0xffff, v35;
	v35 =	vor.u32 v22, v49;
	v60 =	vshll.u32 v63, $0x7  }
0x198: {  	v32 =	vld.idx.msk [tilespmem:v47+s18+$0x0], $0xffff;
	v61 =	vor.u32 s3, v11;
	v42 =	vor.u32 v18, v60;
	[tilespmem:v51+s20+$0x0] =	vst.idx.msk $0xffff, v50  }
0x199: {  	v43 =	vor.u32 s4, v14;
	v47 =	vor.u32 s1, v11;
	v63 =	vor.u32 v61, v19;
	v46 =	vld.idx.msk [tilespmem:v53+s18+$0x0], $0xffff;
	[tilespmem:v37+s20+$0x0] =	vst.idx.msk $0xffff, v55  }
0x19a: {  	v52 =	vshll.u32 v59, $0x7;
	v48 =	vor.u32 v47, v21;
	v51 =	vor.u32 s14, v11;
	v50 =	vld.idx.msk [tilespmem:v58+s18+$0x0], $0xffff;
	[tilespmem:v29+s20+$0x0] =	vst.idx.msk $0xffff, v30  }
0x19b: {  	v53 =	vor.u32 v51, v23;
	v55 =	vor.u32 s7, v11;
	v29 =	vor.u32 v24, v52;
	v54 =	vld.idx.msk [tilespmem:v62+s18+$0x0], $0xffff  }
0x19c: {  	v59 =	vor.u32 s3, v12;
	v60 =	vshll.u32 v47, $0x7;
	v57 =	vor.u32 v55, v27  }
0x19d: {  	v56 =	vshll.u32 v61, $0x7;
	v61 =	vor.u32 v59, v19;
	v28 =	vor.u32 v20, v60;
	[tilespmem:v42+s20+$0x0] =	vst.idx.msk $0xffff, v32  }
0x19e: {  	v45 =	vor.u32 s4, v15;
	v32 =	vor.u32 v18, v56;
	v58 =	vld.idx.msk [tilespmem:v63+s18+$0x0], $0xffff;
	[tilespmem:v31+s20+$0x0] =	vst.idx.msk $0xffff, v46;
	v63 =	vor.u32 s1, v12  }
0x19f: {  	v49 =	vshll.u32 v51, $0x7;
	v60 =	vor.u32 s1, v13;
	v62 =	vld.idx.msk [tilespmem:v48+s18+$0x0], $0xffff;
	v48 =	vor.u32 v63, v21;
	[tilespmem:v35+s20+$0x0] =	vst.idx.msk $0xffff, v50  }
0x1a0: {  	v51 =	vshll.u32 v55, $0x7;
	v35 =	vor.u32 v22, v49;
	v50 =	vor.u32 s14, v12;
	v30 =	vld.idx.msk [tilespmem:v53+s18+$0x0], $0xffff;
	[tilespmem:v29+s20+$0x0] =	vst.idx.msk $0xffff, v54  }
0x1a1: {  	v52 =	vor.u32 v50, v23;
	v53 =	vor.u32 s7, v12;
	v29 =	vor.u32 v24, v51;
	v38 =	vld.idx.msk [tilespmem:v57+s18+$0x0], $0xffff  }
0x1a2: {  	v55 =	vshll.u32 v59, $0x7;
	v49 =	vor.u32 s7, v13;
	v56 =	vor.u32 v53, v27  }
0x1a3: {  	[tilespmem:v32+s20+$0x0] =	vst.idx.msk $0xffff, v58;
	v32 =	vor.u32 v18, v55;
	v58 =	vshll.u32 v63, $0x7;
	v54 =	vor.u32 v43, v17  }
0x1a4: {  	v47 =	vshll.u32 v53, $0x7;
	v31 =	vld.idx.msk [tilespmem:v61+s18+$0x0], $0xffff;
	[tilespmem:v28+s20+$0x0] =	vst.idx.msk $0xffff, v62;
	v28 =	vor.u32 v20, v58;
	v57 =	vor.u32 s3, v13  }
0x1a5: {  	v63 =	vor.u32 s14, v13;
	v62 =	vshll.u32 v50, $0x7;
	v44 =	vld.idx.msk [tilespmem:v48+s18+$0x0], $0xffff;
	[tilespmem:v35+s20+$0x0] =	vst.idx.msk $0xffff, v30;
	v59 =	vor.u32 v57, v19  }
0x1a6: {  	v61 =	vor.u32 v60, v21;
	v35 =	vor.u32 v22, v62;
	v37 =	vld.idx.msk [tilespmem:v52+s18+$0x0], $0xffff;
	[tilespmem:v29+s20+$0x0] =	vst.idx.msk $0xffff, v38  }
0x1a7: {  	v53 =	vshll.u32 v60, $0x7;
	v48 =	vor.u32 v63, v23;
	v29 =	vor.u32 v24, v47;
	v41 =	vld.idx.msk [tilespmem:v56+s18+$0x0], $0xffff  }
0x1a8: {  	v55 =	vor.u32 s1, v14;
	v51 =	vor.u32 v49, v27;
	v36 =	vshll.u32 v63, $0x7  }
0x1a9: {  	v43 =	vshll.u32 v43, $0x7;
	v36 =	vor.u32 v22, v36;
	v50 =	vshll.u32 v57, $0x7;
	v40 =	vld.idx.msk [tilespmem:v54+s18+$0x0], $0xffff;
	[tilespmem:v32+s20+$0x0] =	vst.idx.msk $0xffff, v31  }
0x1aa: {  	v58 =	vshll.u32 v49, $0x7;
	v52 =	vor.u32 s3, v14;
	v31 =	vor.u32 v18, v50;
	[tilespmem:v28+s20+$0x0] =	vst.idx.msk $0xffff, v44;
	v33 =	vld.idx.msk [tilespmem:v59+s18+$0x0], $0xffff  }
0x1ab: {  	v54 =	vor.u32 v52, v19;
	v28 =	vor.u32 v20, v53;
	v30 =	vld.idx.msk [tilespmem:v61+s18+$0x0], $0xffff;
	[tilespmem:v35+s20+$0x0] =	vst.idx.msk $0xffff, v37  }
0x1ac: {  	v60 =	vor.u32 s7, v14;
	v57 =	vor.u32 s14, v14;
	v56 =	vor.u32 v55, v21;
	v38 =	vld.idx.msk [tilespmem:v48+s18+$0x0], $0xffff;
	[tilespmem:v29+s20+$0x0] =	vst.idx.msk $0xffff, v41  }
0x1ad: {  	v17 =	vor.u32 v45, v17;
	v59 =	vor.u32 v57, v23;
	v29 =	vor.u32 v24, v58;
	v32 =	vld.idx.msk [tilespmem:v51+s18+$0x0], $0xffff  }
0x1ae: {  	v43 =	vor.u32 v16, v43;
	v62 =	vor.u32 v60, v27;
	v63 =	vor.u32 s3, v15  }
0x1af: {  	v46 =	vor.u32 v63, v19;
	v50 =	vshll.u32 v57, $0x7;
	v61 =	vshll.u32 v52, $0x7;
	[tilespmem:v31+s20+$0x0] =	vst.idx.msk $0xffff, v33  }
0x1b0: {  	v47 =	vor.u32 s1, v15;
	v48 =	vshll.u32 v55, $0x7;
	v31 =	vor.u32 v18, v61;
	[tilespmem:v28+s20+$0x0] =	vst.idx.msk $0xffff, v30;
	v34 =	vld.idx.msk [tilespmem:v54+s18+$0x0], $0xffff  }
0x1b1: {  	v49 =	vor.u32 v47, v21;
	v30 =	vor.u32 v20, v48;
	v35 =	vld.idx.msk [tilespmem:v56+s18+$0x0], $0xffff;
	[tilespmem:v36+s20+$0x0] =	vst.idx.msk $0xffff, v38  }
0x1b2: {  	v52 =	vshll.u32 v60, $0x7;
	v51 =	vor.u32 s14, v15;
	v36 =	vor.u32 v22, v50;
	v38 =	vld.idx.msk [tilespmem:v59+s18+$0x0], $0xffff;
	[tilespmem:v29+s20+$0x0] =	vst.idx.msk $0xffff, v32  }
0x1b3: {  	v54 =	vor.u32 s7, v15;
	v53 =	vor.u32 v51, v23;
	v29 =	vor.u32 v24, v52;
	v33 =	vld.idx.msk [tilespmem:v62+s18+$0x0], $0xffff  }
0x1b4: {  	v55 =	vshll.u32 v45, $0x7;
	[tilespmem:v43+s20+$0x0] =	vst.idx.msk $0xffff, v40;
	v27 =	vor.u32 v54, v27  }
0x1b5: {  	v16 =	vor.u32 v16, v55;
	v17 =	vld.idx.msk [tilespmem:v17+s18+$0x0], $0xffff;
	v56 =	vshll.u32 v63, $0x7;
	[tilespmem:v31+s20+$0x0] =	vst.idx.msk $0xffff, v34  }
0x1b6: {  	v28 =	vshll.u32 v47, $0x7;
	v57 =	vor.u32 v18, v56;
	[tilespmem:v30+s20+$0x0] =	vst.idx.msk $0xffff, v35;
	v19 =	vld.idx.msk [tilespmem:v46+s18+$0x0], $0xffff  }
0x1b7: {  	v58 =	vor.u32 v20, v28;
	v59 =	vshll.u32 v51, $0x7;
	v21 =	vld.idx.msk [tilespmem:v49+s18+$0x0], $0xffff;
	[tilespmem:v36+s20+$0x0] =	vst.idx.msk $0xffff, v38  }
0x1b8: {  	v61 =	vshll.u32 v54, $0x7;
	v60 =	vor.u32 v22, v59;
	v23 =	vld.idx.msk [tilespmem:v53+s18+$0x0], $0xffff;
	[tilespmem:v29+s20+$0x0] =	vst.idx.msk $0xffff, v33  }
0x1b9: {  	[tilespmem:v26+s20+$0x0] =	vst.idx.msk $0xffff, v25;
	v63 =	vor.u32 v24, v61;
	v62 =	vld.idx.msk [tilespmem:v27+s18+$0x0], $0xffff  }
0x1ba: {  	[tilespmem:v16+s20+$0x0] =	vst.idx.msk $0xffff, v17  }
0x1bb: {  	[tilespmem:v57+s20+$0x0] =	vst.idx.msk $0xffff, v19  }
0x1bc: {  	[tilespmem:v58+s20+$0x0] =	vst.idx.msk $0xffff, v21  }
0x1bd: {  	s14 =	sadd.s32 s31, s2;
	[tilespmem:v60+s20+$0x0] =	vst.idx.msk $0xffff, v23  }
0x1be: {  	s31 =	sadd.s32 s12, s30;
	s1 =	sadd.s32 $0x10000, s14;
	[tilespmem:v63+s20+$0x0] =	vst.idx.msk $0xffff, v62  }
0x1bf: {  	[hbm4b:s1+s5] =	stream.linear.scatter [tilespmem:s20], [sflag:$0x4], $0x4000, $0x38;
	[tilespmem:$0xE000] =	vst v63  }
0x1c0: {  	s29 =	sadd.s32 $0x1, s29;
	p1 =	slt.u32 s31, $0x1E84;
	s1 =	sshll.u32 s31, $0x7  }
0x1c1: {  	s1 =	simm.s32 @!p1 $0x0;
	p1 =	sne.s32 s29, $0x7A  }
.Ltmp4:
0x1c2: {  	_ = 	snop;
	(pc) =	sbr.rel @p1 .LBB2_2-.Ltmp4, $3  }
0x1c3: {  	_ =	sdelay $0x1  }
0x1c4: {  	s1 =	sadd.s32 s0, s1  }
0x1c5: {  	[tilespmem:s18], [sflag:$0x2] =	stream.strided.gather [hbm4b:s1+s16], $0x2000, s17, s16, $0x38;
	[tilespmem:$0xE000] =	vst v63  }
0x1c6: {  	s1 =	simm.s32 $0x0  }
0x1c7: {  	s3 =	sand.u32 $0x30, s1  }
0x1c8: {  	s7 =	sand.u32 $0x70, s1;
	v26 =	vor.u32 s3, v0  }
0x1c9: {  	_ =	swait.ge [sflag:s21], $0x2000;
	v16 =	vor.u32 s7, v0;
	v24 =	vshll.u32 v26, $0x7  }
0x1ca: {  	[sflag:s21] =	ssyncset.done $0x0;
	v17 =	vor.u32 v16, v24  }
0x1cb: {  	[sflag:s21] =	ssyncadd.s32 $0xFFFFE000  }
0x1cc: {  	_ =	swait.ge [sflag:s22], $0x4000  }
0x1cd: {  	[sflag:s22] =	ssyncset.done $0x0  }
0x1ce: {  	v16 =	vshll.u32 v16, $0x7;
	[sflag:s22] =	ssyncadd.s32 $0xFFFFC000  }
0x1cf: {  	v18 =	vor.u32 s7, v1;
	v16 =	vor.u32 v26, v16;
	v17 =	vld.idx.msk [tilespmem:v17+s5+$0x0], $0xffff  }
0x1d0: {  	v19 =	vor.u32 v18, v24;
	_ =	sdelay $0x3  }
0x1d1: {  	[tilespmem:v16+s19+$0x0] =	vst.idx.msk $0xffff, v17;
	v16 =	vshll.u32 v18, $0x7  }
0x1d2: {  	v18 =	vor.u32 s7, v2;
	v17 =	vld.idx.msk [tilespmem:v19+s5+$0x0], $0xffff;
	v16 =	vor.u32 v26, v16  }
0x1d3: {  	v19 =	vor.u32 v18, v24;
	_ =	sdelay $0x2  }
0x1d4: {  	s3 =	simm.s32 $0x2  }
0x1d5: {  	s4 =	simm.s32 $0x10;
	s1 =	sand.u32 $0x30, s3;
	[tilespmem:v16+s19+$0x0] =	vst.idx.msk $0xffff, v17;
	v17 =	vshll.u32 v18, $0x7  }
0x1d6: {  	s4 =	sand.u32 $0x70, s4;
	v20 =	vor.u32 s7, v3;
	v16 =	vor.u32 s1, v0;
	v18 =	vld.idx.msk [tilespmem:v19+s5+$0x0], $0xffff;
	v19 =	vor.u32 v26, v17  }
0x1d7: {  	v21 =	vor.u32 s4, v0;
	v22 =	vor.u32 v20, v24;
	v17 =	vshll.u32 v16, $0x7  }
0x1d8: {  	v23 =	vor.u32 v21, v17;
	_ =	sdelay $0x2  }
0x1d9: {  	[tilespmem:v19+s19+$0x0] =	vst.idx.msk $0xffff, v18;
	v18 =	vshll.u32 v20, $0x7  }
0x1da: {  	v21 =	vshll.u32 v21, $0x7;
	v20 =	vor.u32 s7, v4;
	v19 =	vld.idx.msk [tilespmem:v22+s5+$0x0], $0xffff;
	v18 =	vor.u32 v26, v18  }
0x1db: {  	v25 =	vor.u32 s4, v1;
	v21 =	vor.u32 v16, v21;
	v22 =	vor.u32 v20, v24;
	v23 =	vld.idx.msk [tilespmem:v23+s5+$0x0], $0xffff  }
0x1dc: {  	v27 =	vor.u32 v25, v17;
	_ =	sdelay $0x2  }
0x1dd: {  	[tilespmem:v18+s19+$0x0] =	vst.idx.msk $0xffff, v19;
	v18 =	vshll.u32 v20, $0x7  }
0x1de: {  	v19 =	vor.u32 s7, v5;
	[tilespmem:v21+s19+$0x0] =	vst.idx.msk $0xffff, v23;
	v21 =	vshll.u32 v25, $0x7;
	v20 =	vld.idx.msk [tilespmem:v22+s5+$0x0], $0xffff;
	v18 =	vor.u32 v26, v18  }
0x1df: {  	v25 =	vor.u32 s4, v2;
	v22 =	vor.u32 v19, v24;
	v23 =	vld.idx.msk [tilespmem:v27+s5+$0x0], $0xffff;
	v21 =	vor.u32 v16, v21  }
0x1e0: {  	v27 =	vor.u32 v25, v17;
	_ =	sdelay $0x2  }
0x1e1: {  	[tilespmem:v18+s19+$0x0] =	vst.idx.msk $0xffff, v20;
	v18 =	vshll.u32 v19, $0x7  }
0x1e2: {  	s8 =	simm.s32 $0x4;
	v20 =	vor.u32 s7, v7;
	[tilespmem:v21+s19+$0x0] =	vst.idx.msk $0xffff, v23;
	v22 =	vld.idx.msk [tilespmem:v22+s5+$0x0], $0xffff;
	v21 =	vor.u32 v26, v18;
	v18 =	vshll.u32 v25, $0x7  }
0x1e3: {  	s9 =	simm.s32 $0x20;
	v28 =	vor.u32 s4, v3;
	s1 =	sand.u32 $0x30, s8;
	v23 =	vor.u32 v20, v24;
	v25 =	vld.idx.msk [tilespmem:v27+s5+$0x0], $0xffff;
	v27 =	vor.u32 v16, v18  }
0x1e4: {  	s3 =	sand.u32 $0x70, s9;
	v29 =	vor.u32 v28, v17;
	v18 =	vor.u32 s1, v0  }
0x1e5: {  	v30 =	vor.u32 s3, v0;
	v19 =	vshll.u32 v18, $0x7  }
0x1e6: {  	v31 =	vor.u32 v30, v19  }
0x1e7: {  	v20 =	vshll.u32 v20, $0x7;
	[tilespmem:v21+s19+$0x0] =	vst.idx.msk $0xffff, v22  }
0x1e8: {  	v20 =	vor.u32 v26, v20;
	v22 =	vor.u32 s7, v8;
	v21 =	vld.idx.msk [tilespmem:v23+s5+$0x0], $0xffff;
	[tilespmem:v27+s19+$0x0] =	vst.idx.msk $0xffff, v25;
	v23 =	vshll.u32 v28, $0x7  }
0x1e9: {  	v27 =	vor.u32 s4, v4;
	v28 =	vor.u32 v22, v24;
	v25 =	vld.idx.msk [tilespmem:v29+s5+$0x0], $0xffff;
	v23 =	vor.u32 v16, v23  }
0x1ea: {  	v30 =	vshll.u32 v30, $0x7;
	v29 =	vor.u32 v27, v17  }
0x1eb: {  	v32 =	vor.u32 s3, v1;
	v30 =	vor.u32 v18, v30;
	v31 =	vld.idx.msk [tilespmem:v31+s5+$0x0], $0xffff  }
0x1ec: {  	v33 =	vor.u32 v32, v19  }
0x1ed: {  	[tilespmem:v20+s19+$0x0] =	vst.idx.msk $0xffff, v21;
	v20 =	vshll.u32 v22, $0x7  }
0x1ee: {  	v22 =	vor.u32 s7, v6;
	v21 =	vld.idx.msk [tilespmem:v28+s5+$0x0], $0xffff;
	[tilespmem:v23+s19+$0x0] =	vst.idx.msk $0xffff, v25;
	v20 =	vor.u32 v26, v20;
	v23 =	vshll.u32 v27, $0x7  }
0x1ef: {  	v25 =	vor.u32 s4, v5;
	v28 =	vor.u32 v22, v24;
	v27 =	vld.idx.msk [tilespmem:v29+s5+$0x0], $0xffff;
	v23 =	vor.u32 v16, v23  }
0x1f0: {  	[tilespmem:v30+s19+$0x0] =	vst.idx.msk $0xffff, v31;
	v29 =	vor.u32 v25, v17;
	v30 =	vshll.u32 v32, $0x7  }
0x1f1: {  	v57 =	vor.u32 s3, v2;
	v31 =	vld.idx.msk [tilespmem:v33+s5+$0x0], $0xffff;
	v30 =	vor.u32 v18, v30  }
0x1f2: {  	v58 =	vor.u32 v57, v19  }
0x1f3: {  	[tilespmem:v20+s19+$0x0] =	vst.idx.msk $0xffff, v21;
	v20 =	vshll.u32 v22, $0x7  }
0x1f4: {  	v22 =	vld.idx.msk [tilespmem:v28+s5+$0x0], $0xffff;
	[tilespmem:v23+s19+$0x0] =	vst.idx.msk $0xffff, v27;
	v23 =	vor.u32 v26, v20;
	v27 =	vor.u32 s7, v9;
	v20 =	vshll.u32 v25, $0x7  }
0x1f5: {  	s14 =	simm.s32 $0x6;
	v25 =	vor.u32 s4, v7;
	v28 =	vld.idx.msk [tilespmem:v29+s5+$0x0], $0xffff;
	v29 =	vor.u32 v27, v24;
	v34 =	vor.u32 v16, v20  }
0x1f6: {  	s8 =	simm.s32 $0x30;
	s1 =	sand.u32 $0x30, s14;
	v21 =	vshll.u32 v57, $0x7;
	[tilespmem:v30+s19+$0x0] =	vst.idx.msk $0xffff, v31;
	v30 =	vor.u32 v25, v17  }
0x1f7: {  	v59 =	vor.u32 s3, v3;
	v32 =	vor.u32 v18, v21;
	v20 =	vor.u32 s1, v0;
	s1 =	sand.u32 $0x70, s8;
	v31 =	vld.idx.msk [tilespmem:v58+s5+$0x0], $0xffff  }
0x1f8: {  	v36 =	vor.u32 v59, v19;
	v35 =	vor.u32 s1, v0;
	v21 =	vshll.u32 v20, $0x7  }
0x1f9: {  	[tilespmem:v23+s19+$0x0] =	vst.idx.msk $0xffff, v22;
	v22 =	vshll.u32 v27, $0x7;
	v23 =	vor.u32 v35, v21  }
0x1fa: {  	v25 =	vshll.u32 v25, $0x7;
	v27 =	vld.idx.msk [tilespmem:v29+s5+$0x0], $0xffff;
	[tilespmem:v34+s19+$0x0] =	vst.idx.msk $0xffff, v28;
	v22 =	vor.u32 v26, v22;
	v28 =	vor.u32 s7, v10  }
0x1fb: {  	v60 =	vor.u32 s4, v8;
	v25 =	vor.u32 v16, v25;
	v29 =	vld.idx.msk [tilespmem:v30+s5+$0x0], $0xffff;
	v30 =	vor.u32 v28, v24  }
0x1fc: {  	v61 =	vor.u32 v60, v17;
	[tilespmem:v32+s19+$0x0] =	vst.idx.msk $0xffff, v31;
	v31 =	vshll.u32 v59, $0x7  }
0x1fd: {  	v63 =	vor.u32 s3, v4;
	v62 =	vld.idx.msk [tilespmem:v36+s5+$0x0], $0xffff;
	v31 =	vor.u32 v18, v31  }
0x1fe: {  	v37 =	vor.u32 v63, v19;
	v35 =	vshll.u32 v35, $0x7  }
0x1ff: {  	v41 =	vor.u32 s4, v6;
	v38 =	vor.u32 s1, v1;
	v23 =	vld.idx.msk [tilespmem:v23+s5+$0x0], $0xffff;
	[tilespmem:v22+s19+$0x0] =	vst.idx.msk $0xffff, v27;
	v22 =	vor.u32 v20, v35  }
0x200: {  	v45 =	vor.u32 s7, v12;
	v27 =	vshll.u32 v28, $0x7;
	v28 =	vor.u32 v38, v21;
	v30 =	vld.idx.msk [tilespmem:v30+s5+$0x0], $0xffff;
	[tilespmem:v25+s19+$0x0] =	vst.idx.msk $0xffff, v29  }
0x201: {  	v25 =	vor.u32 v26, v27;
	v27 =	vor.u32 s7, v11;
	v29 =	vshll.u32 v60, $0x7;
	v32 =	vld.idx.msk [tilespmem:v61+s5+$0x0], $0xffff  }
0x202: {  	v40 =	vor.u32 v27, v24;
	v29 =	vor.u32 v16, v29;
	[tilespmem:v31+s19+$0x0] =	vst.idx.msk $0xffff, v62;
	v31 =	vshll.u32 v63, $0x7  }
0x203: {  	v48 =	vor.u32 s4, v9;
	v42 =	vor.u32 v41, v17;
	v37 =	vld.idx.msk [tilespmem:v37+s5+$0x0], $0xffff;
	v31 =	vor.u32 v18, v31  }
0x204: {  	v51 =	vor.u32 s7, v13;
	v46 =	vshll.u32 v41, $0x7;
	v43 =	vor.u32 s3, v5  }
0x205: {  	v47 =	vor.u32 v45, v24;
	[tilespmem:v22+s19+$0x0] =	vst.idx.msk $0xffff, v23;
	v23 =	vor.u32 v43, v19;
	v22 =	vshll.u32 v38, $0x7  }
0x206: {  	v44 =	vor.u32 s1, v2;
	v28 =	vld.idx.msk [tilespmem:v28+s5+$0x0], $0xffff;
	[tilespmem:v25+s19+$0x0] =	vst.idx.msk $0xffff, v30;
	v25 =	vor.u32 v20, v22;
	v22 =	vshll.u32 v27, $0x7  }
0x207: {  	s30 =	simm.s32 $0x40;
	v30 =	vor.u32 v44, v21;
	v27 =	vld.idx.msk [tilespmem:v40+s5+$0x0], $0xffff;
	[tilespmem:v29+s19+$0x0] =	vst.idx.msk $0xffff, v32;
	v29 =	vor.u32 v26, v22  }
0x208: {  	v53 =	vshll.u32 v48, $0x7;
	v49 =	vor.u32 s3, v7;
	s14 =	sand.u32 $0x70, s30;
	v33 =	vld.idx.msk [tilespmem:v42+s5+$0x0], $0xffff;
	[tilespmem:v31+s19+$0x0] =	vst.idx.msk $0xffff, v37;
	v31 =	vor.u32 v16, v46  }
0x209: {  	v55 =	vor.u32 v51, v24;
	v50 =	vor.u32 v48, v17;
	v48 =	vor.u32 s14, v1  }
0x20a: {  	s29 =	simm.s32 $0x8;
	v57 =	vshll.u32 v49, $0x7;
	v41 =	vor.u32 s1, v3;
	v39 =	vld.idx.msk [tilespmem:v23+s5+$0x0], $0xffff;
	v23 =	vshll.u32 v43, $0x7  }
0x20b: {  	s8 =	sand.u32 $0x30, s29;
	[tilespmem:v25+s19+$0x0] =	vst.idx.msk $0xffff, v28;
	v25 =	vor.u32 v18, v23;
	v28 =	vor.u32 v49, v19;
	v23 =	vshll.u32 v44, $0x7  }
0x20c: {  	v22 =	vor.u32 s8, v0;
	v30 =	vld.idx.msk [tilespmem:v30+s5+$0x0], $0xffff;
	v40 =	vor.u32 v20, v23;
	[tilespmem:v29+s19+$0x0] =	vst.idx.msk $0xffff, v27;
	v23 =	vshll.u32 v45, $0x7  }
0x20d: {  	v29 =	vor.u32 v41, v21;
	v52 =	vld.idx.msk [tilespmem:v47+s5+$0x0], $0xffff;
	[tilespmem:v31+s19+$0x0] =	vst.idx.msk $0xffff, v33;
	v31 =	vor.u32 v26, v23  }
0x20e: {  	v62 =	vor.u32 s1, v4;
	v27 =	vor.u32 s14, v0;
	v23 =	vshll.u32 v22, $0x7  }
0x20f: {  	v59 =	vor.u32 s3, v8;
	v63 =	vor.u32 v62, v21;
	v56 =	vor.u32 v27, v23  }
0x210: {  	v61 =	vshll.u32 v41, $0x7;
	v42 =	vor.u32 s4, v10;
	v54 =	vld.idx.msk [tilespmem:v50+s5+$0x0], $0xffff;
	[tilespmem:v25+s19+$0x0] =	vst.idx.msk $0xffff, v39;
	v25 =	vor.u32 v16, v53  }
0x211: {  	v58 =	vor.u32 v42, v17;
	v28 =	vld.idx.msk [tilespmem:v28+s5+$0x0], $0xffff;
	[tilespmem:v40+s19+$0x0] =	vst.idx.msk $0xffff, v30;
	v30 =	vor.u32 v18, v57  }
0x212: {  	v60 =	vor.u32 s7, v14;
	v38 =	vshll.u32 v51, $0x7;
	v29 =	vld.idx.msk [tilespmem:v29+s5+$0x0], $0xffff;
	[tilespmem:v31+s19+$0x0] =	vst.idx.msk $0xffff, v52;
	v31 =	vor.u32 v20, v61  }
0x213: {  	v38 =	vor.u32 v26, v38;
	v43 =	vor.u32 v59, v19;
	v27 =	vshll.u32 v27, $0x7;
	v35 =	vld.idx.msk [tilespmem:v55+s5+$0x0], $0xffff  }
0x214: {  	v42 =	vshll.u32 v42, $0x7;
	v44 =	vor.u32 v60, v24;
	v27 =	vor.u32 v22, v27;
	v36 =	vld.idx.msk [tilespmem:v56+s5+$0x0], $0xffff  }
0x215: {  	v49 =	vor.u32 v16, v42;
	v45 =	vor.u32 s7, v15;
	v50 =	vor.u32 s4, v11;
	[tilespmem:v25+s19+$0x0] =	vst.idx.msk $0xffff, v54  }
0x216: {  	v53 =	vshll.u32 v62, $0x7;
	v57 =	vshll.u32 v48, $0x7;
	v25 =	vor.u32 v48, v23;
	v37 =	vld.idx.msk [tilespmem:v58+s5+$0x0], $0xffff;
	[tilespmem:v30+s19+$0x0] =	vst.idx.msk $0xffff, v28  }
0x217: {  	v52 =	vor.u32 s1, v5;
	v28 =	vshll.u32 v59, $0x7;
	v30 =	vor.u32 v50, v17;
	[tilespmem:v31+s19+$0x0] =	vst.idx.msk $0xffff, v29  }
0x218: {  	v55 =	vshll.u32 v60, $0x7;
	v51 =	vld.idx.msk [tilespmem:v43+s5+$0x0], $0xffff;
	v28 =	vor.u32 v18, v28;
	v29 =	vor.u32 s3, v6;
	[tilespmem:v38+s19+$0x0] =	vst.idx.msk $0xffff, v35  }
0x219: {  	v31 =	vld.idx.msk [tilespmem:v63+s5+$0x0], $0xffff;
	v54 =	vor.u32 v29, v19;
	[tilespmem:v27+s19+$0x0] =	vst.idx.msk $0xffff, v36;
	v27 =	vor.u32 v20, v53  }
0x21a: {  	v61 =	vor.u32 v45, v24;
	v56 =	vor.u32 v52, v21;
	v39 =	vor.u32 v26, v55;
	v38 =	vld.idx.msk [tilespmem:v44+s5+$0x0], $0xffff  }
0x21b: {  	v60 =	vshll.u32 v50, $0x7;
	v58 =	vor.u32 s14, v2;
	v59 =	vor.u32 v22, v57;
	v25 =	vld.idx.msk [tilespmem:v25+s5+$0x0], $0xffff;
	[tilespmem:v49+s19+$0x0] =	vst.idx.msk $0xffff, v37  }
0x21c: {  	v47 =	vor.u32 s4, v12;
	v46 =	vor.u32 v16, v60;
	v62 =	vor.u32 v58, v23;
	v30 =	vld.idx.msk [tilespmem:v30+s5+$0x0], $0xffff  }
0x21d: {  	v34 =	vor.u32 s1, v7;
	v48 =	vor.u32 v47, v17;
	[tilespmem:v28+s19+$0x0] =	vst.idx.msk $0xffff, v51;
	v28 =	vshll.u32 v29, $0x7  }
0x21e: {  	v40 =	vor.u32 s14, v3;
	v29 =	vld.idx.msk [tilespmem:v54+s5+$0x0], $0xffff;
	[tilespmem:v27+s19+$0x0] =	vst.idx.msk $0xffff, v31;
	v32 =	vor.u32 v18, v28;
	v31 =	vor.u32 s3, v9  }
0x21f: {  	s31 =	simm.s32 $0xA;
	v63 =	vshll.u32 v45, $0x7;
	v27 =	vshll.u32 v52, $0x7;
	v35 =	vld.idx.msk [tilespmem:v56+s5+$0x0], $0xffff;
	v33 =	vor.u32 v31, v19;
	[tilespmem:v39+s19+$0x0] =	vst.idx.msk $0xffff, v38  }
0x220: {  	s7 =	sand.u32 $0x30, s31;
	v36 =	vor.u32 v34, v21;
	v37 =	vor.u32 v20, v27;
	[tilespmem:v59+s19+$0x0] =	vst.idx.msk $0xffff, v25;
	v25 =	vld.idx.msk [tilespmem:v61+s5+$0x0], $0xffff  }
0x221: {  	s8 =	simm.s32 $0x50;
	v24 =	vor.u32 s7, v0;
	v26 =	vor.u32 v26, v63;
	v27 =	vshll.u32 v58, $0x7;
	v39 =	vld.idx.msk [tilespmem:v62+s5+$0x0], $0xffff;
	[tilespmem:v46+s19+$0x0] =	vst.idx.msk $0xffff, v30  }
0x222: {  	s9 =	simm.s32 $0xC;
	s7 =	sand.u32 $0x70, s8;
	v28 =	vor.u32 s4, v13;
	v38 =	vshll.u32 v47, $0x7;
	v41 =	vor.u32 v22, v27;
	v30 =	vld.idx.msk [tilespmem:v48+s5+$0x0], $0xffff  }
.LBB2_8:
0x223: {  	p1 =	sne.s32 s9, $0x3E;
	v27 =	vor.u32 s7, v0;
	v42 =	vor.u32 v40, v23;
	[tilespmem:v32+s19+$0x0] =	vst.idx.msk $0xffff, v29;
	v29 =	vor.u32 v16, v38  }
0x224: {  	v38 =	vshll.u32 v24, $0x7;
	v31 =	vshll.u32 v31, $0x7;
	v43 =	vmovc v20;
	v20 =	vmovc v22;
	v32 =	vld.idx.msk [tilespmem:v33+s5+$0x0], $0xffff;
	v33 =	vor.u32 v28, v17  }
0x225: {  	v44 =	vor.u32 v27, v38;
	v31 =	vor.u32 v18, v31;
	[tilespmem:v37+s19+$0x0] =	vst.idx.msk $0xffff, v35;
	v35 =	vor.u32 s3, v10  }
0x226: {  	v34 =	vshll.u32 v34, $0x7;
	v22 =	vmov v24;
	v36 =	vld.idx.msk [tilespmem:v36+s5+$0x0], $0xffff;
	v37 =	vor.u32 v35, v19;
	[tilespmem:v26+s19+$0x0] =	vst.idx.msk $0xffff, v25  }
0x227: {  	v24 =	vor.u32 v43, v34;
	v25 =	vor.u32 s1, v8;
	v26 =	vor.u32 s4, v14;
	[tilespmem:v41+s19+$0x0] =	vst.idx.msk $0xffff, v39  }
0x228: {  	v39 =	vshll.u32 v40, $0x7;
	v40 =	vor.u32 s14, v4;
	v41 =	vor.u32 v25, v21;
	v34 =	vld.idx.msk [tilespmem:v42+s5+$0x0], $0xffff;
	[tilespmem:v29+s19+$0x0] =	vst.idx.msk $0xffff, v30  }
0x229: {  	v28 =	vshll.u32 v28, $0x7;
	v29 =	vor.u32 v20, v39;
	v30 =	vor.u32 v40, v23;
	v33 =	vld.idx.msk [tilespmem:v33+s5+$0x0], $0xffff  }
0x22a: {  	v27 =	vshll.u32 v27, $0x7;
	v28 =	vor.u32 v16, v28;
	v42 =	vor.u32 s7, v1;
	v39 =	vld.idx.msk [tilespmem:v44+s5+$0x0], $0xffff;
	[tilespmem:v31+s19+$0x0] =	vst.idx.msk $0xffff, v32  }
0x22b: {  	v27 =	vor.u32 v22, v27;
	v32 =	vshll.u32 v35, $0x7;
	v35 =	vor.u32 v26, v17;
	v31 =	vld.idx.msk [tilespmem:v37+s5+$0x0], $0xffff  }
0x22c: {  	v37 =	vor.u32 v42, v38;
	[tilespmem:v24+s19+$0x0] =	vst.idx.msk $0xffff, v36;
	v24 =	vor.u32 v18, v32;
	v32 =	vor.u32 s3, v11  }
0x22d: {  	v25 =	vshll.u32 v25, $0x7;
	v44 =	vor.u32 s4, v15;
	s4 =	smov.u32 s3;
	s3 =	smov.u32 s1;
	s1 =	smov.u32 s14;
	v36 =	vld.idx.msk [tilespmem:v41+s5+$0x0], $0xffff;
	v41 =	vor.u32 v32, v19  }
0x22e: {  	v25 =	vor.u32 v43, v25;
	s14 =	smov.u32 s7;
	v45 =	vor.u32 s1, v5;
	[tilespmem:v29+s19+$0x0] =	vst.idx.msk $0xffff, v34;
	v34 =	vor.u32 s3, v6  }
0x22f: {  	v26 =	vshll.u32 v26, $0x7;
	v29 =	vshll.u32 v40, $0x7;
	v30 =	vld.idx.msk [tilespmem:v30+s5+$0x0], $0xffff;
	v40 =	vor.u32 v34, v21;
	[tilespmem:v28+s19+$0x0] =	vst.idx.msk $0xffff, v33  }
0x230: {  	v28 =	vor.u32 v45, v23;
	[tilespmem:v27+s19+$0x0] =	vst.idx.msk $0xffff, v39;
	v27 =	vor.u32 v20, v29;
	v39 =	vld.idx.msk [tilespmem:v35+s5+$0x0], $0xffff  }
0x231: {  	v26 =	vor.u32 v16, v26;
	v29 =	vshll.u32 v42, $0x7;
	v42 =	vor.u32 s14, v2;
	v37 =	vld.idx.msk [tilespmem:v37+s5+$0x0], $0xffff;
	[tilespmem:v24+s19+$0x0] =	vst.idx.msk $0xffff, v31  }
0x232: {  	v47 =	vor.u32 v44, v17;
	v17 =	vmovc v19;
	v46 =	vor.u32 v22, v29;
	v24 =	vshll.u32 v32, $0x7;
	v41 =	vld.idx.msk [tilespmem:v41+s5+$0x0], $0xffff  }
0x233: {  	v50 =	vor.u32 s4, v12;
	s7 =	sand.u32 $0x30, s9;
	v48 =	vor.u32 v42, v38;
	v49 =	vor.u32 v18, v24;
	[tilespmem:v25+s19+$0x0] =	vst.idx.msk $0xffff, v36  }
0x234: {  	v51 =	vor.u32 v50, v17;
	v19 =	vmovc v21;
	v21 =	vmovc v23;
	v24 =	vor.u32 s7, v0;
	v25 =	vshll.u32 v34, $0x7;
	v29 =	vld.idx.msk [tilespmem:v40+s5+$0x0], $0xffff  }
.Ltmp5:
0x235: {  	v23 =	vmovc v38;
	v31 =	vor.u32 s3, v9;
	v34 =	vor.u32 s1, v7;
	v32 =	vor.u32 v43, v25;
	[tilespmem:v27+s19+$0x0] =	vst.idx.msk $0xffff, v30;
	(pc) =	sbr.rel @p1 .LBB2_8-.Ltmp5, $4  }
0x236: {  	v33 =	vor.u32 v31, v19;
	v25 =	vshll.u32 v45, $0x7;
	v35 =	vld.idx.msk [tilespmem:v28+s5+$0x0], $0xffff;
	[tilespmem:v26+s19+$0x0] =	vst.idx.msk $0xffff, v39;
	v26 =	vshll.u32 v44, $0x7  }
0x237: {  	v36 =	vor.u32 v34, v21;
	[tilespmem:v46+s19+$0x0] =	vst.idx.msk $0xffff, v37;
	v37 =	vor.u32 v20, v25;
	v25 =	vld.idx.msk [tilespmem:v47+s5+$0x0], $0xffff  }
0x238: {  	s8 =	sadd.s32 $0x10, s8;
	v27 =	vshll.u32 v42, $0x7;
	v28 =	vor.u32 s4, v13;
	v26 =	vor.u32 v16, v26;
	v39 =	vld.idx.msk [tilespmem:v48+s5+$0x0], $0xffff;
	[tilespmem:v49+s19+$0x0] =	vst.idx.msk $0xffff, v41  }
0x239: {  	s9 =	sadd.s32 $0x2, s9;
	v38 =	vshll.u32 v50, $0x7;
	s7 =	sand.u32 $0x70, s8;
	v40 =	vor.u32 s14, v3;
	v16 =	vmovc v18;
	v18 =	vmovc v43;
	v41 =	vor.u32 v22, v27;
	v30 =	vld.idx.msk [tilespmem:v51+s5+$0x0], $0xffff  }
0x23a: {  	v42 =	vor.u32 s7, v0;
	v27 =	vshll.u32 v24, $0x7  }
0x23b: {  	v43 =	vor.u32 v42, v27;
	_ =	sdelay $0x3  }
0x23c: {  	v42 =	vshll.u32 v42, $0x7  }
0x23d: {  	v44 =	vor.u32 s7, v1;
	v42 =	vor.u32 v24, v42;
	v43 =	vld.idx.msk [tilespmem:v43+s5+$0x0], $0xffff  }
0x23e: {  	v45 =	vor.u32 v44, v27;
	_ =	sdelay $0x3  }
0x23f: {  	v53 =	vshll.u32 v44, $0x7;
	[tilespmem:v42+s19+$0x0] =	vst.idx.msk $0xffff, v43  }
0x240: {  	v54 =	vor.u32 s7, v2;
	v42 =	vor.u32 v24, v53;
	v43 =	vld.idx.msk [tilespmem:v45+s5+$0x0], $0xffff  }
0x241: {  	v55 =	vor.u32 v54, v27;
	_ =	sdelay $0x3  }
0x242: {  	v56 =	vshll.u32 v54, $0x7;
	[tilespmem:v42+s19+$0x0] =	vst.idx.msk $0xffff, v43  }
0x243: {  	v57 =	vor.u32 v40, v23;
	v59 =	vor.u32 s7, v3;
	v42 =	vor.u32 v24, v56;
	v58 =	vld.idx.msk [tilespmem:v55+s5+$0x0], $0xffff  }
0x244: {  	v46 =	vor.u32 v59, v27;
	_ =	sdelay $0x2  }
0x245: {  	v60 =	vshll.u32 v40, $0x7;
	[tilespmem:v41+s19+$0x0] =	vst.idx.msk $0xffff, v39  }
0x246: {  	v62 =	vor.u32 s14, v4;
	v63 =	vshll.u32 v59, $0x7;
	v39 =	vor.u32 v22, v60;
	v61 =	vld.idx.msk [tilespmem:v57+s5+$0x0], $0xffff;
	[tilespmem:v42+s19+$0x0] =	vst.idx.msk $0xffff, v58  }
0x247: {  	v49 =	vor.u32 s7, v4;
	v48 =	vor.u32 v62, v23;
	v42 =	vor.u32 v24, v63;
	v44 =	vld.idx.msk [tilespmem:v46+s5+$0x0], $0xffff  }
0x248: {  	v50 =	vor.u32 v49, v27;
	_ =	sdelay $0x2  }
0x249: {  	v51 =	vshll.u32 v62, $0x7;
	[tilespmem:v39+s19+$0x0] =	vst.idx.msk $0xffff, v61  }
0x24a: {  	v52 =	vor.u32 s14, v5;
	v54 =	vshll.u32 v49, $0x7;
	v39 =	vor.u32 v22, v51;
	v53 =	vld.idx.msk [tilespmem:v48+s5+$0x0], $0xffff;
	[tilespmem:v42+s19+$0x0] =	vst.idx.msk $0xffff, v44  }
0x24b: {  	v56 =	vor.u32 s7, v5;
	v55 =	vor.u32 v52, v23;
	v42 =	vor.u32 v24, v54;
	v57 =	vld.idx.msk [tilespmem:v50+s5+$0x0], $0xffff  }
0x24c: {  	v58 =	vor.u32 v56, v27;
	_ =	sdelay $0x2  }
0x24d: {  	v59 =	vshll.u32 v52, $0x7;
	[tilespmem:v39+s19+$0x0] =	vst.idx.msk $0xffff, v53  }
0x24e: {  	v60 =	vor.u32 s14, v7;
	v39 =	vor.u32 v22, v59;
	v61 =	vshll.u32 v56, $0x7;
	v41 =	vld.idx.msk [tilespmem:v55+s5+$0x0], $0xffff;
	[tilespmem:v42+s19+$0x0] =	vst.idx.msk $0xffff, v57  }
0x24f: {  	v62 =	vor.u32 v60, v23;
	v63 =	vor.u32 s7, v7;
	v42 =	vor.u32 v24, v61;
	v45 =	vld.idx.msk [tilespmem:v58+s5+$0x0], $0xffff  }
0x250: {  	v48 =	vor.u32 v63, v27  }
0x251: {  	v34 =	vshll.u32 v34, $0x7  }
0x252: {  	[tilespmem:v37+s19+$0x0] =	vst.idx.msk $0xffff, v35;
	v34 =	vor.u32 v20, v34;
	v51 =	vshll.u32 v60, $0x7  }
0x253: {  	v49 =	vor.u32 s1, v8;
	v35 =	vld.idx.msk [tilespmem:v36+s5+$0x0], $0xffff;
	[tilespmem:v39+s19+$0x0] =	vst.idx.msk $0xffff, v41;
	v39 =	vor.u32 v22, v51  }
0x254: {  	v53 =	vor.u32 s14, v8;
	v52 =	vld.idx.msk [tilespmem:v62+s5+$0x0], $0xffff;
	v54 =	vshll.u32 v63, $0x7;
	v50 =	vor.u32 v49, v21;
	[tilespmem:v42+s19+$0x0] =	vst.idx.msk $0xffff, v45  }
0x255: {  	v55 =	vor.u32 v53, v23;
	v57 =	vor.u32 s7, v8;
	v42 =	vor.u32 v24, v54;
	v56 =	vld.idx.msk [tilespmem:v48+s5+$0x0], $0xffff  }
0x256: {  	v58 =	vor.u32 v57, v27;
	_ =	sdelay $0x1  }
0x257: {  	[tilespmem:v34+s19+$0x0] =	vst.idx.msk $0xffff, v35;
	v60 =	vor.u32 s1, v6;
	v59 =	vshll.u32 v49, $0x7;
	v62 =	vshll.u32 v53, $0x7  }
0x258: {  	v34 =	vor.u32 v20, v59;
	[tilespmem:v39+s19+$0x0] =	vst.idx.msk $0xffff, v52;
	v39 =	vor.u32 v22, v62;
	v35 =	vld.idx.msk [tilespmem:v50+s5+$0x0], $0xffff  }
0x259: {  	v63 =	vor.u32 s14, v6;
	v61 =	vor.u32 v60, v21;
	v40 =	vld.idx.msk [tilespmem:v55+s5+$0x0], $0xffff;
	v48 =	vshll.u32 v57, $0x7;
	[tilespmem:v42+s19+$0x0] =	vst.idx.msk $0xffff, v56  }
0x25a: {  	v49 =	vor.u32 v63, v23;
	v50 =	vor.u32 s7, v6;
	v42 =	vor.u32 v24, v48;
	v44 =	vld.idx.msk [tilespmem:v58+s5+$0x0], $0xffff  }
0x25b: {  	v51 =	vor.u32 v50, v27  }
0x25c: {  	[tilespmem:v32+s19+$0x0] =	vst.idx.msk $0xffff, v29;
	v31 =	vshll.u32 v31, $0x7;
	v53 =	vshll.u32 v60, $0x7;
	v52 =	vor.u32 v16, v38  }
0x25d: {  	v59 =	vor.u32 s14, v9;
	v60 =	vshll.u32 v50, $0x7;
	[tilespmem:v34+s19+$0x0] =	vst.idx.msk $0xffff, v35;
	v34 =	vor.u32 v20, v53  }
0x25e: {  	[tilespmem:v39+s19+$0x0] =	vst.idx.msk $0xffff, v40;
	v54 =	vor.u32 v28, v17;
	v55 =	vld.idx.msk [tilespmem:v61+s5+$0x0], $0xffff;
	v56 =	vor.u32 s1, v9;
	v58 =	vshll.u32 v63, $0x7  }
0x25f: {  	v40 =	vld.idx.msk [tilespmem:v49+s5+$0x0], $0xffff;
	v57 =	vor.u32 v56, v21;
	v39 =	vor.u32 v22, v58;
	[tilespmem:v42+s19+$0x0] =	vst.idx.msk $0xffff, v44  }
0x260: {  	v62 =	vor.u32 s7, v9;
	v61 =	vor.u32 v59, v23;
	v42 =	vor.u32 v24, v60;
	v29 =	vld.idx.msk [tilespmem:v51+s5+$0x0], $0xffff  }
0x261: {  	v46 =	vor.u32 v62, v27;
	[tilespmem:v52+s19+$0x0] =	vst.idx.msk $0xffff, v30;
	v52 =	vor.u32 s1, v10;
	v49 =	vshll.u32 v28, $0x7  }
0x262: {  	v33 =	vld.idx.msk [tilespmem:v33+s5+$0x0], $0xffff;
	v31 =	vor.u32 v18, v31;
	v53 =	vor.u32 v52, v21;
	v28 =	vor.u32 v16, v49  }
0x263: {  	v35 =	vld.idx.msk [tilespmem:v54+s5+$0x0], $0xffff;
	[tilespmem:v34+s19+$0x0] =	vst.idx.msk $0xffff, v55;
	v54 =	vshll.u32 v59, $0x7;
	v63 =	vor.u32 s3, v10;
	v48 =	vshll.u32 v56, $0x7  }
0x264: {  	v47 =	vor.u32 v63, v19;
	v50 =	vld.idx.msk [tilespmem:v57+s5+$0x0], $0xffff;
	v51 =	vor.u32 v20, v48;
	[tilespmem:v39+s19+$0x0] =	vst.idx.msk $0xffff, v40  }
0x265: {  	v37 =	vor.u32 v22, v54;
	v56 =	vor.u32 s14, v10;
	v57 =	vshll.u32 v62, $0x7;
	v55 =	vld.idx.msk [tilespmem:v61+s5+$0x0], $0xffff;
	[tilespmem:v42+s19+$0x0] =	vst.idx.msk $0xffff, v29  }
0x266: {  	v59 =	vor.u32 s7, v10;
	v58 =	vor.u32 v56, v23;
	v29 =	vor.u32 v24, v57;
	v30 =	vld.idx.msk [tilespmem:v46+s5+$0x0], $0xffff  }
0x267: {  	[tilespmem:v31+s19+$0x0] =	vst.idx.msk $0xffff, v33;
	v34 =	vshll.u32 v52, $0x7;
	v49 =	vshll.u32 v56, $0x7;
	v62 =	vor.u32 v59, v27  }
0x268: {  	v31 =	vor.u32 v20, v34;
	[tilespmem:v28+s19+$0x0] =	vst.idx.msk $0xffff, v35;
	v35 =	vor.u32 v22, v49;
	v60 =	vshll.u32 v63, $0x7  }
0x269: {  	v32 =	vld.idx.msk [tilespmem:v47+s5+$0x0], $0xffff;
	v61 =	vor.u32 s3, v11;
	v42 =	vor.u32 v18, v60;
	[tilespmem:v51+s19+$0x0] =	vst.idx.msk $0xffff, v50  }
0x26a: {  	v43 =	vor.u32 s4, v14;
	v47 =	vor.u32 s1, v11;
	v63 =	vor.u32 v61, v19;
	v46 =	vld.idx.msk [tilespmem:v53+s5+$0x0], $0xffff;
	[tilespmem:v37+s19+$0x0] =	vst.idx.msk $0xffff, v55  }
0x26b: {  	v52 =	vshll.u32 v59, $0x7;
	v48 =	vor.u32 v47, v21;
	v51 =	vor.u32 s14, v11;
	v50 =	vld.idx.msk [tilespmem:v58+s5+$0x0], $0xffff;
	[tilespmem:v29+s19+$0x0] =	vst.idx.msk $0xffff, v30  }
0x26c: {  	v53 =	vor.u32 v51, v23;
	v55 =	vor.u32 s7, v11;
	v29 =	vor.u32 v24, v52;
	v54 =	vld.idx.msk [tilespmem:v62+s5+$0x0], $0xffff  }
0x26d: {  	v59 =	vor.u32 s3, v12;
	v60 =	vshll.u32 v47, $0x7;
	v57 =	vor.u32 v55, v27  }
0x26e: {  	v56 =	vshll.u32 v61, $0x7;
	v61 =	vor.u32 v59, v19;
	v28 =	vor.u32 v20, v60;
	[tilespmem:v42+s19+$0x0] =	vst.idx.msk $0xffff, v32  }
0x26f: {  	v45 =	vor.u32 s4, v15;
	v32 =	vor.u32 v18, v56;
	v58 =	vld.idx.msk [tilespmem:v63+s5+$0x0], $0xffff;
	[tilespmem:v31+s19+$0x0] =	vst.idx.msk $0xffff, v46;
	v63 =	vor.u32 s1, v12  }
0x270: {  	v49 =	vshll.u32 v51, $0x7;
	v60 =	vor.u32 s1, v13;
	v62 =	vld.idx.msk [tilespmem:v48+s5+$0x0], $0xffff;
	v48 =	vor.u32 v63, v21;
	[tilespmem:v35+s19+$0x0] =	vst.idx.msk $0xffff, v50  }
0x271: {  	v51 =	vshll.u32 v55, $0x7;
	v35 =	vor.u32 v22, v49;
	v50 =	vor.u32 s14, v12;
	v30 =	vld.idx.msk [tilespmem:v53+s5+$0x0], $0xffff;
	[tilespmem:v29+s19+$0x0] =	vst.idx.msk $0xffff, v54  }
0x272: {  	v52 =	vor.u32 v50, v23;
	v53 =	vor.u32 s7, v12;
	v29 =	vor.u32 v24, v51;
	v38 =	vld.idx.msk [tilespmem:v57+s5+$0x0], $0xffff  }
0x273: {  	v55 =	vshll.u32 v59, $0x7;
	v49 =	vor.u32 s7, v13;
	v56 =	vor.u32 v53, v27  }
0x274: {  	[tilespmem:v32+s19+$0x0] =	vst.idx.msk $0xffff, v58;
	v32 =	vor.u32 v18, v55;
	v58 =	vshll.u32 v63, $0x7;
	v54 =	vor.u32 v43, v17  }
0x275: {  	v47 =	vshll.u32 v53, $0x7;
	v31 =	vld.idx.msk [tilespmem:v61+s5+$0x0], $0xffff;
	[tilespmem:v28+s19+$0x0] =	vst.idx.msk $0xffff, v62;
	v28 =	vor.u32 v20, v58;
	v57 =	vor.u32 s3, v13  }
0x276: {  	v63 =	vor.u32 s14, v13;
	v62 =	vshll.u32 v50, $0x7;
	v44 =	vld.idx.msk [tilespmem:v48+s5+$0x0], $0xffff;
	[tilespmem:v35+s19+$0x0] =	vst.idx.msk $0xffff, v30;
	v59 =	vor.u32 v57, v19  }
0x277: {  	v61 =	vor.u32 v60, v21;
	v35 =	vor.u32 v22, v62;
	v37 =	vld.idx.msk [tilespmem:v52+s5+$0x0], $0xffff;
	[tilespmem:v29+s19+$0x0] =	vst.idx.msk $0xffff, v38  }
0x278: {  	v53 =	vshll.u32 v60, $0x7;
	v48 =	vor.u32 v63, v23;
	v29 =	vor.u32 v24, v47;
	v41 =	vld.idx.msk [tilespmem:v56+s5+$0x0], $0xffff  }
0x279: {  	v55 =	vor.u32 s1, v14;
	v51 =	vor.u32 v49, v27;
	v36 =	vshll.u32 v63, $0x7  }
0x27a: {  	v43 =	vshll.u32 v43, $0x7;
	v36 =	vor.u32 v22, v36;
	v50 =	vshll.u32 v57, $0x7;
	v40 =	vld.idx.msk [tilespmem:v54+s5+$0x0], $0xffff;
	[tilespmem:v32+s19+$0x0] =	vst.idx.msk $0xffff, v31  }
0x27b: {  	v58 =	vshll.u32 v49, $0x7;
	v52 =	vor.u32 s3, v14;
	v31 =	vor.u32 v18, v50;
	[tilespmem:v28+s19+$0x0] =	vst.idx.msk $0xffff, v44;
	v33 =	vld.idx.msk [tilespmem:v59+s5+$0x0], $0xffff  }
0x27c: {  	v54 =	vor.u32 v52, v19;
	v28 =	vor.u32 v20, v53;
	v30 =	vld.idx.msk [tilespmem:v61+s5+$0x0], $0xffff;
	[tilespmem:v35+s19+$0x0] =	vst.idx.msk $0xffff, v37  }
0x27d: {  	v60 =	vor.u32 s7, v14;
	v57 =	vor.u32 s14, v14;
	v56 =	vor.u32 v55, v21;
	v38 =	vld.idx.msk [tilespmem:v48+s5+$0x0], $0xffff;
	[tilespmem:v29+s19+$0x0] =	vst.idx.msk $0xffff, v41  }
0x27e: {  	v17 =	vor.u32 v45, v17;
	v59 =	vor.u32 v57, v23;
	v29 =	vor.u32 v24, v58;
	v32 =	vld.idx.msk [tilespmem:v51+s5+$0x0], $0xffff  }
0x27f: {  	v43 =	vor.u32 v16, v43;
	v62 =	vor.u32 v60, v27;
	v63 =	vor.u32 s3, v15  }
0x280: {  	v46 =	vor.u32 v63, v19;
	v50 =	vshll.u32 v57, $0x7;
	v61 =	vshll.u32 v52, $0x7;
	[tilespmem:v31+s19+$0x0] =	vst.idx.msk $0xffff, v33  }
0x281: {  	v47 =	vor.u32 s1, v15;
	v48 =	vshll.u32 v55, $0x7;
	v31 =	vor.u32 v18, v61;
	[tilespmem:v28+s19+$0x0] =	vst.idx.msk $0xffff, v30;
	v34 =	vld.idx.msk [tilespmem:v54+s5+$0x0], $0xffff  }
0x282: {  	v49 =	vor.u32 v47, v21;
	v30 =	vor.u32 v20, v48;
	v35 =	vld.idx.msk [tilespmem:v56+s5+$0x0], $0xffff;
	[tilespmem:v36+s19+$0x0] =	vst.idx.msk $0xffff, v38  }
0x283: {  	v52 =	vshll.u32 v60, $0x7;
	v51 =	vor.u32 s14, v15;
	v36 =	vor.u32 v22, v50;
	v38 =	vld.idx.msk [tilespmem:v59+s5+$0x0], $0xffff;
	[tilespmem:v29+s19+$0x0] =	vst.idx.msk $0xffff, v32  }
0x284: {  	v54 =	vor.u32 s7, v15;
	v53 =	vor.u32 v51, v23;
	v29 =	vor.u32 v24, v52;
	v33 =	vld.idx.msk [tilespmem:v62+s5+$0x0], $0xffff  }
0x285: {  	v55 =	vshll.u32 v45, $0x7;
	[tilespmem:v43+s19+$0x0] =	vst.idx.msk $0xffff, v40;
	v27 =	vor.u32 v54, v27  }
0x286: {  	v16 =	vor.u32 v16, v55;
	v17 =	vld.idx.msk [tilespmem:v17+s5+$0x0], $0xffff;
	v56 =	vshll.u32 v63, $0x7;
	[tilespmem:v31+s19+$0x0] =	vst.idx.msk $0xffff, v34  }
0x287: {  	v28 =	vshll.u32 v47, $0x7;
	v57 =	vor.u32 v18, v56;
	[tilespmem:v30+s19+$0x0] =	vst.idx.msk $0xffff, v35;
	v19 =	vld.idx.msk [tilespmem:v46+s5+$0x0], $0xffff  }
0x288: {  	v58 =	vor.u32 v20, v28;
	v59 =	vshll.u32 v51, $0x7;
	v21 =	vld.idx.msk [tilespmem:v49+s5+$0x0], $0xffff;
	[tilespmem:v36+s19+$0x0] =	vst.idx.msk $0xffff, v38  }
0x289: {  	v61 =	vshll.u32 v54, $0x7;
	v60 =	vor.u32 v22, v59;
	v23 =	vld.idx.msk [tilespmem:v53+s5+$0x0], $0xffff;
	[tilespmem:v29+s19+$0x0] =	vst.idx.msk $0xffff, v33  }
0x28a: {  	[tilespmem:v26+s19+$0x0] =	vst.idx.msk $0xffff, v25;
	v63 =	vor.u32 v24, v61;
	v62 =	vld.idx.msk [tilespmem:v27+s5+$0x0], $0xffff  }
0x28b: {  	[tilespmem:v16+s19+$0x0] =	vst.idx.msk $0xffff, v17  }
0x28c: {  	[tilespmem:v57+s19+$0x0] =	vst.idx.msk $0xffff, v19  }
0x28d: {  	[tilespmem:v58+s19+$0x0] =	vst.idx.msk $0xffff, v21  }
0x28e: {  	[tilespmem:v60+s19+$0x0] =	vst.idx.msk $0xffff, v23  }
0x28f: {  	[tilespmem:v63+s19+$0x0] =	vst.idx.msk $0xffff, v62  }
0x290: {  	[hbm4b:s13+s5] =	stream.linear.scatter [tilespmem:s19], [sflag:$0x3], $0x4000, $0x38;
	[tilespmem:$0xE000] =	vst v63  }
0x291: {  	_ =	swait.ge [sflag:s23], $0x2000  }
0x292: {  	[sflag:s23] =	ssyncset.done $0x0  }
0x293: {  	[sflag:s23] =	ssyncadd.s32 $0xFFFFE000  }
0x294: {  	_ =	swait.ge [sflag:s24], $0x4000  }
.Ltmp6:
0x295: {  	[sflag:s24] =	ssyncset.done $0x0;
	(pc) =	sbr.rel @p0 .LBB2_13-.Ltmp6, $4  }
0x296: {  	[sflag:s24] =	ssyncadd.s32 $0xFFFFC000  }
0x297: {  	_ =	swait.ge [sflag:s22], $0x4000  }
0x298: {  	[sflag:s22] =	ssyncset.done $0x0  }
0x299: {  	[sflag:s22] =	ssyncadd.s32 $0xFFFFC000  }
0x29a: {  	s1 =	simm.s32 $0x0  }
0x29b: {  	s7 =	sand.u32 $0x30, s1  }
0x29c: {  	v26 =	vor.u32 s7, v0  }
0x29d: {  	v24 =	vshll.u32 v26, $0x7  }
0x29e: {  	s3 =	rddreg [dreg:$0x1];
	v16 =	vor.u32 v26, v24  }
0x29f: {  	[tilespmem:s25], [sflag:$0x5] =	stream.linear.gather [hbm4b:s3+s1], $0x2000, $0x38;
	[tilespmem:$0xE000] =	vst v63  }
0x2a0: {  	_ =	swait.ge [sflag:s26], $0x2000  }
0x2a1: {  	[sflag:s26] =	ssyncset.done $0x0  }
0x2a2: {  	[sflag:s26] =	ssyncadd.s32 $0xFFFFE000  }
0x2a3: {  	v17 =	vor.u32 s7, v1;
	v18 =	vor.u32 v26, v24;
	v16 =	vld.idx.msk [tilespmem:v16+s25+$0x0], $0xffff  }
0x2a4: {  	v19 =	vor.u32 v17, v24;
	_ =	sdelay $0x3  }
0x2a5: {  	[tilespmem:v18+s19+$0x0] =	vst.idx.msk $0xffff, v16;
	v16 =	vshll.u32 v17, $0x7  }
0x2a6: {  	v18 =	vor.u32 s7, v2;
	v17 =	vld.idx.msk [tilespmem:v19+s25+$0x0], $0xffff;
	v16 =	vor.u32 v26, v16  }
0x2a7: {  	v19 =	vor.u32 v18, v24;
	_ =	sdelay $0x2  }
0x2a8: {  	s3 =	simm.s32 $0x4  }
0x2a9: {  	s4 =	simm.s32 $0x10;
	s1 =	sand.u32 $0x30, s3;
	[tilespmem:v16+s19+$0x0] =	vst.idx.msk $0xffff, v17;
	v17 =	vshll.u32 v18, $0x7  }
0x2aa: {  	s4 =	sand.u32 $0x30, s4;
	v20 =	vor.u32 s7, v3;
	v16 =	vor.u32 s1, v0;
	v18 =	vld.idx.msk [tilespmem:v19+s25+$0x0], $0xffff;
	v19 =	vor.u32 v26, v17  }
0x2ab: {  	v21 =	vor.u32 s4, v0;
	v22 =	vor.u32 v20, v24;
	v17 =	vshll.u32 v16, $0x7  }
0x2ac: {  	v23 =	vor.u32 v21, v17;
	_ =	sdelay $0x2  }
0x2ad: {  	[tilespmem:v19+s19+$0x0] =	vst.idx.msk $0xffff, v18;
	v18 =	vshll.u32 v20, $0x7  }
0x2ae: {  	v21 =	vshll.u32 v21, $0x7;
	v20 =	vor.u32 s7, v4;
	v19 =	vld.idx.msk [tilespmem:v22+s25+$0x0], $0xffff;
	v18 =	vor.u32 v26, v18  }
0x2af: {  	v25 =	vor.u32 s4, v1;
	v21 =	vor.u32 v16, v21;
	v22 =	vor.u32 v20, v24;
	v23 =	vld.idx.msk [tilespmem:v23+s25+$0x0], $0xffff  }
0x2b0: {  	v27 =	vor.u32 v25, v17;
	_ =	sdelay $0x2  }
0x2b1: {  	[tilespmem:v18+s19+$0x0] =	vst.idx.msk $0xffff, v19;
	v18 =	vshll.u32 v20, $0x7  }
0x2b2: {  	v19 =	vor.u32 s7, v5;
	[tilespmem:v21+s19+$0x0] =	vst.idx.msk $0xffff, v23;
	v21 =	vshll.u32 v25, $0x7;
	v20 =	vld.idx.msk [tilespmem:v22+s25+$0x0], $0xffff;
	v18 =	vor.u32 v26, v18  }
0x2b3: {  	v25 =	vor.u32 s4, v2;
	v22 =	vor.u32 v19, v24;
	v23 =	vld.idx.msk [tilespmem:v27+s25+$0x0], $0xffff;
	v21 =	vor.u32 v16, v21  }
0x2b4: {  	v27 =	vor.u32 v25, v17;
	_ =	sdelay $0x2  }
0x2b5: {  	[tilespmem:v18+s19+$0x0] =	vst.idx.msk $0xffff, v20;
	v18 =	vshll.u32 v19, $0x7  }
0x2b6: {  	s8 =	simm.s32 $0x8;
	v20 =	vor.u32 s7, v7;
	[tilespmem:v21+s19+$0x0] =	vst.idx.msk $0xffff, v23;
	v22 =	vld.idx.msk [tilespmem:v22+s25+$0x0], $0xffff;
	v21 =	vor.u32 v26, v18;
	v18 =	vshll.u32 v25, $0x7  }
0x2b7: {  	s9 =	simm.s32 $0x20;
	v28 =	vor.u32 s4, v3;
	s1 =	sand.u32 $0x30, s8;
	v23 =	vor.u32 v20, v24;
	v25 =	vld.idx.msk [tilespmem:v27+s25+$0x0], $0xffff;
	v27 =	vor.u32 v16, v18  }
0x2b8: {  	s3 =	sand.u32 $0x30, s9;
	v29 =	vor.u32 v28, v17;
	v18 =	vor.u32 s1, v0  }
0x2b9: {  	v30 =	vor.u32 s3, v0;
	v19 =	vshll.u32 v18, $0x7  }
0x2ba: {  	v31 =	vor.u32 v30, v19  }
0x2bb: {  	v20 =	vshll.u32 v20, $0x7;
	[tilespmem:v21+s19+$0x0] =	vst.idx.msk $0xffff, v22  }
0x2bc: {  	v20 =	vor.u32 v26, v20;
	v22 =	vor.u32 s7, v8;
	v21 =	vld.idx.msk [tilespmem:v23+s25+$0x0], $0xffff;
	[tilespmem:v27+s19+$0x0] =	vst.idx.msk $0xffff, v25;
	v23 =	vshll.u32 v28, $0x7  }
0x2bd: {  	v27 =	vor.u32 s4, v4;
	v28 =	vor.u32 v22, v24;
	v25 =	vld.idx.msk [tilespmem:v29+s25+$0x0], $0xffff;
	v23 =	vor.u32 v16, v23  }
0x2be: {  	v30 =	vshll.u32 v30, $0x7;
	v29 =	vor.u32 v27, v17  }
0x2bf: {  	v32 =	vor.u32 s3, v1;
	v30 =	vor.u32 v18, v30;
	v31 =	vld.idx.msk [tilespmem:v31+s25+$0x0], $0xffff  }
0x2c0: {  	v33 =	vor.u32 v32, v19  }
0x2c1: {  	[tilespmem:v20+s19+$0x0] =	vst.idx.msk $0xffff, v21;
	v20 =	vshll.u32 v22, $0x7  }
0x2c2: {  	v22 =	vor.u32 s7, v6;
	v21 =	vld.idx.msk [tilespmem:v28+s25+$0x0], $0xffff;
	[tilespmem:v23+s19+$0x0] =	vst.idx.msk $0xffff, v25;
	v20 =	vor.u32 v26, v20;
	v23 =	vshll.u32 v27, $0x7  }
0x2c3: {  	v25 =	vor.u32 s4, v5;
	v28 =	vor.u32 v22, v24;
	v27 =	vld.idx.msk [tilespmem:v29+s25+$0x0], $0xffff;
	v23 =	vor.u32 v16, v23  }
0x2c4: {  	[tilespmem:v30+s19+$0x0] =	vst.idx.msk $0xffff, v31;
	v29 =	vor.u32 v25, v17;
	v30 =	vshll.u32 v32, $0x7  }
0x2c5: {  	v57 =	vor.u32 s3, v2;
	v31 =	vld.idx.msk [tilespmem:v33+s25+$0x0], $0xffff;
	v30 =	vor.u32 v18, v30  }
0x2c6: {  	v58 =	vor.u32 v57, v19  }
0x2c7: {  	[tilespmem:v20+s19+$0x0] =	vst.idx.msk $0xffff, v21;
	v20 =	vshll.u32 v22, $0x7  }
0x2c8: {  	v22 =	vld.idx.msk [tilespmem:v28+s25+$0x0], $0xffff;
	[tilespmem:v23+s19+$0x0] =	vst.idx.msk $0xffff, v27;
	v23 =	vor.u32 v26, v20;
	v27 =	vor.u32 s7, v9;
	v20 =	vshll.u32 v25, $0x7  }
0x2c9: {  	s14 =	simm.s32 $0xC;
	v25 =	vor.u32 s4, v7;
	v28 =	vld.idx.msk [tilespmem:v29+s25+$0x0], $0xffff;
	v29 =	vor.u32 v27, v24;
	v34 =	vor.u32 v16, v20  }
0x2ca: {  	s8 =	simm.s32 $0x30;
	s1 =	sand.u32 $0x30, s14;
	v21 =	vshll.u32 v57, $0x7;
	[tilespmem:v30+s19+$0x0] =	vst.idx.msk $0xffff, v31;
	v30 =	vor.u32 v25, v17  }
0x2cb: {  	v59 =	vor.u32 s3, v3;
	v32 =	vor.u32 v18, v21;
	v20 =	vor.u32 s1, v0;
	s1 =	sand.u32 $0x30, s8;
	v31 =	vld.idx.msk [tilespmem:v58+s25+$0x0], $0xffff  }
0x2cc: {  	v36 =	vor.u32 v59, v19;
	v35 =	vor.u32 s1, v0;
	v21 =	vshll.u32 v20, $0x7  }
0x2cd: {  	[tilespmem:v23+s19+$0x0] =	vst.idx.msk $0xffff, v22;
	v22 =	vshll.u32 v27, $0x7;
	v23 =	vor.u32 v35, v21  }
0x2ce: {  	v25 =	vshll.u32 v25, $0x7;
	v27 =	vld.idx.msk [tilespmem:v29+s25+$0x0], $0xffff;
	[tilespmem:v34+s19+$0x0] =	vst.idx.msk $0xffff, v28;
	v22 =	vor.u32 v26, v22;
	v28 =	vor.u32 s7, v10  }
0x2cf: {  	v60 =	vor.u32 s4, v8;
	v25 =	vor.u32 v16, v25;
	v29 =	vld.idx.msk [tilespmem:v30+s25+$0x0], $0xffff;
	v30 =	vor.u32 v28, v24  }
0x2d0: {  	v61 =	vor.u32 v60, v17;
	[tilespmem:v32+s19+$0x0] =	vst.idx.msk $0xffff, v31;
	v31 =	vshll.u32 v59, $0x7  }
0x2d1: {  	v63 =	vor.u32 s3, v4;
	v62 =	vld.idx.msk [tilespmem:v36+s25+$0x0], $0xffff;
	v31 =	vor.u32 v18, v31  }
0x2d2: {  	v41 =	vor.u32 s4, v6;
	v37 =	vor.u32 v63, v19;
	v35 =	vshll.u32 v35, $0x7  }
0x2d3: {  	v45 =	vor.u32 s7, v12;
	v38 =	vor.u32 s1, v1;
	v23 =	vld.idx.msk [tilespmem:v23+s25+$0x0], $0xffff;
	[tilespmem:v22+s19+$0x0] =	vst.idx.msk $0xffff, v27;
	v22 =	vor.u32 v20, v35  }
0x2d4: {  	v48 =	vor.u32 s4, v9;
	v27 =	vshll.u32 v28, $0x7;
	v28 =	vor.u32 v38, v21;
	v30 =	vld.idx.msk [tilespmem:v30+s25+$0x0], $0xffff;
	[tilespmem:v25+s19+$0x0] =	vst.idx.msk $0xffff, v29  }
0x2d5: {  	v25 =	vor.u32 v26, v27;
	v27 =	vor.u32 s7, v11;
	v29 =	vshll.u32 v60, $0x7;
	v32 =	vld.idx.msk [tilespmem:v61+s25+$0x0], $0xffff  }
0x2d6: {  	v40 =	vor.u32 v27, v24;
	v29 =	vor.u32 v16, v29;
	[tilespmem:v31+s19+$0x0] =	vst.idx.msk $0xffff, v62;
	v31 =	vshll.u32 v63, $0x7  }
0x2d7: {  	v51 =	vor.u32 s7, v13;
	v42 =	vor.u32 v41, v17;
	v37 =	vld.idx.msk [tilespmem:v37+s25+$0x0], $0xffff;
	v31 =	vor.u32 v18, v31  }
0x2d8: {  	v43 =	vor.u32 s3, v5;
	v46 =	vshll.u32 v41, $0x7;
	v49 =	vor.u32 s3, v7  }
0x2d9: {  	v53 =	vshll.u32 v48, $0x7;
	[tilespmem:v22+s19+$0x0] =	vst.idx.msk $0xffff, v23;
	v23 =	vor.u32 v43, v19;
	v22 =	vshll.u32 v38, $0x7  }
0x2da: {  	v44 =	vor.u32 s1, v2;
	v28 =	vld.idx.msk [tilespmem:v28+s25+$0x0], $0xffff;
	[tilespmem:v25+s19+$0x0] =	vst.idx.msk $0xffff, v30;
	v25 =	vor.u32 v20, v22;
	v22 =	vshll.u32 v27, $0x7  }
0x2db: {  	s30 =	simm.s32 $0x40;
	v30 =	vor.u32 v44, v21;
	v27 =	vld.idx.msk [tilespmem:v40+s25+$0x0], $0xffff;
	[tilespmem:v29+s19+$0x0] =	vst.idx.msk $0xffff, v32;
	v29 =	vor.u32 v26, v22  }
0x2dc: {  	v47 =	vor.u32 v45, v24;
	s14 =	sand.u32 $0x30, s30;
	v33 =	vld.idx.msk [tilespmem:v42+s25+$0x0], $0xffff;
	[tilespmem:v31+s19+$0x0] =	vst.idx.msk $0xffff, v37;
	v31 =	vor.u32 v16, v46  }
0x2dd: {  	v55 =	vor.u32 v51, v24;
	v50 =	vor.u32 v48, v17;
	v48 =	vor.u32 s14, v1  }
0x2de: {  	s29 =	simm.s32 $0x10;
	v57 =	vshll.u32 v49, $0x7;
	v41 =	vor.u32 s1, v3;
	v39 =	vld.idx.msk [tilespmem:v23+s25+$0x0], $0xffff;
	v23 =	vshll.u32 v43, $0x7  }
0x2df: {  	s8 =	sand.u32 $0x30, s29;
	[tilespmem:v25+s19+$0x0] =	vst.idx.msk $0xffff, v28;
	v25 =	vor.u32 v18, v23;
	v28 =	vor.u32 v49, v19;
	v23 =	vshll.u32 v44, $0x7  }
0x2e0: {  	v22 =	vor.u32 s8, v0;
	v30 =	vld.idx.msk [tilespmem:v30+s25+$0x0], $0xffff;
	v40 =	vor.u32 v20, v23;
	[tilespmem:v29+s19+$0x0] =	vst.idx.msk $0xffff, v27;
	v23 =	vshll.u32 v45, $0x7  }
0x2e1: {  	v29 =	vor.u32 v41, v21;
	v52 =	vld.idx.msk [tilespmem:v47+s25+$0x0], $0xffff;
	[tilespmem:v31+s19+$0x0] =	vst.idx.msk $0xffff, v33;
	v31 =	vor.u32 v26, v23  }
0x2e2: {  	v62 =	vor.u32 s1, v4;
	v27 =	vor.u32 s14, v0;
	v23 =	vshll.u32 v22, $0x7  }
0x2e3: {  	v59 =	vor.u32 s3, v8;
	v63 =	vor.u32 v62, v21;
	v56 =	vor.u32 v27, v23  }
0x2e4: {  	v61 =	vshll.u32 v41, $0x7;
	v42 =	vor.u32 s4, v10;
	v54 =	vld.idx.msk [tilespmem:v50+s25+$0x0], $0xffff;
	[tilespmem:v25+s19+$0x0] =	vst.idx.msk $0xffff, v39;
	v25 =	vor.u32 v16, v53  }
0x2e5: {  	v58 =	vor.u32 v42, v17;
	v28 =	vld.idx.msk [tilespmem:v28+s25+$0x0], $0xffff;
	[tilespmem:v40+s19+$0x0] =	vst.idx.msk $0xffff, v30;
	v30 =	vor.u32 v18, v57  }
0x2e6: {  	v60 =	vor.u32 s7, v14;
	v38 =	vshll.u32 v51, $0x7;
	v29 =	vld.idx.msk [tilespmem:v29+s25+$0x0], $0xffff;
	[tilespmem:v31+s19+$0x0] =	vst.idx.msk $0xffff, v52;
	v31 =	vor.u32 v20, v61  }
0x2e7: {  	v38 =	vor.u32 v26, v38;
	v43 =	vor.u32 v59, v19;
	v27 =	vshll.u32 v27, $0x7;
	v35 =	vld.idx.msk [tilespmem:v55+s25+$0x0], $0xffff  }
0x2e8: {  	v42 =	vshll.u32 v42, $0x7;
	v44 =	vor.u32 v60, v24;
	v27 =	vor.u32 v22, v27;
	v36 =	vld.idx.msk [tilespmem:v56+s25+$0x0], $0xffff  }
0x2e9: {  	v49 =	vor.u32 v16, v42;
	v45 =	vor.u32 s7, v15;
	v50 =	vor.u32 s4, v11;
	[tilespmem:v25+s19+$0x0] =	vst.idx.msk $0xffff, v54  }
0x2ea: {  	v53 =	vshll.u32 v62, $0x7;
	v57 =	vshll.u32 v48, $0x7;
	v25 =	vor.u32 v48, v23;
	v37 =	vld.idx.msk [tilespmem:v58+s25+$0x0], $0xffff;
	[tilespmem:v30+s19+$0x0] =	vst.idx.msk $0xffff, v28  }
0x2eb: {  	v52 =	vor.u32 s1, v5;
	v28 =	vshll.u32 v59, $0x7;
	v30 =	vor.u32 v50, v17;
	[tilespmem:v31+s19+$0x0] =	vst.idx.msk $0xffff, v29  }
0x2ec: {  	v55 =	vshll.u32 v60, $0x7;
	v51 =	vld.idx.msk [tilespmem:v43+s25+$0x0], $0xffff;
	v28 =	vor.u32 v18, v28;
	v29 =	vor.u32 s3, v6;
	[tilespmem:v38+s19+$0x0] =	vst.idx.msk $0xffff, v35  }
0x2ed: {  	v31 =	vld.idx.msk [tilespmem:v63+s25+$0x0], $0xffff;
	v54 =	vor.u32 v29, v19;
	[tilespmem:v27+s19+$0x0] =	vst.idx.msk $0xffff, v36;
	v27 =	vor.u32 v20, v53  }
0x2ee: {  	v61 =	vor.u32 v45, v24;
	v56 =	vor.u32 v52, v21;
	v39 =	vor.u32 v26, v55;
	v38 =	vld.idx.msk [tilespmem:v44+s25+$0x0], $0xffff  }
0x2ef: {  	v60 =	vshll.u32 v50, $0x7;
	v58 =	vor.u32 s14, v2;
	v59 =	vor.u32 v22, v57;
	v25 =	vld.idx.msk [tilespmem:v25+s25+$0x0], $0xffff;
	[tilespmem:v49+s19+$0x0] =	vst.idx.msk $0xffff, v37  }
0x2f0: {  	v47 =	vor.u32 s4, v12;
	v46 =	vor.u32 v16, v60;
	v62 =	vor.u32 v58, v23;
	v30 =	vld.idx.msk [tilespmem:v30+s25+$0x0], $0xffff  }
0x2f1: {  	v34 =	vor.u32 s1, v7;
	v48 =	vor.u32 v47, v17;
	[tilespmem:v28+s19+$0x0] =	vst.idx.msk $0xffff, v51;
	v28 =	vshll.u32 v29, $0x7  }
0x2f2: {  	v40 =	vor.u32 s14, v3;
	v29 =	vld.idx.msk [tilespmem:v54+s25+$0x0], $0xffff;
	[tilespmem:v27+s19+$0x0] =	vst.idx.msk $0xffff, v31;
	v32 =	vor.u32 v18, v28;
	v31 =	vor.u32 s3, v9  }
0x2f3: {  	s31 =	simm.s32 $0x14;
	v63 =	vshll.u32 v45, $0x7;
	v27 =	vshll.u32 v52, $0x7;
	v35 =	vld.idx.msk [tilespmem:v56+s25+$0x0], $0xffff;
	v33 =	vor.u32 v31, v19;
	[tilespmem:v39+s19+$0x0] =	vst.idx.msk $0xffff, v38  }
0x2f4: {  	s7 =	sand.u32 $0x30, s31;
	v36 =	vor.u32 v34, v21;
	v37 =	vor.u32 v20, v27;
	[tilespmem:v59+s19+$0x0] =	vst.idx.msk $0xffff, v25;
	v25 =	vld.idx.msk [tilespmem:v61+s25+$0x0], $0xffff  }
0x2f5: {  	s8 =	simm.s32 $0x50;
	v24 =	vor.u32 s7, v0;
	v26 =	vor.u32 v26, v63;
	v27 =	vshll.u32 v58, $0x7;
	v39 =	vld.idx.msk [tilespmem:v62+s25+$0x0], $0xffff;
	[tilespmem:v46+s19+$0x0] =	vst.idx.msk $0xffff, v30  }
0x2f6: {  	s9 =	simm.s32 $0x18;
	s7 =	sand.u32 $0x30, s8;
	v28 =	vor.u32 s4, v13;
	v38 =	vshll.u32 v47, $0x7;
	v41 =	vor.u32 v22, v27;
	v30 =	vld.idx.msk [tilespmem:v48+s25+$0x0], $0xffff  }
.LBB2_11:
0x2f7: {  	p1 =	sne.s32 s9, $0x3C;
	v27 =	vor.u32 s7, v0;
	v42 =	vor.u32 v40, v23;
	[tilespmem:v32+s19+$0x0] =	vst.idx.msk $0xffff, v29;
	v29 =	vor.u32 v16, v38  }
0x2f8: {  	v38 =	vshll.u32 v24, $0x7;
	v31 =	vshll.u32 v31, $0x7;
	v43 =	vmovc v20;
	v20 =	vmovc v22;
	v32 =	vld.idx.msk [tilespmem:v33+s25+$0x0], $0xffff;
	v33 =	vor.u32 v28, v17  }
0x2f9: {  	v44 =	vor.u32 v27, v38;
	v31 =	vor.u32 v18, v31;
	[tilespmem:v37+s19+$0x0] =	vst.idx.msk $0xffff, v35;
	v35 =	vor.u32 s3, v10  }
0x2fa: {  	v34 =	vshll.u32 v34, $0x7;
	v22 =	vmov v24;
	v36 =	vld.idx.msk [tilespmem:v36+s25+$0x0], $0xffff;
	v37 =	vor.u32 v35, v19;
	[tilespmem:v26+s19+$0x0] =	vst.idx.msk $0xffff, v25  }
0x2fb: {  	v24 =	vor.u32 v43, v34;
	v25 =	vor.u32 s1, v8;
	v26 =	vor.u32 s4, v14;
	[tilespmem:v41+s19+$0x0] =	vst.idx.msk $0xffff, v39  }
0x2fc: {  	v39 =	vshll.u32 v40, $0x7;
	v40 =	vor.u32 s14, v4;
	v41 =	vor.u32 v25, v21;
	v34 =	vld.idx.msk [tilespmem:v42+s25+$0x0], $0xffff;
	[tilespmem:v29+s19+$0x0] =	vst.idx.msk $0xffff, v30  }
0x2fd: {  	v28 =	vshll.u32 v28, $0x7;
	v29 =	vor.u32 v20, v39;
	v30 =	vor.u32 v40, v23;
	v33 =	vld.idx.msk [tilespmem:v33+s25+$0x0], $0xffff  }
0x2fe: {  	v27 =	vshll.u32 v27, $0x7;
	v28 =	vor.u32 v16, v28;
	v42 =	vor.u32 s7, v1;
	v39 =	vld.idx.msk [tilespmem:v44+s25+$0x0], $0xffff;
	[tilespmem:v31+s19+$0x0] =	vst.idx.msk $0xffff, v32  }
0x2ff: {  	v27 =	vor.u32 v22, v27;
	v32 =	vshll.u32 v35, $0x7;
	v35 =	vor.u32 v26, v17;
	v31 =	vld.idx.msk [tilespmem:v37+s25+$0x0], $0xffff  }
0x300: {  	v37 =	vor.u32 v42, v38;
	[tilespmem:v24+s19+$0x0] =	vst.idx.msk $0xffff, v36;
	v24 =	vor.u32 v18, v32;
	v32 =	vor.u32 s3, v11  }
0x301: {  	v25 =	vshll.u32 v25, $0x7;
	v44 =	vor.u32 s4, v15;
	s4 =	smov.u32 s3;
	s3 =	smov.u32 s1;
	s1 =	smov.u32 s14;
	v36 =	vld.idx.msk [tilespmem:v41+s25+$0x0], $0xffff;
	v41 =	vor.u32 v32, v19  }
0x302: {  	v25 =	vor.u32 v43, v25;
	s14 =	smov.u32 s7;
	v45 =	vor.u32 s1, v5;
	[tilespmem:v29+s19+$0x0] =	vst.idx.msk $0xffff, v34;
	v34 =	vor.u32 s3, v6  }
0x303: {  	v26 =	vshll.u32 v26, $0x7;
	v29 =	vshll.u32 v40, $0x7;
	v30 =	vld.idx.msk [tilespmem:v30+s25+$0x0], $0xffff;
	v40 =	vor.u32 v34, v21;
	[tilespmem:v28+s19+$0x0] =	vst.idx.msk $0xffff, v33  }
0x304: {  	v28 =	vor.u32 v45, v23;
	[tilespmem:v27+s19+$0x0] =	vst.idx.msk $0xffff, v39;
	v27 =	vor.u32 v20, v29;
	v39 =	vld.idx.msk [tilespmem:v35+s25+$0x0], $0xffff  }
0x305: {  	v26 =	vor.u32 v16, v26;
	v29 =	vshll.u32 v42, $0x7;
	v42 =	vor.u32 s14, v2;
	v37 =	vld.idx.msk [tilespmem:v37+s25+$0x0], $0xffff;
	[tilespmem:v24+s19+$0x0] =	vst.idx.msk $0xffff, v31  }
0x306: {  	v47 =	vor.u32 v44, v17;
	v17 =	vmovc v19;
	v46 =	vor.u32 v22, v29;
	v24 =	vshll.u32 v32, $0x7;
	v41 =	vld.idx.msk [tilespmem:v41+s25+$0x0], $0xffff  }
0x307: {  	v50 =	vor.u32 s4, v12;
	s7 =	sand.u32 $0x30, s9;
	v48 =	vor.u32 v42, v38;
	v49 =	vor.u32 v18, v24;
	[tilespmem:v25+s19+$0x0] =	vst.idx.msk $0xffff, v36  }
0x308: {  	v51 =	vor.u32 v50, v17;
	v19 =	vmovc v21;
	v21 =	vmovc v23;
	v24 =	vor.u32 s7, v0;
	v25 =	vshll.u32 v34, $0x7;
	v29 =	vld.idx.msk [tilespmem:v40+s25+$0x0], $0xffff  }
.Ltmp7:
0x309: {  	v23 =	vmovc v38;
	v31 =	vor.u32 s3, v9;
	v34 =	vor.u32 s1, v7;
	v32 =	vor.u32 v43, v25;
	[tilespmem:v27+s19+$0x0] =	vst.idx.msk $0xffff, v30;
	(pc) =	sbr.rel @p1 .LBB2_11-.Ltmp7, $4  }
0x30a: {  	v33 =	vor.u32 v31, v19;
	v25 =	vshll.u32 v45, $0x7;
	v35 =	vld.idx.msk [tilespmem:v28+s25+$0x0], $0xffff;
	[tilespmem:v26+s19+$0x0] =	vst.idx.msk $0xffff, v39;
	v26 =	vshll.u32 v44, $0x7  }
0x30b: {  	v36 =	vor.u32 v34, v21;
	[tilespmem:v46+s19+$0x0] =	vst.idx.msk $0xffff, v37;
	v37 =	vor.u32 v20, v25;
	v25 =	vld.idx.msk [tilespmem:v47+s25+$0x0], $0xffff  }
0x30c: {  	s8 =	sadd.s32 $0x10, s8;
	v27 =	vshll.u32 v42, $0x7;
	v28 =	vor.u32 s4, v13;
	v26 =	vor.u32 v16, v26;
	v39 =	vld.idx.msk [tilespmem:v48+s25+$0x0], $0xffff;
	[tilespmem:v49+s19+$0x0] =	vst.idx.msk $0xffff, v41  }
0x30d: {  	s9 =	sadd.s32 $0x4, s9;
	v38 =	vshll.u32 v50, $0x7;
	s7 =	sand.u32 $0x30, s8;
	v40 =	vor.u32 s14, v3;
	v16 =	vmovc v18;
	v18 =	vmovc v43;
	v41 =	vor.u32 v22, v27;
	v30 =	vld.idx.msk [tilespmem:v51+s25+$0x0], $0xffff  }
0x30e: {  	v42 =	vor.u32 s7, v0;
	v27 =	vshll.u32 v24, $0x7  }
0x30f: {  	v43 =	vor.u32 v42, v27;
	_ =	sdelay $0x3  }
0x310: {  	v42 =	vshll.u32 v42, $0x7  }
0x311: {  	v44 =	vor.u32 s7, v1;
	v42 =	vor.u32 v24, v42;
	v43 =	vld.idx.msk [tilespmem:v43+s25+$0x0], $0xffff  }
0x312: {  	v45 =	vor.u32 v44, v27;
	_ =	sdelay $0x3  }
0x313: {  	v53 =	vshll.u32 v44, $0x7;
	[tilespmem:v42+s19+$0x0] =	vst.idx.msk $0xffff, v43  }
0x314: {  	v54 =	vor.u32 s7, v2;
	v42 =	vor.u32 v24, v53;
	v43 =	vld.idx.msk [tilespmem:v45+s25+$0x0], $0xffff  }
0x315: {  	v55 =	vor.u32 v54, v27;
	_ =	sdelay $0x3  }
0x316: {  	v56 =	vshll.u32 v54, $0x7;
	[tilespmem:v42+s19+$0x0] =	vst.idx.msk $0xffff, v43  }
0x317: {  	v57 =	vor.u32 v40, v23;
	v59 =	vor.u32 s7, v3;
	v42 =	vor.u32 v24, v56;
	v58 =	vld.idx.msk [tilespmem:v55+s25+$0x0], $0xffff  }
0x318: {  	v46 =	vor.u32 v59, v27;
	_ =	sdelay $0x2  }
0x319: {  	v60 =	vshll.u32 v40, $0x7;
	[tilespmem:v41+s19+$0x0] =	vst.idx.msk $0xffff, v39  }
0x31a: {  	v62 =	vor.u32 s14, v4;
	v63 =	vshll.u32 v59, $0x7;
	v39 =	vor.u32 v22, v60;
	v61 =	vld.idx.msk [tilespmem:v57+s25+$0x0], $0xffff;
	[tilespmem:v42+s19+$0x0] =	vst.idx.msk $0xffff, v58  }
0x31b: {  	v49 =	vor.u32 s7, v4;
	v48 =	vor.u32 v62, v23;
	v42 =	vor.u32 v24, v63;
	v44 =	vld.idx.msk [tilespmem:v46+s25+$0x0], $0xffff  }
0x31c: {  	v50 =	vor.u32 v49, v27;
	_ =	sdelay $0x2  }
0x31d: {  	v51 =	vshll.u32 v62, $0x7;
	[tilespmem:v39+s19+$0x0] =	vst.idx.msk $0xffff, v61  }
0x31e: {  	v52 =	vor.u32 s14, v5;
	v54 =	vshll.u32 v49, $0x7;
	v39 =	vor.u32 v22, v51;
	v53 =	vld.idx.msk [tilespmem:v48+s25+$0x0], $0xffff;
	[tilespmem:v42+s19+$0x0] =	vst.idx.msk $0xffff, v44  }
0x31f: {  	v56 =	vor.u32 s7, v5;
	v55 =	vor.u32 v52, v23;
	v42 =	vor.u32 v24, v54;
	v57 =	vld.idx.msk [tilespmem:v50+s25+$0x0], $0xffff  }
0x320: {  	v58 =	vor.u32 v56, v27;
	_ =	sdelay $0x2  }
0x321: {  	v59 =	vshll.u32 v52, $0x7;
	[tilespmem:v39+s19+$0x0] =	vst.idx.msk $0xffff, v53  }
0x322: {  	v60 =	vor.u32 s14, v7;
	v39 =	vor.u32 v22, v59;
	v61 =	vshll.u32 v56, $0x7;
	v41 =	vld.idx.msk [tilespmem:v55+s25+$0x0], $0xffff;
	[tilespmem:v42+s19+$0x0] =	vst.idx.msk $0xffff, v57  }
0x323: {  	v62 =	vor.u32 v60, v23;
	v63 =	vor.u32 s7, v7;
	v42 =	vor.u32 v24, v61;
	v45 =	vld.idx.msk [tilespmem:v58+s25+$0x0], $0xffff  }
0x324: {  	v48 =	vor.u32 v63, v27  }
0x325: {  	v34 =	vshll.u32 v34, $0x7  }
0x326: {  	[tilespmem:v37+s19+$0x0] =	vst.idx.msk $0xffff, v35;
	v34 =	vor.u32 v20, v34;
	v51 =	vshll.u32 v60, $0x7  }
0x327: {  	v49 =	vor.u32 s1, v8;
	v35 =	vld.idx.msk [tilespmem:v36+s25+$0x0], $0xffff;
	[tilespmem:v39+s19+$0x0] =	vst.idx.msk $0xffff, v41;
	v39 =	vor.u32 v22, v51  }
0x328: {  	v53 =	vor.u32 s14, v8;
	v52 =	vld.idx.msk [tilespmem:v62+s25+$0x0], $0xffff;
	v54 =	vshll.u32 v63, $0x7;
	v50 =	vor.u32 v49, v21;
	[tilespmem:v42+s19+$0x0] =	vst.idx.msk $0xffff, v45  }
0x329: {  	v55 =	vor.u32 v53, v23;
	v57 =	vor.u32 s7, v8;
	v42 =	vor.u32 v24, v54;
	v56 =	vld.idx.msk [tilespmem:v48+s25+$0x0], $0xffff  }
0x32a: {  	v58 =	vor.u32 v57, v27;
	_ =	sdelay $0x1  }
0x32b: {  	[tilespmem:v34+s19+$0x0] =	vst.idx.msk $0xffff, v35;
	v60 =	vor.u32 s1, v6;
	v59 =	vshll.u32 v49, $0x7;
	v62 =	vshll.u32 v53, $0x7  }
0x32c: {  	v34 =	vor.u32 v20, v59;
	[tilespmem:v39+s19+$0x0] =	vst.idx.msk $0xffff, v52;
	v39 =	vor.u32 v22, v62;
	v35 =	vld.idx.msk [tilespmem:v50+s25+$0x0], $0xffff  }
0x32d: {  	v63 =	vor.u32 s14, v6;
	v61 =	vor.u32 v60, v21;
	v40 =	vld.idx.msk [tilespmem:v55+s25+$0x0], $0xffff;
	v48 =	vshll.u32 v57, $0x7;
	[tilespmem:v42+s19+$0x0] =	vst.idx.msk $0xffff, v56  }
0x32e: {  	v49 =	vor.u32 v63, v23;
	v50 =	vor.u32 s7, v6;
	v42 =	vor.u32 v24, v48;
	v44 =	vld.idx.msk [tilespmem:v58+s25+$0x0], $0xffff  }
0x32f: {  	v51 =	vor.u32 v50, v27  }
0x330: {  	[tilespmem:v32+s19+$0x0] =	vst.idx.msk $0xffff, v29;
	v31 =	vshll.u32 v31, $0x7;
	v53 =	vshll.u32 v60, $0x7;
	v52 =	vor.u32 v16, v38  }
0x331: {  	v59 =	vor.u32 s14, v9;
	v60 =	vshll.u32 v50, $0x7;
	[tilespmem:v34+s19+$0x0] =	vst.idx.msk $0xffff, v35;
	v34 =	vor.u32 v20, v53  }
0x332: {  	[tilespmem:v39+s19+$0x0] =	vst.idx.msk $0xffff, v40;
	v54 =	vor.u32 v28, v17;
	v55 =	vld.idx.msk [tilespmem:v61+s25+$0x0], $0xffff;
	v56 =	vor.u32 s1, v9;
	v58 =	vshll.u32 v63, $0x7  }
0x333: {  	v40 =	vld.idx.msk [tilespmem:v49+s25+$0x0], $0xffff;
	v57 =	vor.u32 v56, v21;
	v39 =	vor.u32 v22, v58;
	[tilespmem:v42+s19+$0x0] =	vst.idx.msk $0xffff, v44  }
0x334: {  	v62 =	vor.u32 s7, v9;
	v61 =	vor.u32 v59, v23;
	v42 =	vor.u32 v24, v60;
	v29 =	vld.idx.msk [tilespmem:v51+s25+$0x0], $0xffff  }
0x335: {  	v46 =	vor.u32 v62, v27;
	[tilespmem:v52+s19+$0x0] =	vst.idx.msk $0xffff, v30;
	v52 =	vor.u32 s1, v10;
	v49 =	vshll.u32 v28, $0x7  }
0x336: {  	v33 =	vld.idx.msk [tilespmem:v33+s25+$0x0], $0xffff;
	v31 =	vor.u32 v18, v31;
	v53 =	vor.u32 v52, v21;
	v28 =	vor.u32 v16, v49  }
0x337: {  	v35 =	vld.idx.msk [tilespmem:v54+s25+$0x0], $0xffff;
	[tilespmem:v34+s19+$0x0] =	vst.idx.msk $0xffff, v55;
	v54 =	vshll.u32 v59, $0x7;
	v63 =	vor.u32 s3, v10;
	v48 =	vshll.u32 v56, $0x7  }
0x338: {  	v47 =	vor.u32 v63, v19;
	v50 =	vld.idx.msk [tilespmem:v57+s25+$0x0], $0xffff;
	v51 =	vor.u32 v20, v48;
	[tilespmem:v39+s19+$0x0] =	vst.idx.msk $0xffff, v40  }
0x339: {  	v37 =	vor.u32 v22, v54;
	v56 =	vor.u32 s14, v10;
	v57 =	vshll.u32 v62, $0x7;
	v55 =	vld.idx.msk [tilespmem:v61+s25+$0x0], $0xffff;
	[tilespmem:v42+s19+$0x0] =	vst.idx.msk $0xffff, v29  }
0x33a: {  	v59 =	vor.u32 s7, v10;
	v58 =	vor.u32 v56, v23;
	v29 =	vor.u32 v24, v57;
	v30 =	vld.idx.msk [tilespmem:v46+s25+$0x0], $0xffff  }
0x33b: {  	[tilespmem:v31+s19+$0x0] =	vst.idx.msk $0xffff, v33;
	v34 =	vshll.u32 v52, $0x7;
	v49 =	vshll.u32 v56, $0x7;
	v62 =	vor.u32 v59, v27  }
0x33c: {  	v31 =	vor.u32 v20, v34;
	[tilespmem:v28+s19+$0x0] =	vst.idx.msk $0xffff, v35;
	v35 =	vor.u32 v22, v49;
	v60 =	vshll.u32 v63, $0x7  }
0x33d: {  	v32 =	vld.idx.msk [tilespmem:v47+s25+$0x0], $0xffff;
	v61 =	vor.u32 s3, v11;
	v42 =	vor.u32 v18, v60;
	[tilespmem:v51+s19+$0x0] =	vst.idx.msk $0xffff, v50  }
0x33e: {  	v43 =	vor.u32 s4, v14;
	v47 =	vor.u32 s1, v11;
	v63 =	vor.u32 v61, v19;
	v46 =	vld.idx.msk [tilespmem:v53+s25+$0x0], $0xffff;
	[tilespmem:v37+s19+$0x0] =	vst.idx.msk $0xffff, v55  }
0x33f: {  	v52 =	vshll.u32 v59, $0x7;
	v48 =	vor.u32 v47, v21;
	v51 =	vor.u32 s14, v11;
	v50 =	vld.idx.msk [tilespmem:v58+s25+$0x0], $0xffff;
	[tilespmem:v29+s19+$0x0] =	vst.idx.msk $0xffff, v30  }
0x340: {  	v53 =	vor.u32 v51, v23;
	v55 =	vor.u32 s7, v11;
	v29 =	vor.u32 v24, v52;
	v54 =	vld.idx.msk [tilespmem:v62+s25+$0x0], $0xffff  }
0x341: {  	v59 =	vor.u32 s3, v12;
	v60 =	vshll.u32 v47, $0x7;
	v57 =	vor.u32 v55, v27  }
0x342: {  	v56 =	vshll.u32 v61, $0x7;
	v61 =	vor.u32 v59, v19;
	v28 =	vor.u32 v20, v60;
	[tilespmem:v42+s19+$0x0] =	vst.idx.msk $0xffff, v32  }
0x343: {  	v45 =	vor.u32 s4, v15;
	v32 =	vor.u32 v18, v56;
	v58 =	vld.idx.msk [tilespmem:v63+s25+$0x0], $0xffff;
	[tilespmem:v31+s19+$0x0] =	vst.idx.msk $0xffff, v46;
	v63 =	vor.u32 s1, v12  }
0x344: {  	v49 =	vshll.u32 v51, $0x7;
	v60 =	vor.u32 s1, v13;
	v62 =	vld.idx.msk [tilespmem:v48+s25+$0x0], $0xffff;
	v48 =	vor.u32 v63, v21;
	[tilespmem:v35+s19+$0x0] =	vst.idx.msk $0xffff, v50  }
0x345: {  	v51 =	vshll.u32 v55, $0x7;
	v35 =	vor.u32 v22, v49;
	v50 =	vor.u32 s14, v12;
	v30 =	vld.idx.msk [tilespmem:v53+s25+$0x0], $0xffff;
	[tilespmem:v29+s19+$0x0] =	vst.idx.msk $0xffff, v54  }
0x346: {  	v52 =	vor.u32 v50, v23;
	v53 =	vor.u32 s7, v12;
	v29 =	vor.u32 v24, v51;
	v38 =	vld.idx.msk [tilespmem:v57+s25+$0x0], $0xffff  }
0x347: {  	v55 =	vshll.u32 v59, $0x7;
	v49 =	vor.u32 s7, v13;
	v56 =	vor.u32 v53, v27  }
0x348: {  	[tilespmem:v32+s19+$0x0] =	vst.idx.msk $0xffff, v58;
	v32 =	vor.u32 v18, v55;
	v58 =	vshll.u32 v63, $0x7;
	v54 =	vor.u32 v43, v17  }
0x349: {  	v47 =	vshll.u32 v53, $0x7;
	v31 =	vld.idx.msk [tilespmem:v61+s25+$0x0], $0xffff;
	[tilespmem:v28+s19+$0x0] =	vst.idx.msk $0xffff, v62;
	v28 =	vor.u32 v20, v58;
	v57 =	vor.u32 s3, v13  }
0x34a: {  	v63 =	vor.u32 s14, v13;
	v62 =	vshll.u32 v50, $0x7;
	v44 =	vld.idx.msk [tilespmem:v48+s25+$0x0], $0xffff;
	[tilespmem:v35+s19+$0x0] =	vst.idx.msk $0xffff, v30;
	v59 =	vor.u32 v57, v19  }
0x34b: {  	v61 =	vor.u32 v60, v21;
	v35 =	vor.u32 v22, v62;
	v37 =	vld.idx.msk [tilespmem:v52+s25+$0x0], $0xffff;
	[tilespmem:v29+s19+$0x0] =	vst.idx.msk $0xffff, v38  }
0x34c: {  	v53 =	vshll.u32 v60, $0x7;
	v48 =	vor.u32 v63, v23;
	v29 =	vor.u32 v24, v47;
	v41 =	vld.idx.msk [tilespmem:v56+s25+$0x0], $0xffff  }
0x34d: {  	v55 =	vor.u32 s1, v14;
	v51 =	vor.u32 v49, v27;
	v36 =	vshll.u32 v63, $0x7  }
0x34e: {  	v43 =	vshll.u32 v43, $0x7;
	v36 =	vor.u32 v22, v36;
	v50 =	vshll.u32 v57, $0x7;
	v40 =	vld.idx.msk [tilespmem:v54+s25+$0x0], $0xffff;
	[tilespmem:v32+s19+$0x0] =	vst.idx.msk $0xffff, v31  }
0x34f: {  	v58 =	vshll.u32 v49, $0x7;
	v52 =	vor.u32 s3, v14;
	v31 =	vor.u32 v18, v50;
	[tilespmem:v28+s19+$0x0] =	vst.idx.msk $0xffff, v44;
	v33 =	vld.idx.msk [tilespmem:v59+s25+$0x0], $0xffff  }
0x350: {  	v54 =	vor.u32 v52, v19;
	v28 =	vor.u32 v20, v53;
	v30 =	vld.idx.msk [tilespmem:v61+s25+$0x0], $0xffff;
	[tilespmem:v35+s19+$0x0] =	vst.idx.msk $0xffff, v37  }
0x351: {  	v60 =	vor.u32 s7, v14;
	v57 =	vor.u32 s14, v14;
	v56 =	vor.u32 v55, v21;
	v38 =	vld.idx.msk [tilespmem:v48+s25+$0x0], $0xffff;
	[tilespmem:v29+s19+$0x0] =	vst.idx.msk $0xffff, v41  }
0x352: {  	v17 =	vor.u32 v45, v17;
	v59 =	vor.u32 v57, v23;
	v29 =	vor.u32 v24, v58;
	v32 =	vld.idx.msk [tilespmem:v51+s25+$0x0], $0xffff  }
0x353: {  	v43 =	vor.u32 v16, v43;
	v62 =	vor.u32 v60, v27;
	v63 =	vor.u32 s3, v15  }
0x354: {  	v46 =	vor.u32 v63, v19;
	v50 =	vshll.u32 v57, $0x7;
	v61 =	vshll.u32 v52, $0x7;
	[tilespmem:v31+s19+$0x0] =	vst.idx.msk $0xffff, v33  }
0x355: {  	v47 =	vor.u32 s1, v15;
	v48 =	vshll.u32 v55, $0x7;
	v31 =	vor.u32 v18, v61;
	[tilespmem:v28+s19+$0x0] =	vst.idx.msk $0xffff, v30;
	v34 =	vld.idx.msk [tilespmem:v54+s25+$0x0], $0xffff  }
0x356: {  	v49 =	vor.u32 v47, v21;
	v30 =	vor.u32 v20, v48;
	v35 =	vld.idx.msk [tilespmem:v56+s25+$0x0], $0xffff;
	[tilespmem:v36+s19+$0x0] =	vst.idx.msk $0xffff, v38  }
0x357: {  	v52 =	vshll.u32 v60, $0x7;
	v51 =	vor.u32 s14, v15;
	v36 =	vor.u32 v22, v50;
	v38 =	vld.idx.msk [tilespmem:v59+s25+$0x0], $0xffff;
	[tilespmem:v29+s19+$0x0] =	vst.idx.msk $0xffff, v32  }
0x358: {  	v54 =	vor.u32 s7, v15;
	v53 =	vor.u32 v51, v23;
	v29 =	vor.u32 v24, v52;
	v33 =	vld.idx.msk [tilespmem:v62+s25+$0x0], $0xffff  }
0x359: {  	v55 =	vshll.u32 v45, $0x7;
	[tilespmem:v43+s19+$0x0] =	vst.idx.msk $0xffff, v40;
	v27 =	vor.u32 v54, v27  }
0x35a: {  	v16 =	vor.u32 v16, v55;
	v17 =	vld.idx.msk [tilespmem:v17+s25+$0x0], $0xffff;
	v56 =	vshll.u32 v63, $0x7;
	[tilespmem:v31+s19+$0x0] =	vst.idx.msk $0xffff, v34  }
0x35b: {  	v28 =	vshll.u32 v47, $0x7;
	v57 =	vor.u32 v18, v56;
	[tilespmem:v30+s19+$0x0] =	vst.idx.msk $0xffff, v35;
	v19 =	vld.idx.msk [tilespmem:v46+s25+$0x0], $0xffff  }
0x35c: {  	v58 =	vor.u32 v20, v28;
	v59 =	vshll.u32 v51, $0x7;
	v21 =	vld.idx.msk [tilespmem:v49+s25+$0x0], $0xffff;
	[tilespmem:v36+s19+$0x0] =	vst.idx.msk $0xffff, v38  }
0x35d: {  	v61 =	vshll.u32 v54, $0x7;
	v60 =	vor.u32 v22, v59;
	v23 =	vld.idx.msk [tilespmem:v53+s25+$0x0], $0xffff;
	[tilespmem:v29+s19+$0x0] =	vst.idx.msk $0xffff, v33  }
0x35e: {  	[tilespmem:v26+s19+$0x0] =	vst.idx.msk $0xffff, v25;
	v63 =	vor.u32 v24, v61;
	v62 =	vld.idx.msk [tilespmem:v27+s25+$0x0], $0xffff  }
0x35f: {  	[tilespmem:v16+s19+$0x0] =	vst.idx.msk $0xffff, v17  }
0x360: {  	[tilespmem:v57+s19+$0x0] =	vst.idx.msk $0xffff, v19  }
0x361: {  	[tilespmem:v58+s19+$0x0] =	vst.idx.msk $0xffff, v21  }
0x362: {  	[tilespmem:v60+s19+$0x0] =	vst.idx.msk $0xffff, v23  }
0x363: {  	[tilespmem:v63+s19+$0x0] =	vst.idx.msk $0xffff, v62  }
.Ltmp8:
0x364: {  	s31 =	rddreg [dreg:$0x7];
	(pc) =	sbr.rel .LBB2_13-.Ltmp8, $4  }
0x365: {  	[hbm4b:s31+s5] =	stream.linear.scatter [tilespmem:s19], [sflag:$0x5], $0x2000, $0x38;
	[tilespmem:$0xE000] =	vst v63  }
0x366: {  	_ =	swait.ge [sflag:s26], $0x2000  }
0x367: {  	[sflag:s26] =	ssyncset.done $0x0  }
0x368: {  	[sflag:s26] =	ssyncadd.s32 $0xFFFFE000  }
.LBB2_14:
0x369: {  	_ =	sfence.sel $0x180000  }
0x36a: {  	[bflag:$0x0] =	sbarrier.arrive $0xFFFF  }
0x36b: {  	_ =	strace $0x90000047  }
0x36c: {  	s0 =	stileid.u32;
	[bflag:$0x2] =	sbarrier.arrive $0xFFFF  }
0x36d: {  	p0 =	sne.s32 s0, $0x0;
	s0 =	rddreg [dreg:$0x3]  }
0x36e: {  	s0 =	sadd.s32 @!p0 $0x100000, s0  }
0x36f: {  	[sflag:s0] =	ssyncadd.tile.s32 @!p0 $0x1;
	_ =	shalt  }
.Lfunc_end2:
_tile_overlayer_lowered:
.L_overlay_start_2:
0x370: {  	(tag) =	ssettag $0x2  }
0x371: {  	s0 =	rddreg [dreg:$0x0];
	s2 =	stileid.u32  }
0x372: {  	s1 =	rddreg [dreg:$0x1];
	p0 =	sne.s32 s2, $0x0  }
0x373: {  	s3 =	rddreg [dreg:$0x2];
	[bflag:$0x3] =	sbarrier.arrive $0xFFFF;
	s2 =	simm.s32 @!p0 $0x1C05  }
0x374: {  	[timem:s3], [sflag:s2] =	dma.local @!p0 [hbm:s0], s1  }
0x375: {  	s0 =	simm.s32 @!p0 $0x5  }
0x376: {  	_ =	swait.ge @!p0 [sflag:s0], s1  }
0x377: {  	s1 =	ssub.s32 @!p0 $0x0, s1;
	[sflag:s0] =	ssyncset.done @!p0 $0x0  }
0x378: {  	[sflag:s0] =	ssyncadd.s32 @!p0 s1  }
0x379: {  	[bflag:$0x3] =	sbarrier.arrive $0xFFFF  }
0x37a: {  	_ =	shalt  }

</sc_bundles>
